<compile_context>
chip_gen: v7x
topology: tpu7x:2x2x1
jax: 0.10.2.dev20260603
libtpu: 0.0.44.dev20260713+nightly
codegen_flags: <defaults>
</compile_context>

<pallas_src>
import functools

import jax
import jax.numpy as jnp
from jax import lax
from jax.experimental import pallas as pl
from jax.experimental.pallas import tpu as pltpu
from jax.experimental.pallas import tpu_sc as plsc

D0 = 64
D1 = 32
N = 4096
K = 128
NCHUNK = N // K
NV = K // 16

_NUM_TILES = 32
GROUPS_PER_TILE = 8
GROUP_ROWS = 8


def _rev16(v):
  return lax.rev(v, (0,))


def _vsort(v):
  return lax.sort(v, dimension=0, is_stable=False)


def _clean_asc(c):
  m = len(c)
  if m == 1:
    return [_vsort(c[0])]
  h = m // 2
  lo = [jnp.minimum(c[i], c[i + h]) for i in range(h)]
  hi = [jnp.maximum(c[i], c[i + h]) for i in range(h)]
  return _clean_asc(lo) + _clean_asc(hi)


def _build_run(vecs, sign):
  n = len(vecs)
  if n == 1:
    v = vecs[0] if sign > 0 else -vecs[0]
    return [_vsort(v)]
  h = n // 2
  left = _build_run(vecs[:h], sign)
  right = _build_run(vecs[h:], -sign)
  return _clean_asc(left + [-x for x in right])


def _prune_merge(acc, run_neg):
  hi = [jnp.maximum(acc[i], -run_neg[i]) for i in range(NV)]
  return _clean_asc(hi)


def _row_topk2(row_ref, buf, jj):

  def load_chunk(dj, c):
    off = c * K
    return [
        row_ref[buf, jj + dj, pl.ds(off + i * 16, 16)] for i in range(NV)
    ]

  acc_a = _build_run(load_chunk(0, 0), 1)
  acc_b = _build_run(load_chunk(1, 0), 1)

  def chunk_body(c, carry):
    acc_a, acc_b = list(carry[0]), list(carry[1])
    acc_a = _prune_merge(acc_a, _build_run(load_chunk(0, c), -1))
    acc_b = _prune_merge(acc_b, _build_run(load_chunk(1, c), -1))
    return tuple(acc_a), tuple(acc_b)

  acc_a, acc_b = lax.fori_loop(
      1, NCHUNK, chunk_body, (tuple(acc_a), tuple(acc_b)), unroll=False
  )
  return list(acc_a), list(acc_b)


def _group_slice(x_hbm, wid, g):
  i = 2 * wid + g // 4
  j0 = (g % 4) * GROUP_ROWS
  return x_hbm.at[i, pl.ds(j0, GROUP_ROWS)]


def _sc_kernel_body(x_hbm, out_hbm, row_v, out_v, in_sem):
  wid = lax.axis_index("s") * 2 + lax.axis_index("c")

  pltpu.make_async_copy(
      _group_slice(x_hbm, wid, 0), row_v.at[0], in_sem
  ).start()

  def group_body(g, _):
    buf = lax.rem(g, 2)

    @pl.when(g < GROUPS_PER_TILE - 1)
    def _():
      pltpu.make_async_copy(
          _group_slice(x_hbm, wid, g + 1), row_v.at[1 - buf], in_sem
      ).start()

    pltpu.make_async_copy(
        _group_slice(x_hbm, wid, g), row_v.at[buf], in_sem
    ).wait()

    def row_body(p):
      jj = 2 * p
      acc_a, acc_b = _row_topk2(row_v, buf, jj)
      for dj, acc in ((0, acc_a), (1, acc_b)):
        r = g * GROUP_ROWS + jj + dj
        i_loc = r // D1
        j = lax.rem(r, D1)
        for l in range(NV):
          out_v[i_loc, j, pl.ds(l * 16, 16)] = _rev16(acc[NV - 1 - l])

    plsc.parallel_loop(0, GROUP_ROWS // 2)(row_body)
    return 0

  lax.fori_loop(0, GROUPS_PER_TILE, group_body, 0, unroll=False)

  pltpu.sync_copy(out_v, out_hbm.at[pl.ds(2 * wid, 2)])


_mesh = plsc.VectorSubcoreMesh(core_axis_name="c", subcore_axis_name="s")

_topk_call = functools.partial(
    pl.kernel,
    out_type=jax.ShapeDtypeStruct((D0, D1, K), jnp.float32),
    mesh=_mesh,
    compiler_params=pltpu.CompilerParams(
        needs_layout_passes=False, use_tc_tiling_on_sc=True
    ),
    scratch_types=[
        pltpu.VMEM((2, GROUP_ROWS, N), jnp.float32),
        pltpu.VMEM((2, D1, K), jnp.float32),
        pltpu.SemaphoreType.DMA,
    ],
)(_sc_kernel_body)


@jax.jit
def kernel(x):
  return _topk_call(x)

# --- scband reference (transcript-rebuilt; emitter-appended) ---
"""Pipeline reference for scband-top-klayer-15530601742892 (READ-ONLY COPY).

The authoritative reference and input builder live on the scoring server;
editing this copy changes nothing except your own understanding.
"""

import jax, jax.numpy as jnp
import numpy as np

TOPK = 128

def setup_inputs(seed: int = 0) -> dict:
    key = jax.random.key(seed)
    x = jax.random.normal(key, (64, 32, 4096), dtype=jnp.float32)
    return {"x": x}

def reference(x):
    # Faithful translation of K.tf.nn.top_k(x, k=topk, sorted=True)[0]
    vals, _ = jax.lax.top_k(x, TOPK)
    return vals

if __name__ == "__main__":
    import jax
    _d = setup_inputs()
    print(jax.jit(kernel)(*tuple(_d.values())))

</pallas_src>

<mosaic_0001>
#map = affine_map<(d0, d1) -> (0, 0, 0)>
module attributes {stable_mosaic.version = 14 : i64} {
  func.func @_sc_kernel_body(%arg0: i32, %arg1: i32, %arg2: memref<64x32x4096xf32, #tpu.memory_space<hbm>>, %arg3: memref<64x32x128xf32, #tpu.memory_space<hbm>>, %arg4: memref<2x8x4096xf32, #tpu.memory_space<vmem>>, %arg5: memref<2x32x128xf32, #tpu.memory_space<vmem>>, %arg6: memref<!tpu.dma_semaphore, #tpu.memory_space<semaphore_mem>>) attributes {dimension_semantics = [#tpu.dimension_semantics<core_parallel>, #tpu.dimension_semantics<subcore_parallel>], iteration_bounds = array<i64: 2, 16>, scalar_prefetch = 0 : i64, scratch_operands = 3 : i64, tpu.core_type = #tpu.core_type<sc_vector_subcore>, window_params = [{transform_indices = #map}, {transform_indices = #map}]} {
    %mul3A = arith.constant 2 : i32
    %mul3A_0 = arith.muli %arg1, %mul3A : i32
    %add3A = arith.addi %mul3A_0, %arg0 : i32
    %mul3A_1 = arith.constant 2 : i32
    %mul3A_2 = arith.muli %mul3A_1, %add3A : i32
    %add3A_3 = arith.constant 0 : i32
    %add3A_4 = arith.addi %mul3A_2, %add3A_3 : i32
    %dma_start3A = arith.constant 0 : i32
    %dma_start3A_5 = arith.constant 0 : i32
    %dma_start3A_6 = arith.constant 0 : i32
    %dma_start3A_7 = tpu.memref_slice %arg4[%dma_start3A, %dma_start3A_5, %dma_start3A_6] : memref<2x8x4096xf32, #tpu.memory_space<vmem>> -> memref<1x8x4096xf32, #tpu.memory_space<vmem>>
    %dma_start3A_8 = tpu.memref_squeeze %dma_start3A_7 : memref<1x8x4096xf32, #tpu.memory_space<vmem>> -> memref<8x4096xf32, #tpu.memory_space<vmem>>
    %dma_start3A_9 = arith.constant 0 : i32
    %dma_start3A_10 = arith.constant 0 : i32
    %dma_start3A_11 = tpu.memref_slice %arg2[%add3A_4, %dma_start3A_9, %dma_start3A_10] : memref<64x32x4096xf32, #tpu.memory_space<hbm>> -> memref<1x8x4096xf32, #tpu.memory_space<hbm>>
    %dma_start3A_12 = tpu.memref_squeeze %dma_start3A_11 : memref<1x8x4096xf32, #tpu.memory_space<hbm>> -> memref<8x4096xf32, #tpu.memory_space<hbm>>
    %dma_start3A_13 = arith.constant 0 : i32
    %dma_start3A_14 = arith.constant 0 : i32
    %dma_start3A_15 = tpu.memref_slice %arg4[%dma_start3A, %dma_start3A_13, %dma_start3A_14] : memref<2x8x4096xf32, #tpu.memory_space<vmem>> -> memref<1x8x4096xf32, #tpu.memory_space<vmem>>
    %dma_start3A_16 = tpu.memref_squeeze %dma_start3A_15 : memref<1x8x4096xf32, #tpu.memory_space<vmem>> -> memref<8x4096xf32, #tpu.memory_space<vmem>>
    %dma_start3A_17 = arith.constant 0 : i32
    %dma_start3A_18 = arith.constant 0 : i32
    %dma_start3A_19 = tpu.memref_slice %arg2[%add3A_4, %dma_start3A_17, %dma_start3A_18] : memref<64x32x4096xf32, #tpu.memory_space<hbm>> -> memref<1x8x4096xf32, #tpu.memory_space<hbm>>
    %dma_start3A_20 = tpu.memref_squeeze %dma_start3A_19 : memref<1x8x4096xf32, #tpu.memory_space<hbm>> -> memref<8x4096xf32, #tpu.memory_space<hbm>>
    tpu.enqueue_dma source(%dma_start3A_20 : memref<8x4096xf32, #tpu.memory_space<hbm>>) target(%dma_start3A_16 : memref<8x4096xf32, #tpu.memory_space<vmem>>) target_semaphore(%arg6 : memref<!tpu.dma_semaphore, #tpu.memory_space<semaphore_mem>>)
    %scan3A = arith.constant 0 : i32
    %scan3A_21 = arith.constant 0 : i32
    %scan3A_22 = arith.constant 8 : i32
    %scan3A_23 = arith.addi %scan3A_21, %scan3A_22 : i32
    %scan3A_24 = arith.constant 1 : i32
    %scan3A_25 = scf.for %scan3A_29 = %scan3A_21 to %scan3A_23 step %scan3A_24 iter_args(%scan3A_30 = %scan3A) -> (i32)  : i32 {
      %rem3A = arith.constant 2 : i32
      %rem3A_31 = arith.remsi %scan3A_29, %rem3A : i32
      %lt3A = arith.constant 7 : i32
      %lt3A_32 = arith.cmpi slt, %scan3A_29, %lt3A : i32
      %convert_element_type3A = arith.extui %lt3A_32 : i1 to i32
      %cond3A = arith.constant 0 : i32
      %cond3A_33 = arith.cmpi ne, %convert_element_type3A, %cond3A : i32
      scf.if %cond3A_33 {
        %add3A_87 = arith.constant 1 : i32
        %add3A_88 = arith.addi %scan3A_29, %add3A_87 : i32
        %mul3A_89 = arith.constant 2 : i32
        %mul3A_90 = arith.muli %mul3A_89, %add3A : i32
        %jit3A_91 = arith.constant 4 : i32
        %div3A_92 = arith.divsi %add3A_88, %jit3A_91 : i32
        %sign3A_93 = arith.constant 0 : i32
        %sign3A_94 = arith.cmpi sgt, %add3A_88, %sign3A_93 : i32
        %sign3A_95 = arith.extui %sign3A_94 : i1 to i32
        %sign3A_96 = arith.constant 0 : i32
        %sign3A_97 = arith.cmpi slt, %add3A_88, %sign3A_96 : i32
        %sign3A_98 = arith.extui %sign3A_97 : i1 to i32
        %sign3A_99 = arith.subi %sign3A_95, %sign3A_98 : i32
        %sign3A_100 = arith.constant 0 : i32
        %sign3A_101 = arith.cmpi sgt, %jit3A_91, %sign3A_100 : i32
        %sign3A_102 = arith.extui %sign3A_101 : i1 to i32
        %sign3A_103 = arith.constant 0 : i32
        %sign3A_104 = arith.cmpi slt, %jit3A_91, %sign3A_103 : i32
        %sign3A_105 = arith.extui %sign3A_104 : i1 to i32
        %sign3A_106 = arith.subi %sign3A_102, %sign3A_105 : i32
        %ne3A_107 = arith.cmpi ne, %sign3A_99, %sign3A_106 : i32
        %rem3A_108 = arith.remsi %add3A_88, %jit3A_91 : i32
        %ne3A_109 = arith.constant 0 : i32
        %ne3A_110 = arith.cmpi ne, %rem3A_108, %ne3A_109 : i32
        %and3A_111 = arith.andi %ne3A_107, %ne3A_110 : i1
        %sub3A_112 = arith.constant 1 : i32
        %sub3A_113 = arith.subi %div3A_92, %sub3A_112 : i32
        %select_n3A_114 = arith.select %and3A_111, %sub3A_113, %div3A_92 : i32
        %add3A_115 = arith.addi %mul3A_90, %select_n3A_114 : i32
        %jit3A_116 = arith.constant 4 : i32
        %eq3A_117 = arith.constant 0 : i32
        %eq3A_118 = arith.cmpi eq, %jit3A_116, %eq3A_117 : i32
        %jit3A_119 = arith.constant 1 : i32
        %select_n3A_120 = arith.select %eq3A_118, %jit3A_119, %jit3A_116 : i32
        %rem3A_121 = arith.remsi %add3A_88, %select_n3A_120 : i32
        %ne3A_122 = arith.constant 0 : i32
        %ne3A_123 = arith.cmpi ne, %rem3A_121, %ne3A_122 : i32
        %lt3A_124 = arith.constant 0 : i32
        %lt3A_125 = arith.cmpi slt, %rem3A_121, %lt3A_124 : i32
        %lt3A_126 = arith.constant 0 : i32
        %lt3A_127 = arith.cmpi slt, %select_n3A_120, %lt3A_126 : i32
        %ne3A_128 = arith.xori %lt3A_125, %lt3A_127 : i1
        %and3A_129 = arith.andi %ne3A_128, %ne3A_123 : i1
        %add3A_130 = arith.addi %rem3A_121, %select_n3A_120 : i32
        %select_n3A_131 = arith.select %and3A_129, %add3A_130, %rem3A_121 : i32
        %mul3A_132 = arith.constant 8 : i32
        %mul3A_133 = arith.muli %select_n3A_131, %mul3A_132 : i32
        %sub3A_134 = arith.constant 1 : i32
        %sub3A_135 = arith.subi %sub3A_134, %rem3A_31 : i32
        %dma_start3A_136 = arith.constant 0 : i32
        %dma_start3A_137 = arith.constant 0 : i32
        %dma_start3A_138 = tpu.memref_slice %arg4[%sub3A_135, %dma_start3A_136, %dma_start3A_137] : memref<2x8x4096xf32, #tpu.memory_space<vmem>> -> memref<1x8x4096xf32, #tpu.memory_space<vmem>>
        %dma_start3A_139 = tpu.memref_squeeze %dma_start3A_138 : memref<1x8x4096xf32, #tpu.memory_space<vmem>> -> memref<8x4096xf32, #tpu.memory_space<vmem>>
        %dma_start3A_140 = arith.constant 0 : i32
        %dma_start3A_141 = tpu.memref_slice %arg2[%add3A_115, %mul3A_133, %dma_start3A_140] : memref<64x32x4096xf32, #tpu.memory_space<hbm>> -> memref<1x8x4096xf32, #tpu.memory_space<hbm>>
        %dma_start3A_142 = tpu.memref_squeeze %dma_start3A_141 : memref<1x8x4096xf32, #tpu.memory_space<hbm>> -> memref<8x4096xf32, #tpu.memory_space<hbm>>
        %dma_start3A_143 = arith.constant 0 : i32
        %dma_start3A_144 = arith.constant 0 : i32
        %dma_start3A_145 = tpu.memref_slice %arg4[%sub3A_135, %dma_start3A_143, %dma_start3A_144] : memref<2x8x4096xf32, #tpu.memory_space<vmem>> -> memref<1x8x4096xf32, #tpu.memory_space<vmem>>
        %dma_start3A_146 = tpu.memref_squeeze %dma_start3A_145 : memref<1x8x4096xf32, #tpu.memory_space<vmem>> -> memref<8x4096xf32, #tpu.memory_space<vmem>>
        %dma_start3A_147 = arith.constant 0 : i32
        %dma_start3A_148 = tpu.memref_slice %arg2[%add3A_115, %mul3A_133, %dma_start3A_147] : memref<64x32x4096xf32, #tpu.memory_space<hbm>> -> memref<1x8x4096xf32, #tpu.memory_space<hbm>>
        %dma_start3A_149 = tpu.memref_squeeze %dma_start3A_148 : memref<1x8x4096xf32, #tpu.memory_space<hbm>> -> memref<8x4096xf32, #tpu.memory_space<hbm>>
        tpu.enqueue_dma source(%dma_start3A_149 : memref<8x4096xf32, #tpu.memory_space<hbm>>) target(%dma_start3A_146 : memref<8x4096xf32, #tpu.memory_space<vmem>>) target_semaphore(%arg6 : memref<!tpu.dma_semaphore, #tpu.memory_space<semaphore_mem>>)
      } else {
      }
      %mul3A_34 = arith.constant 2 : i32
      %mul3A_35 = arith.muli %mul3A_34, %add3A : i32
      %jit3A = arith.constant 4 : i32
      %div3A = arith.divsi %scan3A_29, %jit3A : i32
      %sign3A = arith.constant 0 : i32
      %sign3A_36 = arith.cmpi sgt, %scan3A_29, %sign3A : i32
      %sign3A_37 = arith.extui %sign3A_36 : i1 to i32
      %sign3A_38 = arith.constant 0 : i32
      %sign3A_39 = arith.cmpi slt, %scan3A_29, %sign3A_38 : i32
      %sign3A_40 = arith.extui %sign3A_39 : i1 to i32
      %sign3A_41 = arith.subi %sign3A_37, %sign3A_40 : i32
      %sign3A_42 = arith.constant 0 : i32
      %sign3A_43 = arith.cmpi sgt, %jit3A, %sign3A_42 : i32
      %sign3A_44 = arith.extui %sign3A_43 : i1 to i32
      %sign3A_45 = arith.constant 0 : i32
      %sign3A_46 = arith.cmpi slt, %jit3A, %sign3A_45 : i32
      %sign3A_47 = arith.extui %sign3A_46 : i1 to i32
      %sign3A_48 = arith.subi %sign3A_44, %sign3A_47 : i32
      %ne3A = arith.cmpi ne, %sign3A_41, %sign3A_48 : i32
      %rem3A_49 = arith.remsi %scan3A_29, %jit3A : i32
      %ne3A_50 = arith.constant 0 : i32
      %ne3A_51 = arith.cmpi ne, %rem3A_49, %ne3A_50 : i32
      %and3A = arith.andi %ne3A, %ne3A_51 : i1
      %sub3A = arith.constant 1 : i32
      %sub3A_52 = arith.subi %div3A, %sub3A : i32
      %select_n3A = arith.select %and3A, %sub3A_52, %div3A : i32
      %add3A_53 = arith.addi %mul3A_35, %select_n3A : i32
      %jit3A_54 = arith.constant 4 : i32
      %eq3A = arith.constant 0 : i32
      %eq3A_55 = arith.cmpi eq, %jit3A_54, %eq3A : i32
      %jit3A_56 = arith.constant 1 : i32
      %select_n3A_57 = arith.select %eq3A_55, %jit3A_56, %jit3A_54 : i32
      %rem3A_58 = arith.remsi %scan3A_29, %select_n3A_57 : i32
      %ne3A_59 = arith.constant 0 : i32
      %ne3A_60 = arith.cmpi ne, %rem3A_58, %ne3A_59 : i32
      %lt3A_61 = arith.constant 0 : i32
      %lt3A_62 = arith.cmpi slt, %rem3A_58, %lt3A_61 : i32
      %lt3A_63 = arith.constant 0 : i32
      %lt3A_64 = arith.cmpi slt, %select_n3A_57, %lt3A_63 : i32
      %ne3A_65 = arith.xori %lt3A_62, %lt3A_64 : i1
      %and3A_66 = arith.andi %ne3A_65, %ne3A_60 : i1
      %add3A_67 = arith.addi %rem3A_58, %select_n3A_57 : i32
      %select_n3A_68 = arith.select %and3A_66, %add3A_67, %rem3A_58 : i32
      %mul3A_69 = arith.constant 8 : i32
      %mul3A_70 = arith.muli %select_n3A_68, %mul3A_69 : i32
      %dma_wait3A = arith.constant 0 : i32
      %dma_wait3A_71 = arith.constant 0 : i32
      %dma_wait3A_72 = tpu.memref_slice %arg4[%rem3A_31, %dma_wait3A, %dma_wait3A_71] : memref<2x8x4096xf32, #tpu.memory_space<vmem>> -> memref<1x8x4096xf32, #tpu.memory_space<vmem>>
      %dma_wait3A_73 = tpu.memref_squeeze %dma_wait3A_72 : memref<1x8x4096xf32, #tpu.memory_space<vmem>> -> memref<8x4096xf32, #tpu.memory_space<vmem>>
      %dma_wait3A_74 = arith.constant 0 : i32
      %dma_wait3A_75 = tpu.memref_slice %arg2[%add3A_53, %mul3A_70, %dma_wait3A_74] : memref<64x32x4096xf32, #tpu.memory_space<hbm>> -> memref<1x8x4096xf32, #tpu.memory_space<hbm>>
      %dma_wait3A_76 = tpu.memref_squeeze %dma_wait3A_75 : memref<1x8x4096xf32, #tpu.memory_space<hbm>> -> memref<8x4096xf32, #tpu.memory_space<hbm>>
      %dma_wait3A_77 = arith.constant 0 : i32
      %dma_wait3A_78 = arith.constant 0 : i32
      %dma_wait3A_79 = tpu.memref_slice %arg4[%rem3A_31, %dma_wait3A_77, %dma_wait3A_78] : memref<2x8x4096xf32, #tpu.memory_space<vmem>> -> memref<1x8x4096xf32, #tpu.memory_space<vmem>>
      %dma_wait3A_80 = tpu.memref_squeeze %dma_wait3A_79 : memref<1x8x4096xf32, #tpu.memory_space<vmem>> -> memref<8x4096xf32, #tpu.memory_space<vmem>>
      %dma_wait3A_81 = arith.constant 0 : i32
      %dma_wait3A_82 = tpu.memref_slice %arg2[%add3A_53, %mul3A_70, %dma_wait3A_81] : memref<64x32x4096xf32, #tpu.memory_space<hbm>> -> memref<1x8x4096xf32, #tpu.memory_space<hbm>>
      %dma_wait3A_83 = tpu.memref_squeeze %dma_wait3A_82 : memref<1x8x4096xf32, #tpu.memory_space<hbm>> -> memref<8x4096xf32, #tpu.memory_space<hbm>>
      tpu.wait_dma2 semaphore(%arg6 : memref<!tpu.dma_semaphore, #tpu.memory_space<semaphore_mem>>) src(%dma_wait3A_83 : memref<8x4096xf32, #tpu.memory_space<hbm>>) dst(%dma_wait3A_80 : memref<8x4096xf32, #tpu.memory_space<vmem>>)
      %parallel_loop3A = arith.constant 0 : i32
      %parallel_loop3A_84 = arith.constant 4 : i32
      %parallel_loop3A_85 = arith.constant 1 : i32
      scf.for %parallel_loop3A_87 = %parallel_loop3A to %parallel_loop3A_84 step %parallel_loop3A_85  : i32 {
        %parallel_loop3A_88 = arith.constant 2 : i32
        %parallel_loop3A_89 = arith.muli %parallel_loop3A_88, %parallel_loop3A_87 : i32
        %parallel_loop3A_90 = arith.constant 0 : i32
        %parallel_loop3A_91 = arith.addi %parallel_loop3A_89, %parallel_loop3A_90 : i32
        %parallel_loop3A_92 = arith.index_cast %rem3A_31 : i32 to index
        %parallel_loop3A_93 = arith.index_cast %parallel_loop3A_91 : i32 to index
        %parallel_loop3A_94 = arith.constant 0 : index
        %parallel_loop3A_95 = tpu.vector_load %arg4[%parallel_loop3A_92, %parallel_loop3A_93, %parallel_loop3A_94] {strides = array<i32>} : memref<2x8x4096xf32, #tpu.memory_space<vmem>>, vector<16xf32>,
        %parallel_loop3A_96 = arith.constant 0 : i32
        %parallel_loop3A_97 = arith.addi %parallel_loop3A_89, %parallel_loop3A_96 : i32
        %parallel_loop3A_98 = arith.index_cast %rem3A_31 : i32 to index
        %parallel_loop3A_99 = arith.index_cast %parallel_loop3A_97 : i32 to index
        %parallel_loop3A_100 = arith.constant 16 : index
        %parallel_loop3A_101 = tpu.vector_load %arg4[%parallel_loop3A_98, %parallel_loop3A_99, %parallel_loop3A_100] {strides = array<i32>} : memref<2x8x4096xf32, #tpu.memory_space<vmem>>, vector<16xf32>,
        %parallel_loop3A_102 = arith.constant 0 : i32
        %parallel_loop3A_103 = arith.addi %parallel_loop3A_89, %parallel_loop3A_102 : i32
        %parallel_loop3A_104 = arith.index_cast %rem3A_31 : i32 to index
        %parallel_loop3A_105 = arith.index_cast %parallel_loop3A_103 : i32 to index
        %parallel_loop3A_106 = arith.constant 32 : index
        %parallel_loop3A_107 = tpu.vector_load %arg4[%parallel_loop3A_104, %parallel_loop3A_105, %parallel_loop3A_106] {strides = array<i32>} : memref<2x8x4096xf32, #tpu.memory_space<vmem>>, vector<16xf32>,
        %parallel_loop3A_108 = arith.constant 0 : i32
        %parallel_loop3A_109 = arith.addi %parallel_loop3A_89, %parallel_loop3A_108 : i32
        %parallel_loop3A_110 = arith.index_cast %rem3A_31 : i32 to index
        %parallel_loop3A_111 = arith.index_cast %parallel_loop3A_109 : i32 to index
        %parallel_loop3A_112 = arith.constant 48 : index
        %parallel_loop3A_113 = tpu.vector_load %arg4[%parallel_loop3A_110, %parallel_loop3A_111, %parallel_loop3A_112] {strides = array<i32>} : memref<2x8x4096xf32, #tpu.memory_space<vmem>>, vector<16xf32>,
        %parallel_loop3A_114 = arith.constant 0 : i32
        %parallel_loop3A_115 = arith.addi %parallel_loop3A_89, %parallel_loop3A_114 : i32
        %parallel_loop3A_116 = arith.index_cast %rem3A_31 : i32 to index
        %parallel_loop3A_117 = arith.index_cast %parallel_loop3A_115 : i32 to index
        %parallel_loop3A_118 = arith.constant 64 : index
        %parallel_loop3A_119 = tpu.vector_load %arg4[%parallel_loop3A_116, %parallel_loop3A_117, %parallel_loop3A_118] {strides = array<i32>} : memref<2x8x4096xf32, #tpu.memory_space<vmem>>, vector<16xf32>,
        %parallel_loop3A_120 = arith.constant 0 : i32
        %parallel_loop3A_121 = arith.addi %parallel_loop3A_89, %parallel_loop3A_120 : i32
        %parallel_loop3A_122 = arith.index_cast %rem3A_31 : i32 to index
        %parallel_loop3A_123 = arith.index_cast %parallel_loop3A_121 : i32 to index
        %parallel_loop3A_124 = arith.constant 80 : index
        %parallel_loop3A_125 = tpu.vector_load %arg4[%parallel_loop3A_122, %parallel_loop3A_123, %parallel_loop3A_124] {strides = array<i32>} : memref<2x8x4096xf32, #tpu.memory_space<vmem>>, vector<16xf32>,
        %parallel_loop3A_126 = arith.constant 0 : i32
        %parallel_loop3A_127 = arith.addi %parallel_loop3A_89, %parallel_loop3A_126 : i32
        %parallel_loop3A_128 = arith.index_cast %rem3A_31 : i32 to index
        %parallel_loop3A_129 = arith.index_cast %parallel_loop3A_127 : i32 to index
        %parallel_loop3A_130 = arith.constant 96 : index
        %parallel_loop3A_131 = tpu.vector_load %arg4[%parallel_loop3A_128, %parallel_loop3A_129, %parallel_loop3A_130] {strides = array<i32>} : memref<2x8x4096xf32, #tpu.memory_space<vmem>>, vector<16xf32>,
        %parallel_loop3A_132 = arith.constant 0 : i32
        %parallel_loop3A_133 = arith.addi %parallel_loop3A_89, %parallel_loop3A_132 : i32
        %parallel_loop3A_134 = arith.index_cast %rem3A_31 : i32 to index
        %parallel_loop3A_135 = arith.index_cast %parallel_loop3A_133 : i32 to index
        %parallel_loop3A_136 = arith.constant 112 : index
        %parallel_loop3A_137 = tpu.vector_load %arg4[%parallel_loop3A_134, %parallel_loop3A_135, %parallel_loop3A_136] {strides = array<i32>} : memref<2x8x4096xf32, #tpu.memory_space<vmem>>, vector<16xf32>,
        %parallel_loop3A_138 = arith.constant dense<true> : vector<16xi1>
        %parallel_loop3A_139, %parallel_loop3A_140, %parallel_loop3A_141 = tpu.sort %parallel_loop3A_95, %parallel_loop3A_95 masked %parallel_loop3A_138 : (vector<16xf32>, vector<16xf32>, vector<16xi1>) -> (vector<16xi1>, vector<16xf32>, vector<16xf32>)
        %parallel_loop3A_142 = arith.constant 0.000000e+00 : f32
        %parallel_loop3A_143 = vector.broadcast %parallel_loop3A_142 : f32 to vector<16xf32>
        %parallel_loop3A_144 = arith.subf %parallel_loop3A_143, %parallel_loop3A_101 : vector<16xf32>
        %parallel_loop3A_145 = arith.constant dense<true> : vector<16xi1>
        %parallel_loop3A_146, %parallel_loop3A_147, %parallel_loop3A_148 = tpu.sort %parallel_loop3A_144, %parallel_loop3A_144 masked %parallel_loop3A_145 : (vector<16xf32>, vector<16xf32>, vector<16xi1>) -> (vector<16xi1>, vector<16xf32>, vector<16xf32>)
        %parallel_loop3A_149 = arith.constant 0.000000e+00 : f32
        %parallel_loop3A_150 = vector.broadcast %parallel_loop3A_149 : f32 to vector<16xf32>
        %parallel_loop3A_151 = arith.subf %parallel_loop3A_150, %parallel_loop3A_147 : vector<16xf32>
        %parallel_loop3A_152 = arith.minimumf %parallel_loop3A_140, %parallel_loop3A_151 : vector<16xf32>
        %parallel_loop3A_153 = arith.maximumf %parallel_loop3A_140, %parallel_loop3A_151 : vector<16xf32>
        %parallel_loop3A_154 = arith.constant dense<true> : vector<16xi1>
        %parallel_loop3A_155, %parallel_loop3A_156, %parallel_loop3A_157 = tpu.sort %parallel_loop3A_152, %parallel_loop3A_152 masked %parallel_loop3A_154 : (vector<16xf32>, vector<16xf32>, vector<16xi1>) -> (vector<16xi1>, vector<16xf32>, vector<16xf32>)
        %parallel_loop3A_158 = arith.constant dense<true> : vector<16xi1>
        %parallel_loop3A_159, %parallel_loop3A_160, %parallel_loop3A_161 = tpu.sort %parallel_loop3A_153, %parallel_loop3A_153 masked %parallel_loop3A_158 : (vector<16xf32>, vector<16xf32>, vector<16xi1>) -> (vector<16xi1>, vector<16xf32>, vector<16xf32>)
        %parallel_loop3A_162 = arith.constant 0.000000e+00 : f32
        %parallel_loop3A_163 = vector.broadcast %parallel_loop3A_162 : f32 to vector<16xf32>
        %parallel_loop3A_164 = arith.subf %parallel_loop3A_163, %parallel_loop3A_107 : vector<16xf32>
        %parallel_loop3A_165 = arith.constant dense<true> : vector<16xi1>
        %parallel_loop3A_166, %parallel_loop3A_167, %parallel_loop3A_168 = tpu.sort %parallel_loop3A_164, %parallel_loop3A_164 masked %parallel_loop3A_165 : (vector<16xf32>, vector<16xf32>, vector<16xi1>) -> (vector<16xi1>, vector<16xf32>, vector<16xf32>)
        %parallel_loop3A_169 = arith.constant dense<true> : vector<16xi1>
        %parallel_loop3A_170, %parallel_loop3A_171, %parallel_loop3A_172 = tpu.sort %parallel_loop3A_113, %parallel_loop3A_113 masked %parallel_loop3A_169 : (vector<16xf32>, vector<16xf32>, vector<16xi1>) -> (vector<16xi1>, vector<16xf32>, vector<16xf32>)
        %parallel_loop3A_173 = arith.constant 0.000000e+00 : f32
        %parallel_loop3A_174 = vector.broadcast %parallel_loop3A_173 : f32 to vector<16xf32>
        %parallel_loop3A_175 = arith.subf %parallel_loop3A_174, %parallel_loop3A_171 : vector<16xf32>
        %parallel_loop3A_176 = arith.minimumf %parallel_loop3A_167, %parallel_loop3A_175 : vector<16xf32>
        %parallel_loop3A_177 = arith.maximumf %parallel_loop3A_167, %parallel_loop3A_175 : vector<16xf32>
        %parallel_loop3A_178 = arith.constant dense<true> : vector<16xi1>
        %parallel_loop3A_179, %parallel_loop3A_180, %parallel_loop3A_181 = tpu.sort %parallel_loop3A_176, %parallel_loop3A_176 masked %parallel_loop3A_178 : (vector<16xf32>, vector<16xf32>, vector<16xi1>) -> (vector<16xi1>, vector<16xf32>, vector<16xf32>)
        %parallel_loop3A_182 = arith.constant dense<true> : vector<16xi1>
        %parallel_loop3A_183, %parallel_loop3A_184, %parallel_loop3A_185 = tpu.sort %parallel_loop3A_177, %parallel_loop3A_177 masked %parallel_loop3A_182 : (vector<16xf32>, vector<16xf32>, vector<16xi1>) -> (vector<16xi1>, vector<16xf32>, vector<16xf32>)
        %parallel_loop3A_186 = arith.constant 0.000000e+00 : f32
        %parallel_loop3A_187 = vector.broadcast %parallel_loop3A_186 : f32 to vector<16xf32>
        %parallel_loop3A_188 = arith.subf %parallel_loop3A_187, %parallel_loop3A_180 : vector<16xf32>
        %parallel_loop3A_189 = arith.constant 0.000000e+00 : f32
        %parallel_loop3A_190 = vector.broadcast %parallel_loop3A_189 : f32 to vector<16xf32>
        %parallel_loop3A_191 = arith.subf %parallel_loop3A_190, %parallel_loop3A_184 : vector<16xf32>
        %parallel_loop3A_192 = arith.minimumf %parallel_loop3A_156, %parallel_loop3A_188 : vector<16xf32>
        %parallel_loop3A_193 = arith.minimumf %parallel_loop3A_160, %parallel_loop3A_191 : vector<16xf32>
        %parallel_loop3A_194 = arith.maximumf %parallel_loop3A_156, %parallel_loop3A_188 : vector<16xf32>
        %parallel_loop3A_195 = arith.maximumf %parallel_loop3A_160, %parallel_loop3A_191 : vector<16xf32>
        %parallel_loop3A_196 = arith.minimumf %parallel_loop3A_192, %parallel_loop3A_193 : vector<16xf32>
        %parallel_loop3A_197 = arith.maximumf %parallel_loop3A_192, %parallel_loop3A_193 : vector<16xf32>
        %parallel_loop3A_198 = arith.constant dense<true> : vector<16xi1>
        %parallel_loop3A_199, %parallel_loop3A_200, %parallel_loop3A_201 = tpu.sort %parallel_loop3A_196, %parallel_loop3A_196 masked %parallel_loop3A_198 : (vector<16xf32>, vector<16xf32>, vector<16xi1>) -> (vector<16xi1>, vector<16xf32>, vector<16xf32>)
        %parallel_loop3A_202 = arith.constant dense<true> : vector<16xi1>
        %parallel_loop3A_203, %parallel_loop3A_204, %parallel_loop3A_205 = tpu.sort %parallel_loop3A_197, %parallel_loop3A_197 masked %parallel_loop3A_202 : (vector<16xf32>, vector<16xf32>, vector<16xi1>) -> (vector<16xi1>, vector<16xf32>, vector<16xf32>)
        %parallel_loop3A_206 = arith.minimumf %parallel_loop3A_194, %parallel_loop3A_195 : vector<16xf32>
        %parallel_loop3A_207 = arith.maximumf %parallel_loop3A_194, %parallel_loop3A_195 : vector<16xf32>
        %parallel_loop3A_208 = arith.constant dense<true> : vector<16xi1>
        %parallel_loop3A_209, %parallel_loop3A_210, %parallel_loop3A_211 = tpu.sort %parallel_loop3A_206, %parallel_loop3A_206 masked %parallel_loop3A_208 : (vector<16xf32>, vector<16xf32>, vector<16xi1>) -> (vector<16xi1>, vector<16xf32>, vector<16xf32>)
        %parallel_loop3A_212 = arith.constant dense<true> : vector<16xi1>
        %parallel_loop3A_213, %parallel_loop3A_214, %parallel_loop3A_215 = tpu.sort %parallel_loop3A_207, %parallel_loop3A_207 masked %parallel_loop3A_212 : (vector<16xf32>, vector<16xf32>, vector<16xi1>) -> (vector<16xi1>, vector<16xf32>, vector<16xf32>)
        %parallel_loop3A_216 = arith.constant 0.000000e+00 : f32
        %parallel_loop3A_217 = vector.broadcast %parallel_loop3A_216 : f32 to vector<16xf32>
        %parallel_loop3A_218 = arith.subf %parallel_loop3A_217, %parallel_loop3A_119 : vector<16xf32>
        %parallel_loop3A_219 = arith.constant dense<true> : vector<16xi1>
        %parallel_loop3A_220, %parallel_loop3A_221, %parallel_loop3A_222 = tpu.sort %parallel_loop3A_218, %parallel_loop3A_218 masked %parallel_loop3A_219 : (vector<16xf32>, vector<16xf32>, vector<16xi1>) -> (vector<16xi1>, vector<16xf32>, vector<16xf32>)
        %parallel_loop3A_223 = arith.constant dense<true> : vector<16xi1>
        %parallel_loop3A_224, %parallel_loop3A_225, %parallel_loop3A_226 = tpu.sort %parallel_loop3A_125, %parallel_loop3A_125 masked %parallel_loop3A_223 : (vector<16xf32>, vector<16xf32>, vector<16xi1>) -> (vector<16xi1>, vector<16xf32>, vector<16xf32>)
        %parallel_loop3A_227 = arith.constant 0.000000e+00 : f32
        %parallel_loop3A_228 = vector.broadcast %parallel_loop3A_227 : f32 to vector<16xf32>
        %parallel_loop3A_229 = arith.subf %parallel_loop3A_228, %parallel_loop3A_225 : vector<16xf32>
        %parallel_loop3A_230 = arith.minimumf %parallel_loop3A_221, %parallel_loop3A_229 : vector<16xf32>
        %parallel_loop3A_231 = arith.maximumf %parallel_loop3A_221, %parallel_loop3A_229 : vector<16xf32>
        %parallel_loop3A_232 = arith.constant dense<true> : vector<16xi1>
        %parallel_loop3A_233, %parallel_loop3A_234, %parallel_loop3A_235 = tpu.sort %parallel_loop3A_230, %parallel_loop3A_230 masked %parallel_loop3A_232 : (vector<16xf32>, vector<16xf32>, vector<16xi1>) -> (vector<16xi1>, vector<16xf32>, vector<16xf32>)
        %parallel_loop3A_236 = arith.constant dense<true> : vector<16xi1>
        %parallel_loop3A_237, %parallel_loop3A_238, %parallel_loop3A_239 = tpu.sort %parallel_loop3A_231, %parallel_loop3A_231 masked %parallel_loop3A_236 : (vector<16xf32>, vector<16xf32>, vector<16xi1>) -> (vector<16xi1>, vector<16xf32>, vector<16xf32>)
        %parallel_loop3A_240 = arith.constant dense<true> : vector<16xi1>
        %parallel_loop3A_241, %parallel_loop3A_242, %parallel_loop3A_243 = tpu.sort %parallel_loop3A_131, %parallel_loop3A_131 masked %parallel_loop3A_240 : (vector<16xf32>, vector<16xf32>, vector<16xi1>) -> (vector<16xi1>, vector<16xf32>, vector<16xf32>)
        %parallel_loop3A_244 = arith.constant 0.000000e+00 : f32
        %parallel_loop3A_245 = vector.broadcast %parallel_loop3A_244 : f32 to vector<16xf32>
        %parallel_loop3A_246 = arith.subf %parallel_loop3A_245, %parallel_loop3A_137 : vector<16xf32>
        %parallel_loop3A_247 = arith.constant dense<true> : vector<16xi1>
        %parallel_loop3A_248, %parallel_loop3A_249, %parallel_loop3A_250 = tpu.sort %parallel_loop3A_246, %parallel_loop3A_246 masked %parallel_loop3A_247 : (vector<16xf32>, vector<16xf32>, vector<16xi1>) -> (vector<16xi1>, vector<16xf32>, vector<16xf32>)
        %parallel_loop3A_251 = arith.constant 0.000000e+00 : f32
        %parallel_loop3A_252 = vector.broadcast %parallel_loop3A_251 : f32 to vector<16xf32>
        %parallel_loop3A_253 = arith.subf %parallel_loop3A_252, %parallel_loop3A_249 : vector<16xf32>
        %parallel_loop3A_254 = arith.minimumf %parallel_loop3A_242, %parallel_loop3A_253 : vector<16xf32>
        %parallel_loop3A_255 = arith.maximumf %parallel_loop3A_242, %parallel_loop3A_253 : vector<16xf32>
        %parallel_loop3A_256 = arith.constant dense<true> : vector<16xi1>
        %parallel_loop3A_257, %parallel_loop3A_258, %parallel_loop3A_259 = tpu.sort %parallel_loop3A_254, %parallel_loop3A_254 masked %parallel_loop3A_256 : (vector<16xf32>, vector<16xf32>, vector<16xi1>) -> (vector<16xi1>, vector<16xf32>, vector<16xf32>)
        %parallel_loop3A_260 = arith.constant dense<true> : vector<16xi1>
        %parallel_loop3A_261, %parallel_loop3A_262, %parallel_loop3A_263 = tpu.sort %parallel_loop3A_255, %parallel_loop3A_255 masked %parallel_loop3A_260 : (vector<16xf32>, vector<16xf32>, vector<16xi1>) -> (vector<16xi1>, vector<16xf32>, vector<16xf32>)
        %parallel_loop3A_264 = arith.constant 0.000000e+00 : f32
        %parallel_loop3A_265 = vector.broadcast %parallel_loop3A_264 : f32 to vector<16xf32>
        %parallel_loop3A_266 = arith.subf %parallel_loop3A_265, %parallel_loop3A_258 : vector<16xf32>
        %parallel_loop3A_267 = arith.constant 0.000000e+00 : f32
        %parallel_loop3A_268 = vector.broadcast %parallel_loop3A_267 : f32 to vector<16xf32>
        %parallel_loop3A_269 = arith.subf %parallel_loop3A_268, %parallel_loop3A_262 : vector<16xf32>
        %parallel_loop3A_270 = arith.minimumf %parallel_loop3A_234, %parallel_loop3A_266 : vector<16xf32>
        %parallel_loop3A_271 = arith.minimumf %parallel_loop3A_238, %parallel_loop3A_269 : vector<16xf32>
        %parallel_loop3A_272 = arith.maximumf %parallel_loop3A_234, %parallel_loop3A_266 : vector<16xf32>
        %parallel_loop3A_273 = arith.maximumf %parallel_loop3A_238, %parallel_loop3A_269 : vector<16xf32>
        %parallel_loop3A_274 = arith.minimumf %parallel_loop3A_270, %parallel_loop3A_271 : vector<16xf32>
        %parallel_loop3A_275 = arith.maximumf %parallel_loop3A_270, %parallel_loop3A_271 : vector<16xf32>
        %parallel_loop3A_276 = arith.constant dense<true> : vector<16xi1>
        %parallel_loop3A_277, %parallel_loop3A_278, %parallel_loop3A_279 = tpu.sort %parallel_loop3A_274, %parallel_loop3A_274 masked %parallel_loop3A_276 : (vector<16xf32>, vector<16xf32>, vector<16xi1>) -> (vector<16xi1>, vector<16xf32>, vector<16xf32>)
        %parallel_loop3A_280 = arith.constant dense<true> : vector<16xi1>
        %parallel_loop3A_281, %parallel_loop3A_282, %parallel_loop3A_283 = tpu.sort %parallel_loop3A_275, %parallel_loop3A_275 masked %parallel_loop3A_280 : (vector<16xf32>, vector<16xf32>, vector<16xi1>) -> (vector<16xi1>, vector<16xf32>, vector<16xf32>)
        %parallel_loop3A_284 = arith.minimumf %parallel_loop3A_272, %parallel_loop3A_273 : vector<16xf32>
        %parallel_loop3A_285 = arith.maximumf %parallel_loop3A_272, %parallel_loop3A_273 : vector<16xf32>
        %parallel_loop3A_286 = arith.constant dense<true> : vector<16xi1>
        %parallel_loop3A_287, %parallel_loop3A_288, %parallel_loop3A_289 = tpu.sort %parallel_loop3A_284, %parallel_loop3A_284 masked %parallel_loop3A_286 : (vector<16xf32>, vector<16xf32>, vector<16xi1>) -> (vector<16xi1>, vector<16xf32>, vector<16xf32>)
        %parallel_loop3A_290 = arith.constant dense<true> : vector<16xi1>
        %parallel_loop3A_291, %parallel_loop3A_292, %parallel_loop3A_293 = tpu.sort %parallel_loop3A_285, %parallel_loop3A_285 masked %parallel_loop3A_290 : (vector<16xf32>, vector<16xf32>, vector<16xi1>) -> (vector<16xi1>, vector<16xf32>, vector<16xf32>)
        %parallel_loop3A_294 = arith.constant 0.000000e+00 : f32
        %parallel_loop3A_295 = vector.broadcast %parallel_loop3A_294 : f32 to vector<16xf32>
        %parallel_loop3A_296 = arith.subf %parallel_loop3A_295, %parallel_loop3A_278 : vector<16xf32>
        %parallel_loop3A_297 = arith.constant 0.000000e+00 : f32
        %parallel_loop3A_298 = vector.broadcast %parallel_loop3A_297 : f32 to vector<16xf32>
        %parallel_loop3A_299 = arith.subf %parallel_loop3A_298, %parallel_loop3A_282 : vector<16xf32>
        %parallel_loop3A_300 = arith.constant 0.000000e+00 : f32
        %parallel_loop3A_301 = vector.broadcast %parallel_loop3A_300 : f32 to vector<16xf32>
        %parallel_loop3A_302 = arith.subf %parallel_loop3A_301, %parallel_loop3A_288 : vector<16xf32>
        %parallel_loop3A_303 = arith.constant 0.000000e+00 : f32
        %parallel_loop3A_304 = vector.broadcast %parallel_loop3A_303 : f32 to vector<16xf32>
        %parallel_loop3A_305 = arith.subf %parallel_loop3A_304, %parallel_loop3A_292 : vector<16xf32>
        %parallel_loop3A_306 = arith.minimumf %parallel_loop3A_200, %parallel_loop3A_296 : vector<16xf32>
        %parallel_loop3A_307 = arith.minimumf %parallel_loop3A_204, %parallel_loop3A_299 : vector<16xf32>
        %parallel_loop3A_308 = arith.minimumf %parallel_loop3A_210, %parallel_loop3A_302 : vector<16xf32>
        %parallel_loop3A_309 = arith.minimumf %parallel_loop3A_214, %parallel_loop3A_305 : vector<16xf32>
        %parallel_loop3A_310 = arith.maximumf %parallel_loop3A_200, %parallel_loop3A_296 : vector<16xf32>
        %parallel_loop3A_311 = arith.maximumf %parallel_loop3A_204, %parallel_loop3A_299 : vector<16xf32>
        %parallel_loop3A_312 = arith.maximumf %parallel_loop3A_210, %parallel_loop3A_302 : vector<16xf32>
        %parallel_loop3A_313 = arith.maximumf %parallel_loop3A_214, %parallel_loop3A_305 : vector<16xf32>
        %parallel_loop3A_314 = arith.minimumf %parallel_loop3A_306, %parallel_loop3A_308 : vector<16xf32>
        %parallel_loop3A_315 = arith.minimumf %parallel_loop3A_307, %parallel_loop3A_309 : vector<16xf32>
        %parallel_loop3A_316 = arith.maximumf %parallel_loop3A_306, %parallel_loop3A_308 : vector<16xf32>
        %parallel_loop3A_317 = arith.maximumf %parallel_loop3A_307, %parallel_loop3A_309 : vector<16xf32>
        %parallel_loop3A_318 = arith.minimumf %parallel_loop3A_314, %parallel_loop3A_315 : vector<16xf32>
        %parallel_loop3A_319 = arith.maximumf %parallel_loop3A_314, %parallel_loop3A_315 : vector<16xf32>
        %parallel_loop3A_320 = arith.constant dense<true> : vector<16xi1>
        %parallel_loop3A_321, %parallel_loop3A_322, %parallel_loop3A_323 = tpu.sort %parallel_loop3A_318, %parallel_loop3A_318 masked %parallel_loop3A_320 : (vector<16xf32>, vector<16xf32>, vector<16xi1>) -> (vector<16xi1>, vector<16xf32>, vector<16xf32>)
        %parallel_loop3A_324 = arith.constant dense<true> : vector<16xi1>
        %parallel_loop3A_325, %parallel_loop3A_326, %parallel_loop3A_327 = tpu.sort %parallel_loop3A_319, %parallel_loop3A_319 masked %parallel_loop3A_324 : (vector<16xf32>, vector<16xf32>, vector<16xi1>) -> (vector<16xi1>, vector<16xf32>, vector<16xf32>)
        %parallel_loop3A_328 = arith.minimumf %parallel_loop3A_316, %parallel_loop3A_317 : vector<16xf32>
        %parallel_loop3A_329 = arith.maximumf %parallel_loop3A_316, %parallel_loop3A_317 : vector<16xf32>
        %parallel_loop3A_330 = arith.constant dense<true> : vector<16xi1>
        %parallel_loop3A_331, %parallel_loop3A_332, %parallel_loop3A_333 = tpu.sort %parallel_loop3A_328, %parallel_loop3A_328 masked %parallel_loop3A_330 : (vector<16xf32>, vector<16xf32>, vector<16xi1>) -> (vector<16xi1>, vector<16xf32>, vector<16xf32>)
        %parallel_loop3A_334 = arith.constant dense<true> : vector<16xi1>
        %parallel_loop3A_335, %parallel_loop3A_336, %parallel_loop3A_337 = tpu.sort %parallel_loop3A_329, %parallel_loop3A_329 masked %parallel_loop3A_334 : (vector<16xf32>, vector<16xf32>, vector<16xi1>) -> (vector<16xi1>, vector<16xf32>, vector<16xf32>)
        %parallel_loop3A_338 = arith.minimumf %parallel_loop3A_310, %parallel_loop3A_312 : vector<16xf32>
        %parallel_loop3A_339 = arith.minimumf %parallel_loop3A_311, %parallel_loop3A_313 : vector<16xf32>
        %parallel_loop3A_340 = arith.maximumf %parallel_loop3A_310, %parallel_loop3A_312 : vector<16xf32>
        %parallel_loop3A_341 = arith.maximumf %parallel_loop3A_311, %parallel_loop3A_313 : vector<16xf32>
        %parallel_loop3A_342 = arith.minimumf %parallel_loop3A_338, %parallel_loop3A_339 : vector<16xf32>
        %parallel_loop3A_343 = arith.maximumf %parallel_loop3A_338, %parallel_loop3A_339 : vector<16xf32>
        %parallel_loop3A_344 = arith.constant dense<true> : vector<16xi1>
        %parallel_loop3A_345, %parallel_loop3A_346, %parallel_loop3A_347 = tpu.sort %parallel_loop3A_342, %parallel_loop3A_342 masked %parallel_loop3A_344 : (vector<16xf32>, vector<16xf32>, vector<16xi1>) -> (vector<16xi1>, vector<16xf32>, vector<16xf32>)
        %parallel_loop3A_348 = arith.constant dense<true> : vector<16xi1>
        %parallel_loop3A_349, %parallel_loop3A_350, %parallel_loop3A_351 = tpu.sort %parallel_loop3A_343, %parallel_loop3A_343 masked %parallel_loop3A_348 : (vector<16xf32>, vector<16xf32>, vector<16xi1>) -> (vector<16xi1>, vector<16xf32>, vector<16xf32>)
        %parallel_loop3A_352 = arith.minimumf %parallel_loop3A_340, %parallel_loop3A_341 : vector<16xf32>
        %parallel_loop3A_353 = arith.maximumf %parallel_loop3A_340, %parallel_loop3A_341 : vector<16xf32>
        %parallel_loop3A_354 = arith.constant dense<true> : vector<16xi1>
        %parallel_loop3A_355, %parallel_loop3A_356, %parallel_loop3A_357 = tpu.sort %parallel_loop3A_352, %parallel_loop3A_352 masked %parallel_loop3A_354 : (vector<16xf32>, vector<16xf32>, vector<16xi1>) -> (vector<16xi1>, vector<16xf32>, vector<16xf32>)
        %parallel_loop3A_358 = arith.constant dense<true> : vector<16xi1>
        %parallel_loop3A_359, %parallel_loop3A_360, %parallel_loop3A_361 = tpu.sort %parallel_loop3A_353, %parallel_loop3A_353 masked %parallel_loop3A_358 : (vector<16xf32>, vector<16xf32>, vector<16xi1>) -> (vector<16xi1>, vector<16xf32>, vector<16xf32>)
        %parallel_loop3A_362 = arith.constant 1 : i32
        %parallel_loop3A_363 = arith.addi %parallel_loop3A_89, %parallel_loop3A_362 : i32
        %parallel_loop3A_364 = arith.index_cast %rem3A_31 : i32 to index
        %parallel_loop3A_365 = arith.index_cast %parallel_loop3A_363 : i32 to index
        %parallel_loop3A_366 = arith.constant 0 : index
        %parallel_loop3A_367 = tpu.vector_load %arg4[%parallel_loop3A_364, %parallel_loop3A_365, %parallel_loop3A_366] {strides = array<i32>} : memref<2x8x4096xf32, #tpu.memory_space<vmem>>, vector<16xf32>,
        %parallel_loop3A_368 = arith.constant 1 : i32
        %parallel_loop3A_369 = arith.addi %parallel_loop3A_89, %parallel_loop3A_368 : i32
        %parallel_loop3A_370 = arith.index_cast %rem3A_31 : i32 to index
        %parallel_loop3A_371 = arith.index_cast %parallel_loop3A_369 : i32 to index
        %parallel_loop3A_372 = arith.constant 16 : index
        %parallel_loop3A_373 = tpu.vector_load %arg4[%parallel_loop3A_370, %parallel_loop3A_371, %parallel_loop3A_372] {strides = array<i32>} : memref<2x8x4096xf32, #tpu.memory_space<vmem>>, vector<16xf32>,
        %parallel_loop3A_374 = arith.constant 1 : i32
        %parallel_loop3A_375 = arith.addi %parallel_loop3A_89, %parallel_loop3A_374 : i32
        %parallel_loop3A_376 = arith.index_cast %rem3A_31 : i32 to index
        %parallel_loop3A_377 = arith.index_cast %parallel_loop3A_375 : i32 to index
        %parallel_loop3A_378 = arith.constant 32 : index
        %parallel_loop3A_379 = tpu.vector_load %arg4[%parallel_loop3A_376, %parallel_loop3A_377, %parallel_loop3A_378] {strides = array<i32>} : memref<2x8x4096xf32, #tpu.memory_space<vmem>>, vector<16xf32>,
        %parallel_loop3A_380 = arith.constant 1 : i32
        %parallel_loop3A_381 = arith.addi %parallel_loop3A_89, %parallel_loop3A_380 : i32
        %parallel_loop3A_382 = arith.index_cast %rem3A_31 : i32 to index
        %parallel_loop3A_383 = arith.index_cast %parallel_loop3A_381 : i32 to index
        %parallel_loop3A_384 = arith.constant 48 : index
        %parallel_loop3A_385 = tpu.vector_load %arg4[%parallel_loop3A_382, %parallel_loop3A_383, %parallel_loop3A_384] {strides = array<i32>} : memref<2x8x4096xf32, #tpu.memory_space<vmem>>, vector<16xf32>,
        %parallel_loop3A_386 = arith.constant 1 : i32
        %parallel_loop3A_387 = arith.addi %parallel_loop3A_89, %parallel_loop3A_386 : i32
        %parallel_loop3A_388 = arith.index_cast %rem3A_31 : i32 to index
        %parallel_loop3A_389 = arith.index_cast %parallel_loop3A_387 : i32 to index
        %parallel_loop3A_390 = arith.constant 64 : index
        %parallel_loop3A_391 = tpu.vector_load %arg4[%parallel_loop3A_388, %parallel_loop3A_389, %parallel_loop3A_390] {strides = array<i32>} : memref<2x8x4096xf32, #tpu.memory_space<vmem>>, vector<16xf32>,
        %parallel_loop3A_392 = arith.constant 1 : i32
        %parallel_loop3A_393 = arith.addi %parallel_loop3A_89, %parallel_loop3A_392 : i32
        %parallel_loop3A_394 = arith.index_cast %rem3A_31 : i32 to index
        %parallel_loop3A_395 = arith.index_cast %parallel_loop3A_393 : i32 to index
        %parallel_loop3A_396 = arith.constant 80 : index
        %parallel_loop3A_397 = tpu.vector_load %arg4[%parallel_loop3A_394, %parallel_loop3A_395, %parallel_loop3A_396] {strides = array<i32>} : memref<2x8x4096xf32, #tpu.memory_space<vmem>>, vector<16xf32>,
        %parallel_loop3A_398 = arith.constant 1 : i32
        %parallel_loop3A_399 = arith.addi %parallel_loop3A_89, %parallel_loop3A_398 : i32
        %parallel_loop3A_400 = arith.index_cast %rem3A_31 : i32 to index
        %parallel_loop3A_401 = arith.index_cast %parallel_loop3A_399 : i32 to index
        %parallel_loop3A_402 = arith.constant 96 : index
        %parallel_loop3A_403 = tpu.vector_load %arg4[%parallel_loop3A_400, %parallel_loop3A_401, %parallel_loop3A_402] {strides = array<i32>} : memref<2x8x4096xf32, #tpu.memory_space<vmem>>, vector<16xf32>,
        %parallel_loop3A_404 = arith.constant 1 : i32
        %parallel_loop3A_405 = arith.addi %parallel_loop3A_89, %parallel_loop3A_404 : i32
        %parallel_loop3A_406 = arith.index_cast %rem3A_31 : i32 to index
        %parallel_loop3A_407 = arith.index_cast %parallel_loop3A_405 : i32 to index
        %parallel_loop3A_408 = arith.constant 112 : index
        %parallel_loop3A_409 = tpu.vector_load %arg4[%parallel_loop3A_406, %parallel_loop3A_407, %parallel_loop3A_408] {strides = array<i32>} : memref<2x8x4096xf32, #tpu.memory_space<vmem>>, vector<16xf32>,
        %parallel_loop3A_410 = arith.constant dense<true> : vector<16xi1>
        %parallel_loop3A_411, %parallel_loop3A_412, %parallel_loop3A_413 = tpu.sort %parallel_loop3A_367, %parallel_loop3A_367 masked %parallel_loop3A_410 : (vector<16xf32>, vector<16xf32>, vector<16xi1>) -> (vector<16xi1>, vector<16xf32>, vector<16xf32>)
        %parallel_loop3A_414 = arith.constant 0.000000e+00 : f32
        %parallel_loop3A_415 = vector.broadcast %parallel_loop3A_414 : f32 to vector<16xf32>
        %parallel_loop3A_416 = arith.subf %parallel_loop3A_415, %parallel_loop3A_373 : vector<16xf32>
        %parallel_loop3A_417 = arith.constant dense<true> : vector<16xi1>
        %parallel_loop3A_418, %parallel_loop3A_419, %parallel_loop3A_420 = tpu.sort %parallel_loop3A_416, %parallel_loop3A_416 masked %parallel_loop3A_417 : (vector<16xf32>, vector<16xf32>, vector<16xi1>) -> (vector<16xi1>, vector<16xf32>, vector<16xf32>)
        %parallel_loop3A_421 = arith.constant 0.000000e+00 : f32
        %parallel_loop3A_422 = vector.broadcast %parallel_loop3A_421 : f32 to vector<16xf32>
        %parallel_loop3A_423 = arith.subf %parallel_loop3A_422, %parallel_loop3A_419 : vector<16xf32>
        %parallel_loop3A_424 = arith.minimumf %parallel_loop3A_412, %parallel_loop3A_423 : vector<16xf32>
        %parallel_loop3A_425 = arith.maximumf %parallel_loop3A_412, %parallel_loop3A_423 : vector<16xf32>
        %parallel_loop3A_426 = arith.constant dense<true> : vector<16xi1>
        %parallel_loop3A_427, %parallel_loop3A_428, %parallel_loop3A_429 = tpu.sort %parallel_loop3A_424, %parallel_loop3A_424 masked %parallel_loop3A_426 : (vector<16xf32>, vector<16xf32>, vector<16xi1>) -> (vector<16xi1>, vector<16xf32>, vector<16xf32>)
        %parallel_loop3A_430 = arith.constant dense<true> : vector<16xi1>
        %parallel_loop3A_431, %parallel_loop3A_432, %parallel_loop3A_433 = tpu.sort %parallel_loop3A_425, %parallel_loop3A_425 masked %parallel_loop3A_430 : (vector<16xf32>, vector<16xf32>, vector<16xi1>) -> (vector<16xi1>, vector<16xf32>, vector<16xf32>)
        %parallel_loop3A_434 = arith.constant 0.000000e+00 : f32
        %parallel_loop3A_435 = vector.broadcast %parallel_loop3A_434 : f32 to vector<16xf32>
        %parallel_loop3A_436 = arith.subf %parallel_loop3A_435, %parallel_loop3A_379 : vector<16xf32>
        %parallel_loop3A_437 = arith.constant dense<true> : vector<16xi1>
        %parallel_loop3A_438, %parallel_loop3A_439, %parallel_loop3A_440 = tpu.sort %parallel_loop3A_436, %parallel_loop3A_436 masked %parallel_loop3A_437 : (vector<16xf32>, vector<16xf32>, vector<16xi1>) -> (vector<16xi1>, vector<16xf32>, vector<16xf32>)
        %parallel_loop3A_441 = arith.constant dense<true> : vector<16xi1>
        %parallel_loop3A_442, %parallel_loop3A_443, %parallel_loop3A_444 = tpu.sort %parallel_loop3A_385, %parallel_loop3A_385 masked %parallel_loop3A_441 : (vector<16xf32>, vector<16xf32>, vector<16xi1>) -> (vector<16xi1>, vector<16xf32>, vector<16xf32>)
        %parallel_loop3A_445 = arith.constant 0.000000e+00 : f32
        %parallel_loop3A_446 = vector.broadcast %parallel_loop3A_445 : f32 to vector<16xf32>
        %parallel_loop3A_447 = arith.subf %parallel_loop3A_446, %parallel_loop3A_443 : vector<16xf32>
        %parallel_loop3A_448 = arith.minimumf %parallel_loop3A_439, %parallel_loop3A_447 : vector<16xf32>
        %parallel_loop3A_449 = arith.maximumf %parallel_loop3A_439, %parallel_loop3A_447 : vector<16xf32>
        %parallel_loop3A_450 = arith.constant dense<true> : vector<16xi1>
        %parallel_loop3A_451, %parallel_loop3A_452, %parallel_loop3A_453 = tpu.sort %parallel_loop3A_448, %parallel_loop3A_448 masked %parallel_loop3A_450 : (vector<16xf32>, vector<16xf32>, vector<16xi1>) -> (vector<16xi1>, vector<16xf32>, vector<16xf32>)
        %parallel_loop3A_454 = arith.constant dense<true> : vector<16xi1>
        %parallel_loop3A_455, %parallel_loop3A_456, %parallel_loop3A_457 = tpu.sort %parallel_loop3A_449, %parallel_loop3A_449 masked %parallel_loop3A_454 : (vector<16xf32>, vector<16xf32>, vector<16xi1>) -> (vector<16xi1>, vector<16xf32>, vector<16xf32>)
        %parallel_loop3A_458 = arith.constant 0.000000e+00 : f32
        %parallel_loop3A_459 = vector.broadcast %parallel_loop3A_458 : f32 to vector<16xf32>
        %parallel_loop3A_460 = arith.subf %parallel_loop3A_459, %parallel_loop3A_452 : vector<16xf32>
        %parallel_loop3A_461 = arith.constant 0.000000e+00 : f32
        %parallel_loop3A_462 = vector.broadcast %parallel_loop3A_461 : f32 to vector<16xf32>
        %parallel_loop3A_463 = arith.subf %parallel_loop3A_462, %parallel_loop3A_456 : vector<16xf32>
        %parallel_loop3A_464 = arith.minimumf %parallel_loop3A_428, %parallel_loop3A_460 : vector<16xf32>
        %parallel_loop3A_465 = arith.minimumf %parallel_loop3A_432, %parallel_loop3A_463 : vector<16xf32>
        %parallel_loop3A_466 = arith.maximumf %parallel_loop3A_428, %parallel_loop3A_460 : vector<16xf32>
        %parallel_loop3A_467 = arith.maximumf %parallel_loop3A_432, %parallel_loop3A_463 : vector<16xf32>
        %parallel_loop3A_468 = arith.minimumf %parallel_loop3A_464, %parallel_loop3A_465 : vector<16xf32>
        %parallel_loop3A_469 = arith.maximumf %parallel_loop3A_464, %parallel_loop3A_465 : vector<16xf32>
        %parallel_loop3A_470 = arith.constant dense<true> : vector<16xi1>
        %parallel_loop3A_471, %parallel_loop3A_472, %parallel_loop3A_473 = tpu.sort %parallel_loop3A_468, %parallel_loop3A_468 masked %parallel_loop3A_470 : (vector<16xf32>, vector<16xf32>, vector<16xi1>) -> (vector<16xi1>, vector<16xf32>, vector<16xf32>)
        %parallel_loop3A_474 = arith.constant dense<true> : vector<16xi1>
        %parallel_loop3A_475, %parallel_loop3A_476, %parallel_loop3A_477 = tpu.sort %parallel_loop3A_469, %parallel_loop3A_469 masked %parallel_loop3A_474 : (vector<16xf32>, vector<16xf32>, vector<16xi1>) -> (vector<16xi1>, vector<16xf32>, vector<16xf32>)
        %parallel_loop3A_478 = arith.minimumf %parallel_loop3A_466, %parallel_loop3A_467 : vector<16xf32>
        %parallel_loop3A_479 = arith.maximumf %parallel_loop3A_466, %parallel_loop3A_467 : vector<16xf32>
        %parallel_loop3A_480 = arith.constant dense<true> : vector<16xi1>
        %parallel_loop3A_481, %parallel_loop3A_482, %parallel_loop3A_483 = tpu.sort %parallel_loop3A_478, %parallel_loop3A_478 masked %parallel_loop3A_480 : (vector<16xf32>, vector<16xf32>, vector<16xi1>) -> (vector<16xi1>, vector<16xf32>, vector<16xf32>)
        %parallel_loop3A_484 = arith.constant dense<true> : vector<16xi1>
        %parallel_loop3A_485, %parallel_loop3A_486, %parallel_loop3A_487 = tpu.sort %parallel_loop3A_479, %parallel_loop3A_479 masked %parallel_loop3A_484 : (vector<16xf32>, vector<16xf32>, vector<16xi1>) -> (vector<16xi1>, vector<16xf32>, vector<16xf32>)
        %parallel_loop3A_488 = arith.constant 0.000000e+00 : f32
        %parallel_loop3A_489 = vector.broadcast %parallel_loop3A_488 : f32 to vector<16xf32>
        %parallel_loop3A_490 = arith.subf %parallel_loop3A_489, %parallel_loop3A_391 : vector<16xf32>
        %parallel_loop3A_491 = arith.constant dense<true> : vector<16xi1>
        %parallel_loop3A_492, %parallel_loop3A_493, %parallel_loop3A_494 = tpu.sort %parallel_loop3A_490, %parallel_loop3A_490 masked %parallel_loop3A_491 : (vector<16xf32>, vector<16xf32>, vector<16xi1>) -> (vector<16xi1>, vector<16xf32>, vector<16xf32>)
        %parallel_loop3A_495 = arith.constant dense<true> : vector<16xi1>
        %parallel_loop3A_496, %parallel_loop3A_497, %parallel_loop3A_498 = tpu.sort %parallel_loop3A_397, %parallel_loop3A_397 masked %parallel_loop3A_495 : (vector<16xf32>, vector<16xf32>, vector<16xi1>) -> (vector<16xi1>, vector<16xf32>, vector<16xf32>)
        %parallel_loop3A_499 = arith.constant 0.000000e+00 : f32
        %parallel_loop3A_500 = vector.broadcast %parallel_loop3A_499 : f32 to vector<16xf32>
        %parallel_loop3A_501 = arith.subf %parallel_loop3A_500, %parallel_loop3A_497 : vector<16xf32>
        %parallel_loop3A_502 = arith.minimumf %parallel_loop3A_493, %parallel_loop3A_501 : vector<16xf32>
        %parallel_loop3A_503 = arith.maximumf %parallel_loop3A_493, %parallel_loop3A_501 : vector<16xf32>
        %parallel_loop3A_504 = arith.constant dense<true> : vector<16xi1>
        %parallel_loop3A_505, %parallel_loop3A_506, %parallel_loop3A_507 = tpu.sort %parallel_loop3A_502, %parallel_loop3A_502 masked %parallel_loop3A_504 : (vector<16xf32>, vector<16xf32>, vector<16xi1>) -> (vector<16xi1>, vector<16xf32>, vector<16xf32>)
        %parallel_loop3A_508 = arith.constant dense<true> : vector<16xi1>
        %parallel_loop3A_509, %parallel_loop3A_510, %parallel_loop3A_511 = tpu.sort %parallel_loop3A_503, %parallel_loop3A_503 masked %parallel_loop3A_508 : (vector<16xf32>, vector<16xf32>, vector<16xi1>) -> (vector<16xi1>, vector<16xf32>, vector<16xf32>)
        %parallel_loop3A_512 = arith.constant dense<true> : vector<16xi1>
        %parallel_loop3A_513, %parallel_loop3A_514, %parallel_loop3A_515 = tpu.sort %parallel_loop3A_403, %parallel_loop3A_403 masked %parallel_loop3A_512 : (vector<16xf32>, vector<16xf32>, vector<16xi1>) -> (vector<16xi1>, vector<16xf32>, vector<16xf32>)
        %parallel_loop3A_516 = arith.constant 0.000000e+00 : f32
        %parallel_loop3A_517 = vector.broadcast %parallel_loop3A_516 : f32 to vector<16xf32>
        %parallel_loop3A_518 = arith.subf %parallel_loop3A_517, %parallel_loop3A_409 : vector<16xf32>
        %parallel_loop3A_519 = arith.constant dense<true> : vector<16xi1>
        %parallel_loop3A_520, %parallel_loop3A_521, %parallel_loop3A_522 = tpu.sort %parallel_loop3A_518, %parallel_loop3A_518 masked %parallel_loop3A_519 : (vector<16xf32>, vector<16xf32>, vector<16xi1>) -> (vector<16xi1>, vector<16xf32>, vector<16xf32>)
        %parallel_loop3A_523 = arith.constant 0.000000e+00 : f32
        %parallel_loop3A_524 = vector.broadcast %parallel_loop3A_523 : f32 to vector<16xf32>
        %parallel_loop3A_525 = arith.subf %parallel_loop3A_524, %parallel_loop3A_521 : vector<16xf32>
        %parallel_loop3A_526 = arith.minimumf %parallel_loop3A_514, %parallel_loop3A_525 : vector<16xf32>
        %parallel_loop3A_527 = arith.maximumf %parallel_loop3A_514, %parallel_loop3A_525 : vector<16xf32>
        %parallel_loop3A_528 = arith.constant dense<true> : vector<16xi1>
        %parallel_loop3A_529, %parallel_loop3A_530, %parallel_loop3A_531 = tpu.sort %parallel_loop3A_526, %parallel_loop3A_526 masked %parallel_loop3A_528 : (vector<16xf32>, vector<16xf32>, vector<16xi1>) -> (vector<16xi1>, vector<16xf32>, vector<16xf32>)
        %parallel_loop3A_532 = arith.constant dense<true> : vector<16xi1>
        %parallel_loop3A_533, %parallel_loop3A_534, %parallel_loop3A_535 = tpu.sort %parallel_loop3A_527, %parallel_loop3A_527 masked %parallel_loop3A_532 : (vector<16xf32>, vector<16xf32>, vector<16xi1>) -> (vector<16xi1>, vector<16xf32>, vector<16xf32>)
        %parallel_loop3A_536 = arith.constant 0.000000e+00 : f32
        %parallel_loop3A_537 = vector.broadcast %parallel_loop3A_536 : f32 to vector<16xf32>
        %parallel_loop3A_538 = arith.subf %parallel_loop3A_537, %parallel_loop3A_530 : vector<16xf32>
        %parallel_loop3A_539 = arith.constant 0.000000e+00 : f32
        %parallel_loop3A_540 = vector.broadcast %parallel_loop3A_539 : f32 to vector<16xf32>
        %parallel_loop3A_541 = arith.subf %parallel_loop3A_540, %parallel_loop3A_534 : vector<16xf32>
        %parallel_loop3A_542 = arith.minimumf %parallel_loop3A_506, %parallel_loop3A_538 : vector<16xf32>
        %parallel_loop3A_543 = arith.minimumf %parallel_loop3A_510, %parallel_loop3A_541 : vector<16xf32>
        %parallel_loop3A_544 = arith.maximumf %parallel_loop3A_506, %parallel_loop3A_538 : vector<16xf32>
        %parallel_loop3A_545 = arith.maximumf %parallel_loop3A_510, %parallel_loop3A_541 : vector<16xf32>
        %parallel_loop3A_546 = arith.minimumf %parallel_loop3A_542, %parallel_loop3A_543 : vector<16xf32>
        %parallel_loop3A_547 = arith.maximumf %parallel_loop3A_542, %parallel_loop3A_543 : vector<16xf32>
        %parallel_loop3A_548 = arith.constant dense<true> : vector<16xi1>
        %parallel_loop3A_549, %parallel_loop3A_550, %parallel_loop3A_551 = tpu.sort %parallel_loop3A_546, %parallel_loop3A_546 masked %parallel_loop3A_548 : (vector<16xf32>, vector<16xf32>, vector<16xi1>) -> (vector<16xi1>, vector<16xf32>, vector<16xf32>)
        %parallel_loop3A_552 = arith.constant dense<true> : vector<16xi1>
        %parallel_loop3A_553, %parallel_loop3A_554, %parallel_loop3A_555 = tpu.sort %parallel_loop3A_547, %parallel_loop3A_547 masked %parallel_loop3A_552 : (vector<16xf32>, vector<16xf32>, vector<16xi1>) -> (vector<16xi1>, vector<16xf32>, vector<16xf32>)
        %parallel_loop3A_556 = arith.minimumf %parallel_loop3A_544, %parallel_loop3A_545 : vector<16xf32>
        %parallel_loop3A_557 = arith.maximumf %parallel_loop3A_544, %parallel_loop3A_545 : vector<16xf32>
        %parallel_loop3A_558 = arith.constant dense<true> : vector<16xi1>
        %parallel_loop3A_559, %parallel_loop3A_560, %parallel_loop3A_561 = tpu.sort %parallel_loop3A_556, %parallel_loop3A_556 masked %parallel_loop3A_558 : (vector<16xf32>, vector<16xf32>, vector<16xi1>) -> (vector<16xi1>, vector<16xf32>, vector<16xf32>)
        %parallel_loop3A_562 = arith.constant dense<true> : vector<16xi1>
        %parallel_loop3A_563, %parallel_loop3A_564, %parallel_loop3A_565 = tpu.sort %parallel_loop3A_557, %parallel_loop3A_557 masked %parallel_loop3A_562 : (vector<16xf32>, vector<16xf32>, vector<16xi1>) -> (vector<16xi1>, vector<16xf32>, vector<16xf32>)
        %parallel_loop3A_566 = arith.constant 0.000000e+00 : f32
        %parallel_loop3A_567 = vector.broadcast %parallel_loop3A_566 : f32 to vector<16xf32>
        %parallel_loop3A_568 = arith.subf %parallel_loop3A_567, %parallel_loop3A_550 : vector<16xf32>
        %parallel_loop3A_569 = arith.constant 0.000000e+00 : f32
        %parallel_loop3A_570 = vector.broadcast %parallel_loop3A_569 : f32 to vector<16xf32>
        %parallel_loop3A_571 = arith.subf %parallel_loop3A_570, %parallel_loop3A_554 : vector<16xf32>
        %parallel_loop3A_572 = arith.constant 0.000000e+00 : f32
        %parallel_loop3A_573 = vector.broadcast %parallel_loop3A_572 : f32 to vector<16xf32>
        %parallel_loop3A_574 = arith.subf %parallel_loop3A_573, %parallel_loop3A_560 : vector<16xf32>
        %parallel_loop3A_575 = arith.constant 0.000000e+00 : f32
        %parallel_loop3A_576 = vector.broadcast %parallel_loop3A_575 : f32 to vector<16xf32>
        %parallel_loop3A_577 = arith.subf %parallel_loop3A_576, %parallel_loop3A_564 : vector<16xf32>
        %parallel_loop3A_578 = arith.minimumf %parallel_loop3A_472, %parallel_loop3A_568 : vector<16xf32>
        %parallel_loop3A_579 = arith.minimumf %parallel_loop3A_476, %parallel_loop3A_571 : vector<16xf32>
        %parallel_loop3A_580 = arith.minimumf %parallel_loop3A_482, %parallel_loop3A_574 : vector<16xf32>
        %parallel_loop3A_581 = arith.minimumf %parallel_loop3A_486, %parallel_loop3A_577 : vector<16xf32>
        %parallel_loop3A_582 = arith.maximumf %parallel_loop3A_472, %parallel_loop3A_568 : vector<16xf32>
        %parallel_loop3A_583 = arith.maximumf %parallel_loop3A_476, %parallel_loop3A_571 : vector<16xf32>
        %parallel_loop3A_584 = arith.maximumf %parallel_loop3A_482, %parallel_loop3A_574 : vector<16xf32>
        %parallel_loop3A_585 = arith.maximumf %parallel_loop3A_486, %parallel_loop3A_577 : vector<16xf32>
        %parallel_loop3A_586 = arith.minimumf %parallel_loop3A_578, %parallel_loop3A_580 : vector<16xf32>
        %parallel_loop3A_587 = arith.minimumf %parallel_loop3A_579, %parallel_loop3A_581 : vector<16xf32>
        %parallel_loop3A_588 = arith.maximumf %parallel_loop3A_578, %parallel_loop3A_580 : vector<16xf32>
        %parallel_loop3A_589 = arith.maximumf %parallel_loop3A_579, %parallel_loop3A_581 : vector<16xf32>
        %parallel_loop3A_590 = arith.minimumf %parallel_loop3A_586, %parallel_loop3A_587 : vector<16xf32>
        %parallel_loop3A_591 = arith.maximumf %parallel_loop3A_586, %parallel_loop3A_587 : vector<16xf32>
        %parallel_loop3A_592 = arith.constant dense<true> : vector<16xi1>
        %parallel_loop3A_593, %parallel_loop3A_594, %parallel_loop3A_595 = tpu.sort %parallel_loop3A_590, %parallel_loop3A_590 masked %parallel_loop3A_592 : (vector<16xf32>, vector<16xf32>, vector<16xi1>) -> (vector<16xi1>, vector<16xf32>, vector<16xf32>)
        %parallel_loop3A_596 = arith.constant dense<true> : vector<16xi1>
        %parallel_loop3A_597, %parallel_loop3A_598, %parallel_loop3A_599 = tpu.sort %parallel_loop3A_591, %parallel_loop3A_591 masked %parallel_loop3A_596 : (vector<16xf32>, vector<16xf32>, vector<16xi1>) -> (vector<16xi1>, vector<16xf32>, vector<16xf32>)
        %parallel_loop3A_600 = arith.minimumf %parallel_loop3A_588, %parallel_loop3A_589 : vector<16xf32>
        %parallel_loop3A_601 = arith.maximumf %parallel_loop3A_588, %parallel_loop3A_589 : vector<16xf32>
        %parallel_loop3A_602 = arith.constant dense<true> : vector<16xi1>
        %parallel_loop3A_603, %parallel_loop3A_604, %parallel_loop3A_605 = tpu.sort %parallel_loop3A_600, %parallel_loop3A_600 masked %parallel_loop3A_602 : (vector<16xf32>, vector<16xf32>, vector<16xi1>) -> (vector<16xi1>, vector<16xf32>, vector<16xf32>)
        %parallel_loop3A_606 = arith.constant dense<true> : vector<16xi1>
        %parallel_loop3A_607, %parallel_loop3A_608, %parallel_loop3A_609 = tpu.sort %parallel_loop3A_601, %parallel_loop3A_601 masked %parallel_loop3A_606 : (vector<16xf32>, vector<16xf32>, vector<16xi1>) -> (vector<16xi1>, vector<16xf32>, vector<16xf32>)
        %parallel_loop3A_610 = arith.minimumf %parallel_loop3A_582, %parallel_loop3A_584 : vector<16xf32>
        %parallel_loop3A_611 = arith.minimumf %parallel_loop3A_583, %parallel_loop3A_585 : vector<16xf32>
        %parallel_loop3A_612 = arith.maximumf %parallel_loop3A_582, %parallel_loop3A_584 : vector<16xf32>
        %parallel_loop3A_613 = arith.maximumf %parallel_loop3A_583, %parallel_loop3A_585 : vector<16xf32>
        %parallel_loop3A_614 = arith.minimumf %parallel_loop3A_610, %parallel_loop3A_611 : vector<16xf32>
        %parallel_loop3A_615 = arith.maximumf %parallel_loop3A_610, %parallel_loop3A_611 : vector<16xf32>
        %parallel_loop3A_616 = arith.constant dense<true> : vector<16xi1>
        %parallel_loop3A_617, %parallel_loop3A_618, %parallel_loop3A_619 = tpu.sort %parallel_loop3A_614, %parallel_loop3A_614 masked %parallel_loop3A_616 : (vector<16xf32>, vector<16xf32>, vector<16xi1>) -> (vector<16xi1>, vector<16xf32>, vector<16xf32>)
        %parallel_loop3A_620 = arith.constant dense<true> : vector<16xi1>
        %parallel_loop3A_621, %parallel_loop3A_622, %parallel_loop3A_623 = tpu.sort %parallel_loop3A_615, %parallel_loop3A_615 masked %parallel_loop3A_620 : (vector<16xf32>, vector<16xf32>, vector<16xi1>) -> (vector<16xi1>, vector<16xf32>, vector<16xf32>)
        %parallel_loop3A_624 = arith.minimumf %parallel_loop3A_612, %parallel_loop3A_613 : vector<16xf32>
        %parallel_loop3A_625 = arith.maximumf %parallel_loop3A_612, %parallel_loop3A_613 : vector<16xf32>
        %parallel_loop3A_626 = arith.constant dense<true> : vector<16xi1>
        %parallel_loop3A_627, %parallel_loop3A_628, %parallel_loop3A_629 = tpu.sort %parallel_loop3A_624, %parallel_loop3A_624 masked %parallel_loop3A_626 : (vector<16xf32>, vector<16xf32>, vector<16xi1>) -> (vector<16xi1>, vector<16xf32>, vector<16xf32>)
        %parallel_loop3A_630 = arith.constant dense<true> : vector<16xi1>
        %parallel_loop3A_631, %parallel_loop3A_632, %parallel_loop3A_633 = tpu.sort %parallel_loop3A_625, %parallel_loop3A_625 masked %parallel_loop3A_630 : (vector<16xf32>, vector<16xf32>, vector<16xi1>) -> (vector<16xi1>, vector<16xf32>, vector<16xf32>)
        %parallel_loop3A_634 = arith.constant 1 : i32
        %parallel_loop3A_635 = arith.constant 31 : i32
        %parallel_loop3A_636 = arith.addi %parallel_loop3A_634, %parallel_loop3A_635 : i32
        %parallel_loop3A_637 = arith.constant 1 : i32
        %parallel_loop3A_638:16 = scf.for %scan3A_846 = %parallel_loop3A_634 to %parallel_loop3A_636 step %parallel_loop3A_637 iter_args(%scan3A_847 = %parallel_loop3A_322, %scan3A_848 = %parallel_loop3A_326, %scan3A_849 = %parallel_loop3A_332, %scan3A_850 = %parallel_loop3A_336, %scan3A_851 = %parallel_loop3A_346, %scan3A_852 = %parallel_loop3A_350, %scan3A_853 = %parallel_loop3A_356, %scan3A_854 = %parallel_loop3A_360, %scan3A_855 = %parallel_loop3A_594, %scan3A_856 = %parallel_loop3A_598, %scan3A_857 = %parallel_loop3A_604, %scan3A_858 = %parallel_loop3A_608, %scan3A_859 = %parallel_loop3A_618, %scan3A_860 = %parallel_loop3A_622, %scan3A_861 = %parallel_loop3A_628, %scan3A_862 = %parallel_loop3A_632) -> (vector<16xf32>, vector<16xf32>, vector<16xf32>, vector<16xf32>, vector<16xf32>, vector<16xf32>, vector<16xf32>, vector<16xf32>, vector<16xf32>, vector<16xf32>, vector<16xf32>, vector<16xf32>, vector<16xf32>, vector<16xf32>, vector<16xf32>, vector<16xf32>)  : i32 {
          %parallel_loop3A_863 = arith.constant 128 : i32
          %parallel_loop3A_864 = arith.muli %scan3A_846, %parallel_loop3A_863 : i32
          %parallel_loop3A_865 = arith.constant 0 : i32
          %parallel_loop3A_866 = arith.addi %parallel_loop3A_89, %parallel_loop3A_865 : i32
          %parallel_loop3A_867 = arith.constant 0 : i32
          %parallel_loop3A_868 = arith.addi %parallel_loop3A_864, %parallel_loop3A_867 : i32
          %parallel_loop3A_869 = arith.index_cast %rem3A_31 : i32 to index
          %parallel_loop3A_870 = arith.index_cast %parallel_loop3A_866 : i32 to index
          %parallel_loop3A_871 = arith.index_cast %parallel_loop3A_868 : i32 to index
          %parallel_loop3A_872 = tpu.vector_load %arg4[%parallel_loop3A_869, %parallel_loop3A_870, %parallel_loop3A_871] {strides = array<i32>} : memref<2x8x4096xf32, #tpu.memory_space<vmem>>, vector<16xf32>,
          %parallel_loop3A_873 = arith.constant 0 : i32
          %parallel_loop3A_874 = arith.addi %parallel_loop3A_89, %parallel_loop3A_873 : i32
          %parallel_loop3A_875 = arith.constant 16 : i32
          %parallel_loop3A_876 = arith.addi %parallel_loop3A_864, %parallel_loop3A_875 : i32
          %parallel_loop3A_877 = arith.index_cast %rem3A_31 : i32 to index
          %parallel_loop3A_878 = arith.index_cast %parallel_loop3A_874 : i32 to index
          %parallel_loop3A_879 = arith.index_cast %parallel_loop3A_876 : i32 to index
          %parallel_loop3A_880 = tpu.vector_load %arg4[%parallel_loop3A_877, %parallel_loop3A_878, %parallel_loop3A_879] {strides = array<i32>} : memref<2x8x4096xf32, #tpu.memory_space<vmem>>, vector<16xf32>,
          %parallel_loop3A_881 = arith.constant 0 : i32
          %parallel_loop3A_882 = arith.addi %parallel_loop3A_89, %parallel_loop3A_881 : i32
          %parallel_loop3A_883 = arith.constant 32 : i32
          %parallel_loop3A_884 = arith.addi %parallel_loop3A_864, %parallel_loop3A_883 : i32
          %parallel_loop3A_885 = arith.index_cast %rem3A_31 : i32 to index
          %parallel_loop3A_886 = arith.index_cast %parallel_loop3A_882 : i32 to index
          %parallel_loop3A_887 = arith.index_cast %parallel_loop3A_884 : i32 to index
          %parallel_loop3A_888 = tpu.vector_load %arg4[%parallel_loop3A_885, %parallel_loop3A_886, %parallel_loop3A_887] {strides = array<i32>} : memref<2x8x4096xf32, #tpu.memory_space<vmem>>, vector<16xf32>,
          %parallel_loop3A_889 = arith.constant 0 : i32
          %parallel_loop3A_890 = arith.addi %parallel_loop3A_89, %parallel_loop3A_889 : i32
          %parallel_loop3A_891 = arith.constant 48 : i32
          %parallel_loop3A_892 = arith.addi %parallel_loop3A_864, %parallel_loop3A_891 : i32
          %parallel_loop3A_893 = arith.index_cast %rem3A_31 : i32 to index
          %parallel_loop3A_894 = arith.index_cast %parallel_loop3A_890 : i32 to index
          %parallel_loop3A_895 = arith.index_cast %parallel_loop3A_892 : i32 to index
          %parallel_loop3A_896 = tpu.vector_load %arg4[%parallel_loop3A_893, %parallel_loop3A_894, %parallel_loop3A_895] {strides = array<i32>} : memref<2x8x4096xf32, #tpu.memory_space<vmem>>, vector<16xf32>,
          %parallel_loop3A_897 = arith.constant 0 : i32
          %parallel_loop3A_898 = arith.addi %parallel_loop3A_89, %parallel_loop3A_897 : i32
          %parallel_loop3A_899 = arith.constant 64 : i32
          %parallel_loop3A_900 = arith.addi %parallel_loop3A_864, %parallel_loop3A_899 : i32
          %parallel_loop3A_901 = arith.index_cast %rem3A_31 : i32 to index
          %parallel_loop3A_902 = arith.index_cast %parallel_loop3A_898 : i32 to index
          %parallel_loop3A_903 = arith.index_cast %parallel_loop3A_900 : i32 to index
          %parallel_loop3A_904 = tpu.vector_load %arg4[%parallel_loop3A_901, %parallel_loop3A_902, %parallel_loop3A_903] {strides = array<i32>} : memref<2x8x4096xf32, #tpu.memory_space<vmem>>, vector<16xf32>,
          %parallel_loop3A_905 = arith.constant 0 : i32
          %parallel_loop3A_906 = arith.addi %parallel_loop3A_89, %parallel_loop3A_905 : i32
          %parallel_loop3A_907 = arith.constant 80 : i32
          %parallel_loop3A_908 = arith.addi %parallel_loop3A_864, %parallel_loop3A_907 : i32
          %parallel_loop3A_909 = arith.index_cast %rem3A_31 : i32 to index
          %parallel_loop3A_910 = arith.index_cast %parallel_loop3A_906 : i32 to index
          %parallel_loop3A_911 = arith.index_cast %parallel_loop3A_908 : i32 to index
          %parallel_loop3A_912 = tpu.vector_load %arg4[%parallel_loop3A_909, %parallel_loop3A_910, %parallel_loop3A_911] {strides = array<i32>} : memref<2x8x4096xf32, #tpu.memory_space<vmem>>, vector<16xf32>,
          %parallel_loop3A_913 = arith.constant 0 : i32
          %parallel_loop3A_914 = arith.addi %parallel_loop3A_89, %parallel_loop3A_913 : i32
          %parallel_loop3A_915 = arith.constant 96 : i32
          %parallel_loop3A_916 = arith.addi %parallel_loop3A_864, %parallel_loop3A_915 : i32
          %parallel_loop3A_917 = arith.index_cast %rem3A_31 : i32 to index
          %parallel_loop3A_918 = arith.index_cast %parallel_loop3A_914 : i32 to index
          %parallel_loop3A_919 = arith.index_cast %parallel_loop3A_916 : i32 to index
          %parallel_loop3A_920 = tpu.vector_load %arg4[%parallel_loop3A_917, %parallel_loop3A_918, %parallel_loop3A_919] {strides = array<i32>} : memref<2x8x4096xf32, #tpu.memory_space<vmem>>, vector<16xf32>,
          %parallel_loop3A_921 = arith.constant 0 : i32
          %parallel_loop3A_922 = arith.addi %parallel_loop3A_89, %parallel_loop3A_921 : i32
          %parallel_loop3A_923 = arith.constant 112 : i32
          %parallel_loop3A_924 = arith.addi %parallel_loop3A_864, %parallel_loop3A_923 : i32
          %parallel_loop3A_925 = arith.index_cast %rem3A_31 : i32 to index
          %parallel_loop3A_926 = arith.index_cast %parallel_loop3A_922 : i32 to index
          %parallel_loop3A_927 = arith.index_cast %parallel_loop3A_924 : i32 to index
          %parallel_loop3A_928 = tpu.vector_load %arg4[%parallel_loop3A_925, %parallel_loop3A_926, %parallel_loop3A_927] {strides = array<i32>} : memref<2x8x4096xf32, #tpu.memory_space<vmem>>, vector<16xf32>,
          %parallel_loop3A_929 = arith.constant 0.000000e+00 : f32
          %parallel_loop3A_930 = vector.broadcast %parallel_loop3A_929 : f32 to vector<16xf32>
          %parallel_loop3A_931 = arith.subf %parallel_loop3A_930, %parallel_loop3A_872 : vector<16xf32>
          %parallel_loop3A_932 = arith.constant dense<true> : vector<16xi1>
          %parallel_loop3A_933, %parallel_loop3A_934, %parallel_loop3A_935 = tpu.sort %parallel_loop3A_931, %parallel_loop3A_931 masked %parallel_loop3A_932 : (vector<16xf32>, vector<16xf32>, vector<16xi1>) -> (vector<16xi1>, vector<16xf32>, vector<16xf32>)
          %parallel_loop3A_936 = arith.constant dense<true> : vector<16xi1>
          %parallel_loop3A_937, %parallel_loop3A_938, %parallel_loop3A_939 = tpu.sort %parallel_loop3A_880, %parallel_loop3A_880 masked %parallel_loop3A_936 : (vector<16xf32>, vector<16xf32>, vector<16xi1>) -> (vector<16xi1>, vector<16xf32>, vector<16xf32>)
          %parallel_loop3A_940 = arith.constant 0.000000e+00 : f32
          %parallel_loop3A_941 = vector.broadcast %parallel_loop3A_940 : f32 to vector<16xf32>
          %parallel_loop3A_942 = arith.subf %parallel_loop3A_941, %parallel_loop3A_938 : vector<16xf32>
          %parallel_loop3A_943 = arith.minimumf %parallel_loop3A_934, %parallel_loop3A_942 : vector<16xf32>
          %parallel_loop3A_944 = arith.maximumf %parallel_loop3A_934, %parallel_loop3A_942 : vector<16xf32>
          %parallel_loop3A_945 = arith.constant dense<true> : vector<16xi1>
          %parallel_loop3A_946, %parallel_loop3A_947, %parallel_loop3A_948 = tpu.sort %parallel_loop3A_943, %parallel_loop3A_943 masked %parallel_loop3A_945 : (vector<16xf32>, vector<16xf32>, vector<16xi1>) -> (vector<16xi1>, vector<16xf32>, vector<16xf32>)
          %parallel_loop3A_949 = arith.constant dense<true> : vector<16xi1>
          %parallel_loop3A_950, %parallel_loop3A_951, %parallel_loop3A_952 = tpu.sort %parallel_loop3A_944, %parallel_loop3A_944 masked %parallel_loop3A_949 : (vector<16xf32>, vector<16xf32>, vector<16xi1>) -> (vector<16xi1>, vector<16xf32>, vector<16xf32>)
          %parallel_loop3A_953 = arith.constant dense<true> : vector<16xi1>
          %parallel_loop3A_954, %parallel_loop3A_955, %parallel_loop3A_956 = tpu.sort %parallel_loop3A_888, %parallel_loop3A_888 masked %parallel_loop3A_953 : (vector<16xf32>, vector<16xf32>, vector<16xi1>) -> (vector<16xi1>, vector<16xf32>, vector<16xf32>)
          %parallel_loop3A_957 = arith.constant 0.000000e+00 : f32
          %parallel_loop3A_958 = vector.broadcast %parallel_loop3A_957 : f32 to vector<16xf32>
          %parallel_loop3A_959 = arith.subf %parallel_loop3A_958, %parallel_loop3A_896 : vector<16xf32>
          %parallel_loop3A_960 = arith.constant dense<true> : vector<16xi1>
          %parallel_loop3A_961, %parallel_loop3A_962, %parallel_loop3A_963 = tpu.sort %parallel_loop3A_959, %parallel_loop3A_959 masked %parallel_loop3A_960 : (vector<16xf32>, vector<16xf32>, vector<16xi1>) -> (vector<16xi1>, vector<16xf32>, vector<16xf32>)
          %parallel_loop3A_964 = arith.constant 0.000000e+00 : f32
          %parallel_loop3A_965 = vector.broadcast %parallel_loop3A_964 : f32 to vector<16xf32>
          %parallel_loop3A_966 = arith.subf %parallel_loop3A_965, %parallel_loop3A_962 : vector<16xf32>
          %parallel_loop3A_967 = arith.minimumf %parallel_loop3A_955, %parallel_loop3A_966 : vector<16xf32>
          %parallel_loop3A_968 = arith.maximumf %parallel_loop3A_955, %parallel_loop3A_966 : vector<16xf32>
          %parallel_loop3A_969 = arith.constant dense<true> : vector<16xi1>
          %parallel_loop3A_970, %parallel_loop3A_971, %parallel_loop3A_972 = tpu.sort %parallel_loop3A_967, %parallel_loop3A_967 masked %parallel_loop3A_969 : (vector<16xf32>, vector<16xf32>, vector<16xi1>) -> (vector<16xi1>, vector<16xf32>, vector<16xf32>)
          %parallel_loop3A_973 = arith.constant dense<true> : vector<16xi1>
          %parallel_loop3A_974, %parallel_loop3A_975, %parallel_loop3A_976 = tpu.sort %parallel_loop3A_968, %parallel_loop3A_968 masked %parallel_loop3A_973 : (vector<16xf32>, vector<16xf32>, vector<16xi1>) -> (vector<16xi1>, vector<16xf32>, vector<16xf32>)
          %parallel_loop3A_977 = arith.constant 0.000000e+00 : f32
          %parallel_loop3A_978 = vector.broadcast %parallel_loop3A_977 : f32 to vector<16xf32>
          %parallel_loop3A_979 = arith.subf %parallel_loop3A_978, %parallel_loop3A_971 : vector<16xf32>
          %parallel_loop3A_980 = arith.constant 0.000000e+00 : f32
          %parallel_loop3A_981 = vector.broadcast %parallel_loop3A_980 : f32 to vector<16xf32>
          %parallel_loop3A_982 = arith.subf %parallel_loop3A_981, %parallel_loop3A_975 : vector<16xf32>
          %parallel_loop3A_983 = arith.minimumf %parallel_loop3A_947, %parallel_loop3A_979 : vector<16xf32>
          %parallel_loop3A_984 = arith.minimumf %parallel_loop3A_951, %parallel_loop3A_982 : vector<16xf32>
          %parallel_loop3A_985 = arith.maximumf %parallel_loop3A_947, %parallel_loop3A_979 : vector<16xf32>
          %parallel_loop3A_986 = arith.maximumf %parallel_loop3A_951, %parallel_loop3A_982 : vector<16xf32>
          %parallel_loop3A_987 = arith.minimumf %parallel_loop3A_983, %parallel_loop3A_984 : vector<16xf32>
          %parallel_loop3A_988 = arith.maximumf %parallel_loop3A_983, %parallel_loop3A_984 : vector<16xf32>
          %parallel_loop3A_989 = arith.constant dense<true> : vector<16xi1>
          %parallel_loop3A_990, %parallel_loop3A_991, %parallel_loop3A_992 = tpu.sort %parallel_loop3A_987, %parallel_loop3A_987 masked %parallel_loop3A_989 : (vector<16xf32>, vector<16xf32>, vector<16xi1>) -> (vector<16xi1>, vector<16xf32>, vector<16xf32>)
          %parallel_loop3A_993 = arith.constant dense<true> : vector<16xi1>
          %parallel_loop3A_994, %parallel_loop3A_995, %parallel_loop3A_996 = tpu.sort %parallel_loop3A_988, %parallel_loop3A_988 masked %parallel_loop3A_993 : (vector<16xf32>, vector<16xf32>, vector<16xi1>) -> (vector<16xi1>, vector<16xf32>, vector<16xf32>)
          %parallel_loop3A_997 = arith.minimumf %parallel_loop3A_985, %parallel_loop3A_986 : vector<16xf32>
          %parallel_loop3A_998 = arith.maximumf %parallel_loop3A_985, %parallel_loop3A_986 : vector<16xf32>
          %parallel_loop3A_999 = arith.constant dense<true> : vector<16xi1>
          %parallel_loop3A_1000, %parallel_loop3A_1001, %parallel_loop3A_1002 = tpu.sort %parallel_loop3A_997, %parallel_loop3A_997 masked %parallel_loop3A_999 : (vector<16xf32>, vector<16xf32>, vector<16xi1>) -> (vector<16xi1>, vector<16xf32>, vector<16xf32>)
          %parallel_loop3A_1003 = arith.constant dense<true> : vector<16xi1>
          %parallel_loop3A_1004, %parallel_loop3A_1005, %parallel_loop3A_1006 = tpu.sort %parallel_loop3A_998, %parallel_loop3A_998 masked %parallel_loop3A_1003 : (vector<16xf32>, vector<16xf32>, vector<16xi1>) -> (vector<16xi1>, vector<16xf32>, vector<16xf32>)
          %parallel_loop3A_1007 = arith.constant dense<true> : vector<16xi1>
          %parallel_loop3A_1008, %parallel_loop3A_1009, %parallel_loop3A_1010 = tpu.sort %parallel_loop3A_904, %parallel_loop3A_904 masked %parallel_loop3A_1007 : (vector<16xf32>, vector<16xf32>, vector<16xi1>) -> (vector<16xi1>, vector<16xf32>, vector<16xf32>)
          %parallel_loop3A_1011 = arith.constant 0.000000e+00 : f32
          %parallel_loop3A_1012 = vector.broadcast %parallel_loop3A_1011 : f32 to vector<16xf32>
          %parallel_loop3A_1013 = arith.subf %parallel_loop3A_1012, %parallel_loop3A_912 : vector<16xf32>
          %parallel_loop3A_1014 = arith.constant dense<true> : vector<16xi1>
          %parallel_loop3A_1015, %parallel_loop3A_1016, %parallel_loop3A_1017 = tpu.sort %parallel_loop3A_1013, %parallel_loop3A_1013 masked %parallel_loop3A_1014 : (vector<16xf32>, vector<16xf32>, vector<16xi1>) -> (vector<16xi1>, vector<16xf32>, vector<16xf32>)
          %parallel_loop3A_1018 = arith.constant 0.000000e+00 : f32
          %parallel_loop3A_1019 = vector.broadcast %parallel_loop3A_1018 : f32 to vector<16xf32>
          %parallel_loop3A_1020 = arith.subf %parallel_loop3A_1019, %parallel_loop3A_1016 : vector<16xf32>
          %parallel_loop3A_1021 = arith.minimumf %parallel_loop3A_1009, %parallel_loop3A_1020 : vector<16xf32>
          %parallel_loop3A_1022 = arith.maximumf %parallel_loop3A_1009, %parallel_loop3A_1020 : vector<16xf32>
          %parallel_loop3A_1023 = arith.constant dense<true> : vector<16xi1>
          %parallel_loop3A_1024, %parallel_loop3A_1025, %parallel_loop3A_1026 = tpu.sort %parallel_loop3A_1021, %parallel_loop3A_1021 masked %parallel_loop3A_1023 : (vector<16xf32>, vector<16xf32>, vector<16xi1>) -> (vector<16xi1>, vector<16xf32>, vector<16xf32>)
          %parallel_loop3A_1027 = arith.constant dense<true> : vector<16xi1>
          %parallel_loop3A_1028, %parallel_loop3A_1029, %parallel_loop3A_1030 = tpu.sort %parallel_loop3A_1022, %parallel_loop3A_1022 masked %parallel_loop3A_1027 : (vector<16xf32>, vector<16xf32>, vector<16xi1>) -> (vector<16xi1>, vector<16xf32>, vector<16xf32>)
          %parallel_loop3A_1031 = arith.constant 0.000000e+00 : f32
          %parallel_loop3A_1032 = vector.broadcast %parallel_loop3A_1031 : f32 to vector<16xf32>
          %parallel_loop3A_1033 = arith.subf %parallel_loop3A_1032, %parallel_loop3A_920 : vector<16xf32>
          %parallel_loop3A_1034 = arith.constant dense<true> : vector<16xi1>
          %parallel_loop3A_1035, %parallel_loop3A_1036, %parallel_loop3A_1037 = tpu.sort %parallel_loop3A_1033, %parallel_loop3A_1033 masked %parallel_loop3A_1034 : (vector<16xf32>, vector<16xf32>, vector<16xi1>) -> (vector<16xi1>, vector<16xf32>, vector<16xf32>)
          %parallel_loop3A_1038 = arith.constant dense<true> : vector<16xi1>
          %parallel_loop3A_1039, %parallel_loop3A_1040, %parallel_loop3A_1041 = tpu.sort %parallel_loop3A_928, %parallel_loop3A_928 masked %parallel_loop3A_1038 : (vector<16xf32>, vector<16xf32>, vector<16xi1>) -> (vector<16xi1>, vector<16xf32>, vector<16xf32>)
          %parallel_loop3A_1042 = arith.constant 0.000000e+00 : f32
          %parallel_loop3A_1043 = vector.broadcast %parallel_loop3A_1042 : f32 to vector<16xf32>
          %parallel_loop3A_1044 = arith.subf %parallel_loop3A_1043, %parallel_loop3A_1040 : vector<16xf32>
          %parallel_loop3A_1045 = arith.minimumf %parallel_loop3A_1036, %parallel_loop3A_1044 : vector<16xf32>
          %parallel_loop3A_1046 = arith.maximumf %parallel_loop3A_1036, %parallel_loop3A_1044 : vector<16xf32>
          %parallel_loop3A_1047 = arith.constant dense<true> : vector<16xi1>
          %parallel_loop3A_1048, %parallel_loop3A_1049, %parallel_loop3A_1050 = tpu.sort %parallel_loop3A_1045, %parallel_loop3A_1045 masked %parallel_loop3A_1047 : (vector<16xf32>, vector<16xf32>, vector<16xi1>) -> (vector<16xi1>, vector<16xf32>, vector<16xf32>)
          %parallel_loop3A_1051 = arith.constant dense<true> : vector<16xi1>
          %parallel_loop3A_1052, %parallel_loop3A_1053, %parallel_loop3A_1054 = tpu.sort %parallel_loop3A_1046, %parallel_loop3A_1046 masked %parallel_loop3A_1051 : (vector<16xf32>, vector<16xf32>, vector<16xi1>) -> (vector<16xi1>, vector<16xf32>, vector<16xf32>)
          %parallel_loop3A_1055 = arith.constant 0.000000e+00 : f32
          %parallel_loop3A_1056 = vector.broadcast %parallel_loop3A_1055 : f32 to vector<16xf32>
          %parallel_loop3A_1057 = arith.subf %parallel_loop3A_1056, %parallel_loop3A_1049 : vector<16xf32>
          %parallel_loop3A_1058 = arith.constant 0.000000e+00 : f32
          %parallel_loop3A_1059 = vector.broadcast %parallel_loop3A_1058 : f32 to vector<16xf32>
          %parallel_loop3A_1060 = arith.subf %parallel_loop3A_1059, %parallel_loop3A_1053 : vector<16xf32>
          %parallel_loop3A_1061 = arith.minimumf %parallel_loop3A_1025, %parallel_loop3A_1057 : vector<16xf32>
          %parallel_loop3A_1062 = arith.minimumf %parallel_loop3A_1029, %parallel_loop3A_1060 : vector<16xf32>
          %parallel_loop3A_1063 = arith.maximumf %parallel_loop3A_1025, %parallel_loop3A_1057 : vector<16xf32>
          %parallel_loop3A_1064 = arith.maximumf %parallel_loop3A_1029, %parallel_loop3A_1060 : vector<16xf32>
          %parallel_loop3A_1065 = arith.minimumf %parallel_loop3A_1061, %parallel_loop3A_1062 : vector<16xf32>
          %parallel_loop3A_1066 = arith.maximumf %parallel_loop3A_1061, %parallel_loop3A_1062 : vector<16xf32>
          %parallel_loop3A_1067 = arith.constant dense<true> : vector<16xi1>
          %parallel_loop3A_1068, %parallel_loop3A_1069, %parallel_loop3A_1070 = tpu.sort %parallel_loop3A_1065, %parallel_loop3A_1065 masked %parallel_loop3A_1067 : (vector<16xf32>, vector<16xf32>, vector<16xi1>) -> (vector<16xi1>, vector<16xf32>, vector<16xf32>)
          %parallel_loop3A_1071 = arith.constant dense<true> : vector<16xi1>
          %parallel_loop3A_1072, %parallel_loop3A_1073, %parallel_loop3A_1074 = tpu.sort %parallel_loop3A_1066, %parallel_loop3A_1066 masked %parallel_loop3A_1071 : (vector<16xf32>, vector<16xf32>, vector<16xi1>) -> (vector<16xi1>, vector<16xf32>, vector<16xf32>)
          %parallel_loop3A_1075 = arith.minimumf %parallel_loop3A_1063, %parallel_loop3A_1064 : vector<16xf32>
          %parallel_loop3A_1076 = arith.maximumf %parallel_loop3A_1063, %parallel_loop3A_1064 : vector<16xf32>
          %parallel_loop3A_1077 = arith.constant dense<true> : vector<16xi1>
          %parallel_loop3A_1078, %parallel_loop3A_1079, %parallel_loop3A_1080 = tpu.sort %parallel_loop3A_1075, %parallel_loop3A_1075 masked %parallel_loop3A_1077 : (vector<16xf32>, vector<16xf32>, vector<16xi1>) -> (vector<16xi1>, vector<16xf32>, vector<16xf32>)
          %parallel_loop3A_1081 = arith.constant dense<true> : vector<16xi1>
          %parallel_loop3A_1082, %parallel_loop3A_1083, %parallel_loop3A_1084 = tpu.sort %parallel_loop3A_1076, %parallel_loop3A_1076 masked %parallel_loop3A_1081 : (vector<16xf32>, vector<16xf32>, vector<16xi1>) -> (vector<16xi1>, vector<16xf32>, vector<16xf32>)
          %parallel_loop3A_1085 = arith.constant 0.000000e+00 : f32
          %parallel_loop3A_1086 = vector.broadcast %parallel_loop3A_1085 : f32 to vector<16xf32>
          %parallel_loop3A_1087 = arith.subf %parallel_loop3A_1086, %parallel_loop3A_1069 : vector<16xf32>
          %parallel_loop3A_1088 = arith.constant 0.000000e+00 : f32
          %parallel_loop3A_1089 = vector.broadcast %parallel_loop3A_1088 : f32 to vector<16xf32>
          %parallel_loop3A_1090 = arith.subf %parallel_loop3A_1089, %parallel_loop3A_1073 : vector<16xf32>
          %parallel_loop3A_1091 = arith.constant 0.000000e+00 : f32
          %parallel_loop3A_1092 = vector.broadcast %parallel_loop3A_1091 : f32 to vector<16xf32>
          %parallel_loop3A_1093 = arith.subf %parallel_loop3A_1092, %parallel_loop3A_1079 : vector<16xf32>
          %parallel_loop3A_1094 = arith.constant 0.000000e+00 : f32
          %parallel_loop3A_1095 = vector.broadcast %parallel_loop3A_1094 : f32 to vector<16xf32>
          %parallel_loop3A_1096 = arith.subf %parallel_loop3A_1095, %parallel_loop3A_1083 : vector<16xf32>
          %parallel_loop3A_1097 = arith.minimumf %parallel_loop3A_991, %parallel_loop3A_1087 : vector<16xf32>
          %parallel_loop3A_1098 = arith.minimumf %parallel_loop3A_995, %parallel_loop3A_1090 : vector<16xf32>
          %parallel_loop3A_1099 = arith.minimumf %parallel_loop3A_1001, %parallel_loop3A_1093 : vector<16xf32>
          %parallel_loop3A_1100 = arith.minimumf %parallel_loop3A_1005, %parallel_loop3A_1096 : vector<16xf32>
          %parallel_loop3A_1101 = arith.maximumf %parallel_loop3A_991, %parallel_loop3A_1087 : vector<16xf32>
          %parallel_loop3A_1102 = arith.maximumf %parallel_loop3A_995, %parallel_loop3A_1090 : vector<16xf32>
          %parallel_loop3A_1103 = arith.maximumf %parallel_loop3A_1001, %parallel_loop3A_1093 : vector<16xf32>
          %parallel_loop3A_1104 = arith.maximumf %parallel_loop3A_1005, %parallel_loop3A_1096 : vector<16xf32>
          %parallel_loop3A_1105 = arith.minimumf %parallel_loop3A_1097, %parallel_loop3A_1099 : vector<16xf32>
          %parallel_loop3A_1106 = arith.minimumf %parallel_loop3A_1098, %parallel_loop3A_1100 : vector<16xf32>
          %parallel_loop3A_1107 = arith.maximumf %parallel_loop3A_1097, %parallel_loop3A_1099 : vector<16xf32>
          %parallel_loop3A_1108 = arith.maximumf %parallel_loop3A_1098, %parallel_loop3A_1100 : vector<16xf32>
          %parallel_loop3A_1109 = arith.minimumf %parallel_loop3A_1105, %parallel_loop3A_1106 : vector<16xf32>
          %parallel_loop3A_1110 = arith.maximumf %parallel_loop3A_1105, %parallel_loop3A_1106 : vector<16xf32>
          %parallel_loop3A_1111 = arith.constant dense<true> : vector<16xi1>
          %parallel_loop3A_1112, %parallel_loop3A_1113, %parallel_loop3A_1114 = tpu.sort %parallel_loop3A_1109, %parallel_loop3A_1109 masked %parallel_loop3A_1111 : (vector<16xf32>, vector<16xf32>, vector<16xi1>) -> (vector<16xi1>, vector<16xf32>, vector<16xf32>)
          %parallel_loop3A_1115 = arith.constant dense<true> : vector<16xi1>
          %parallel_loop3A_1116, %parallel_loop3A_1117, %parallel_loop3A_1118 = tpu.sort %parallel_loop3A_1110, %parallel_loop3A_1110 masked %parallel_loop3A_1115 : (vector<16xf32>, vector<16xf32>, vector<16xi1>) -> (vector<16xi1>, vector<16xf32>, vector<16xf32>)
          %parallel_loop3A_1119 = arith.minimumf %parallel_loop3A_1107, %parallel_loop3A_1108 : vector<16xf32>
          %parallel_loop3A_1120 = arith.maximumf %parallel_loop3A_1107, %parallel_loop3A_1108 : vector<16xf32>
          %parallel_loop3A_1121 = arith.constant dense<true> : vector<16xi1>
          %parallel_loop3A_1122, %parallel_loop3A_1123, %parallel_loop3A_1124 = tpu.sort %parallel_loop3A_1119, %parallel_loop3A_1119 masked %parallel_loop3A_1121 : (vector<16xf32>, vector<16xf32>, vector<16xi1>) -> (vector<16xi1>, vector<16xf32>, vector<16xf32>)
          %parallel_loop3A_1125 = arith.constant dense<true> : vector<16xi1>
          %parallel_loop3A_1126, %parallel_loop3A_1127, %parallel_loop3A_1128 = tpu.sort %parallel_loop3A_1120, %parallel_loop3A_1120 masked %parallel_loop3A_1125 : (vector<16xf32>, vector<16xf32>, vector<16xi1>) -> (vector<16xi1>, vector<16xf32>, vector<16xf32>)
          %parallel_loop3A_1129 = arith.minimumf %parallel_loop3A_1101, %parallel_loop3A_1103 : vector<16xf32>
          %parallel_loop3A_1130 = arith.minimumf %parallel_loop3A_1102, %parallel_loop3A_1104 : vector<16xf32>
          %parallel_loop3A_1131 = arith.maximumf %parallel_loop3A_1101, %parallel_loop3A_1103 : vector<16xf32>
          %parallel_loop3A_1132 = arith.maximumf %parallel_loop3A_1102, %parallel_loop3A_1104 : vector<16xf32>
          %parallel_loop3A_1133 = arith.minimumf %parallel_loop3A_1129, %parallel_loop3A_1130 : vector<16xf32>
          %parallel_loop3A_1134 = arith.maximumf %parallel_loop3A_1129, %parallel_loop3A_1130 : vector<16xf32>
          %parallel_loop3A_1135 = arith.constant dense<true> : vector<16xi1>
          %parallel_loop3A_1136, %parallel_loop3A_1137, %parallel_loop3A_1138 = tpu.sort %parallel_loop3A_1133, %parallel_loop3A_1133 masked %parallel_loop3A_1135 : (vector<16xf32>, vector<16xf32>, vector<16xi1>) -> (vector<16xi1>, vector<16xf32>, vector<16xf32>)
          %parallel_loop3A_1139 = arith.constant dense<true> : vector<16xi1>
          %parallel_loop3A_1140, %parallel_loop3A_1141, %parallel_loop3A_1142 = tpu.sort %parallel_loop3A_1134, %parallel_loop3A_1134 masked %parallel_loop3A_1139 : (vector<16xf32>, vector<16xf32>, vector<16xi1>) -> (vector<16xi1>, vector<16xf32>, vector<16xf32>)
          %parallel_loop3A_1143 = arith.minimumf %parallel_loop3A_1131, %parallel_loop3A_1132 : vector<16xf32>
          %parallel_loop3A_1144 = arith.maximumf %parallel_loop3A_1131, %parallel_loop3A_1132 : vector<16xf32>
          %parallel_loop3A_1145 = arith.constant dense<true> : vector<16xi1>
          %parallel_loop3A_1146, %parallel_loop3A_1147, %parallel_loop3A_1148 = tpu.sort %parallel_loop3A_1143, %parallel_loop3A_1143 masked %parallel_loop3A_1145 : (vector<16xf32>, vector<16xf32>, vector<16xi1>) -> (vector<16xi1>, vector<16xf32>, vector<16xf32>)
          %parallel_loop3A_1149 = arith.constant dense<true> : vector<16xi1>
          %parallel_loop3A_1150, %parallel_loop3A_1151, %parallel_loop3A_1152 = tpu.sort %parallel_loop3A_1144, %parallel_loop3A_1144 masked %parallel_loop3A_1149 : (vector<16xf32>, vector<16xf32>, vector<16xi1>) -> (vector<16xi1>, vector<16xf32>, vector<16xf32>)
          %parallel_loop3A_1153 = arith.constant 0.000000e+00 : f32
          %parallel_loop3A_1154 = vector.broadcast %parallel_loop3A_1153 : f32 to vector<16xf32>
          %parallel_loop3A_1155 = arith.subf %parallel_loop3A_1154, %parallel_loop3A_1113 : vector<16xf32>
          %parallel_loop3A_1156 = arith.maximumf %scan3A_847, %parallel_loop3A_1155 : vector<16xf32>
          %parallel_loop3A_1157 = arith.constant 0.000000e+00 : f32
          %parallel_loop3A_1158 = vector.broadcast %parallel_loop3A_1157 : f32 to vector<16xf32>
          %parallel_loop3A_1159 = arith.subf %parallel_loop3A_1158, %parallel_loop3A_1117 : vector<16xf32>
          %parallel_loop3A_1160 = arith.maximumf %scan3A_848, %parallel_loop3A_1159 : vector<16xf32>
          %parallel_loop3A_1161 = arith.constant 0.000000e+00 : f32
          %parallel_loop3A_1162 = vector.broadcast %parallel_loop3A_1161 : f32 to vector<16xf32>
          %parallel_loop3A_1163 = arith.subf %parallel_loop3A_1162, %parallel_loop3A_1123 : vector<16xf32>
          %parallel_loop3A_1164 = arith.maximumf %scan3A_849, %parallel_loop3A_1163 : vector<16xf32>
          %parallel_loop3A_1165 = arith.constant 0.000000e+00 : f32
          %parallel_loop3A_1166 = vector.broadcast %parallel_loop3A_1165 : f32 to vector<16xf32>
          %parallel_loop3A_1167 = arith.subf %parallel_loop3A_1166, %parallel_loop3A_1127 : vector<16xf32>
          %parallel_loop3A_1168 = arith.maximumf %scan3A_850, %parallel_loop3A_1167 : vector<16xf32>
          %parallel_loop3A_1169 = arith.constant 0.000000e+00 : f32
          %parallel_loop3A_1170 = vector.broadcast %parallel_loop3A_1169 : f32 to vector<16xf32>
          %parallel_loop3A_1171 = arith.subf %parallel_loop3A_1170, %parallel_loop3A_1137 : vector<16xf32>
          %parallel_loop3A_1172 = arith.maximumf %scan3A_851, %parallel_loop3A_1171 : vector<16xf32>
          %parallel_loop3A_1173 = arith.constant 0.000000e+00 : f32
          %parallel_loop3A_1174 = vector.broadcast %parallel_loop3A_1173 : f32 to vector<16xf32>
          %parallel_loop3A_1175 = arith.subf %parallel_loop3A_1174, %parallel_loop3A_1141 : vector<16xf32>
          %parallel_loop3A_1176 = arith.maximumf %scan3A_852, %parallel_loop3A_1175 : vector<16xf32>
          %parallel_loop3A_1177 = arith.constant 0.000000e+00 : f32
          %parallel_loop3A_1178 = vector.broadcast %parallel_loop3A_1177 : f32 to vector<16xf32>
          %parallel_loop3A_1179 = arith.subf %parallel_loop3A_1178, %parallel_loop3A_1147 : vector<16xf32>
          %parallel_loop3A_1180 = arith.maximumf %scan3A_853, %parallel_loop3A_1179 : vector<16xf32>
          %parallel_loop3A_1181 = arith.constant 0.000000e+00 : f32
          %parallel_loop3A_1182 = vector.broadcast %parallel_loop3A_1181 : f32 to vector<16xf32>
          %parallel_loop3A_1183 = arith.subf %parallel_loop3A_1182, %parallel_loop3A_1151 : vector<16xf32>
          %parallel_loop3A_1184 = arith.maximumf %scan3A_854, %parallel_loop3A_1183 : vector<16xf32>
          %parallel_loop3A_1185 = arith.minimumf %parallel_loop3A_1156, %parallel_loop3A_1172 : vector<16xf32>
          %parallel_loop3A_1186 = arith.minimumf %parallel_loop3A_1160, %parallel_loop3A_1176 : vector<16xf32>
          %parallel_loop3A_1187 = arith.minimumf %parallel_loop3A_1164, %parallel_loop3A_1180 : vector<16xf32>
          %parallel_loop3A_1188 = arith.minimumf %parallel_loop3A_1168, %parallel_loop3A_1184 : vector<16xf32>
          %parallel_loop3A_1189 = arith.maximumf %parallel_loop3A_1156, %parallel_loop3A_1172 : vector<16xf32>
          %parallel_loop3A_1190 = arith.maximumf %parallel_loop3A_1160, %parallel_loop3A_1176 : vector<16xf32>
          %parallel_loop3A_1191 = arith.maximumf %parallel_loop3A_1164, %parallel_loop3A_1180 : vector<16xf32>
          %parallel_loop3A_1192 = arith.maximumf %parallel_loop3A_1168, %parallel_loop3A_1184 : vector<16xf32>
          %parallel_loop3A_1193 = arith.minimumf %parallel_loop3A_1185, %parallel_loop3A_1187 : vector<16xf32>
          %parallel_loop3A_1194 = arith.minimumf %parallel_loop3A_1186, %parallel_loop3A_1188 : vector<16xf32>
          %parallel_loop3A_1195 = arith.maximumf %parallel_loop3A_1185, %parallel_loop3A_1187 : vector<16xf32>
          %parallel_loop3A_1196 = arith.maximumf %parallel_loop3A_1186, %parallel_loop3A_1188 : vector<16xf32>
          %parallel_loop3A_1197 = arith.minimumf %parallel_loop3A_1193, %parallel_loop3A_1194 : vector<16xf32>
          %parallel_loop3A_1198 = arith.maximumf %parallel_loop3A_1193, %parallel_loop3A_1194 : vector<16xf32>
          %parallel_loop3A_1199 = arith.constant dense<true> : vector<16xi1>
          %parallel_loop3A_1200, %parallel_loop3A_1201, %parallel_loop3A_1202 = tpu.sort %parallel_loop3A_1197, %parallel_loop3A_1197 masked %parallel_loop3A_1199 : (vector<16xf32>, vector<16xf32>, vector<16xi1>) -> (vector<16xi1>, vector<16xf32>, vector<16xf32>)
          %parallel_loop3A_1203 = arith.constant dense<true> : vector<16xi1>
          %parallel_loop3A_1204, %parallel_loop3A_1205, %parallel_loop3A_1206 = tpu.sort %parallel_loop3A_1198, %parallel_loop3A_1198 masked %parallel_loop3A_1203 : (vector<16xf32>, vector<16xf32>, vector<16xi1>) -> (vector<16xi1>, vector<16xf32>, vector<16xf32>)
          %parallel_loop3A_1207 = arith.minimumf %parallel_loop3A_1195, %parallel_loop3A_1196 : vector<16xf32>
          %parallel_loop3A_1208 = arith.maximumf %parallel_loop3A_1195, %parallel_loop3A_1196 : vector<16xf32>
          %parallel_loop3A_1209 = arith.constant dense<true> : vector<16xi1>
          %parallel_loop3A_1210, %parallel_loop3A_1211, %parallel_loop3A_1212 = tpu.sort %parallel_loop3A_1207, %parallel_loop3A_1207 masked %parallel_loop3A_1209 : (vector<16xf32>, vector<16xf32>, vector<16xi1>) -> (vector<16xi1>, vector<16xf32>, vector<16xf32>)
          %parallel_loop3A_1213 = arith.constant dense<true> : vector<16xi1>
          %parallel_loop3A_1214, %parallel_loop3A_1215, %parallel_loop3A_1216 = tpu.sort %parallel_loop3A_1208, %parallel_loop3A_1208 masked %parallel_loop3A_1213 : (vector<16xf32>, vector<16xf32>, vector<16xi1>) -> (vector<16xi1>, vector<16xf32>, vector<16xf32>)
          %parallel_loop3A_1217 = arith.minimumf %parallel_loop3A_1189, %parallel_loop3A_1191 : vector<16xf32>
          %parallel_loop3A_1218 = arith.minimumf %parallel_loop3A_1190, %parallel_loop3A_1192 : vector<16xf32>
          %parallel_loop3A_1219 = arith.maximumf %parallel_loop3A_1189, %parallel_loop3A_1191 : vector<16xf32>
          %parallel_loop3A_1220 = arith.maximumf %parallel_loop3A_1190, %parallel_loop3A_1192 : vector<16xf32>
          %parallel_loop3A_1221 = arith.minimumf %parallel_loop3A_1217, %parallel_loop3A_1218 : vector<16xf32>
          %parallel_loop3A_1222 = arith.maximumf %parallel_loop3A_1217, %parallel_loop3A_1218 : vector<16xf32>
          %parallel_loop3A_1223 = arith.constant dense<true> : vector<16xi1>
          %parallel_loop3A_1224, %parallel_loop3A_1225, %parallel_loop3A_1226 = tpu.sort %parallel_loop3A_1221, %parallel_loop3A_1221 masked %parallel_loop3A_1223 : (vector<16xf32>, vector<16xf32>, vector<16xi1>) -> (vector<16xi1>, vector<16xf32>, vector<16xf32>)
          %parallel_loop3A_1227 = arith.constant dense<true> : vector<16xi1>
          %parallel_loop3A_1228, %parallel_loop3A_1229, %parallel_loop3A_1230 = tpu.sort %parallel_loop3A_1222, %parallel_loop3A_1222 masked %parallel_loop3A_1227 : (vector<16xf32>, vector<16xf32>, vector<16xi1>) -> (vector<16xi1>, vector<16xf32>, vector<16xf32>)
          %parallel_loop3A_1231 = arith.minimumf %parallel_loop3A_1219, %parallel_loop3A_1220 : vector<16xf32>
          %parallel_loop3A_1232 = arith.maximumf %parallel_loop3A_1219, %parallel_loop3A_1220 : vector<16xf32>
          %parallel_loop3A_1233 = arith.constant dense<true> : vector<16xi1>
          %parallel_loop3A_1234, %parallel_loop3A_1235, %parallel_loop3A_1236 = tpu.sort %parallel_loop3A_1231, %parallel_loop3A_1231 masked %parallel_loop3A_1233 : (vector<16xf32>, vector<16xf32>, vector<16xi1>) -> (vector<16xi1>, vector<16xf32>, vector<16xf32>)
          %parallel_loop3A_1237 = arith.constant dense<true> : vector<16xi1>
          %parallel_loop3A_1238, %parallel_loop3A_1239, %parallel_loop3A_1240 = tpu.sort %parallel_loop3A_1232, %parallel_loop3A_1232 masked %parallel_loop3A_1237 : (vector<16xf32>, vector<16xf32>, vector<16xi1>) -> (vector<16xi1>, vector<16xf32>, vector<16xf32>)
          %parallel_loop3A_1241 = arith.constant 128 : i32
          %parallel_loop3A_1242 = arith.muli %scan3A_846, %parallel_loop3A_1241 : i32
          %parallel_loop3A_1243 = arith.constant 1 : i32
          %parallel_loop3A_1244 = arith.addi %parallel_loop3A_89, %parallel_loop3A_1243 : i32
          %parallel_loop3A_1245 = arith.constant 0 : i32
          %parallel_loop3A_1246 = arith.addi %parallel_loop3A_1242, %parallel_loop3A_1245 : i32
          %parallel_loop3A_1247 = arith.index_cast %rem3A_31 : i32 to index
          %parallel_loop3A_1248 = arith.index_cast %parallel_loop3A_1244 : i32 to index
          %parallel_loop3A_1249 = arith.index_cast %parallel_loop3A_1246 : i32 to index
          %parallel_loop3A_1250 = tpu.vector_load %arg4[%parallel_loop3A_1247, %parallel_loop3A_1248, %parallel_loop3A_1249] {strides = array<i32>} : memref<2x8x4096xf32, #tpu.memory_space<vmem>>, vector<16xf32>,
          %parallel_loop3A_1251 = arith.constant 1 : i32
          %parallel_loop3A_1252 = arith.addi %parallel_loop3A_89, %parallel_loop3A_1251 : i32
          %parallel_loop3A_1253 = arith.constant 16 : i32
          %parallel_loop3A_1254 = arith.addi %parallel_loop3A_1242, %parallel_loop3A_1253 : i32
          %parallel_loop3A_1255 = arith.index_cast %rem3A_31 : i32 to index
          %parallel_loop3A_1256 = arith.index_cast %parallel_loop3A_1252 : i32 to index
          %parallel_loop3A_1257 = arith.index_cast %parallel_loop3A_1254 : i32 to index
          %parallel_loop3A_1258 = tpu.vector_load %arg4[%parallel_loop3A_1255, %parallel_loop3A_1256, %parallel_loop3A_1257] {strides = array<i32>} : memref<2x8x4096xf32, #tpu.memory_space<vmem>>, vector<16xf32>,
          %parallel_loop3A_1259 = arith.constant 1 : i32
          %parallel_loop3A_1260 = arith.addi %parallel_loop3A_89, %parallel_loop3A_1259 : i32
          %parallel_loop3A_1261 = arith.constant 32 : i32
          %parallel_loop3A_1262 = arith.addi %parallel_loop3A_1242, %parallel_loop3A_1261 : i32
          %parallel_loop3A_1263 = arith.index_cast %rem3A_31 : i32 to index
          %parallel_loop3A_1264 = arith.index_cast %parallel_loop3A_1260 : i32 to index
          %parallel_loop3A_1265 = arith.index_cast %parallel_loop3A_1262 : i32 to index
          %parallel_loop3A_1266 = tpu.vector_load %arg4[%parallel_loop3A_1263, %parallel_loop3A_1264, %parallel_loop3A_1265] {strides = array<i32>} : memref<2x8x4096xf32, #tpu.memory_space<vmem>>, vector<16xf32>,
          %parallel_loop3A_1267 = arith.constant 1 : i32
          %parallel_loop3A_1268 = arith.addi %parallel_loop3A_89, %parallel_loop3A_1267 : i32
          %parallel_loop3A_1269 = arith.constant 48 : i32
          %parallel_loop3A_1270 = arith.addi %parallel_loop3A_1242, %parallel_loop3A_1269 : i32
          %parallel_loop3A_1271 = arith.index_cast %rem3A_31 : i32 to index
          %parallel_loop3A_1272 = arith.index_cast %parallel_loop3A_1268 : i32 to index
          %parallel_loop3A_1273 = arith.index_cast %parallel_loop3A_1270 : i32 to index
          %parallel_loop3A_1274 = tpu.vector_load %arg4[%parallel_loop3A_1271, %parallel_loop3A_1272, %parallel_loop3A_1273] {strides = array<i32>} : memref<2x8x4096xf32, #tpu.memory_space<vmem>>, vector<16xf32>,
          %parallel_loop3A_1275 = arith.constant 1 : i32
          %parallel_loop3A_1276 = arith.addi %parallel_loop3A_89, %parallel_loop3A_1275 : i32
          %parallel_loop3A_1277 = arith.constant 64 : i32
          %parallel_loop3A_1278 = arith.addi %parallel_loop3A_1242, %parallel_loop3A_1277 : i32
          %parallel_loop3A_1279 = arith.index_cast %rem3A_31 : i32 to index
          %parallel_loop3A_1280 = arith.index_cast %parallel_loop3A_1276 : i32 to index
          %parallel_loop3A_1281 = arith.index_cast %parallel_loop3A_1278 : i32 to index
          %parallel_loop3A_1282 = tpu.vector_load %arg4[%parallel_loop3A_1279, %parallel_loop3A_1280, %parallel_loop3A_1281] {strides = array<i32>} : memref<2x8x4096xf32, #tpu.memory_space<vmem>>, vector<16xf32>,
          %parallel_loop3A_1283 = arith.constant 1 : i32
          %parallel_loop3A_1284 = arith.addi %parallel_loop3A_89, %parallel_loop3A_1283 : i32
          %parallel_loop3A_1285 = arith.constant 80 : i32
          %parallel_loop3A_1286 = arith.addi %parallel_loop3A_1242, %parallel_loop3A_1285 : i32
          %parallel_loop3A_1287 = arith.index_cast %rem3A_31 : i32 to index
          %parallel_loop3A_1288 = arith.index_cast %parallel_loop3A_1284 : i32 to index
          %parallel_loop3A_1289 = arith.index_cast %parallel_loop3A_1286 : i32 to index
          %parallel_loop3A_1290 = tpu.vector_load %arg4[%parallel_loop3A_1287, %parallel_loop3A_1288, %parallel_loop3A_1289] {strides = array<i32>} : memref<2x8x4096xf32, #tpu.memory_space<vmem>>, vector<16xf32>,
          %parallel_loop3A_1291 = arith.constant 1 : i32
          %parallel_loop3A_1292 = arith.addi %parallel_loop3A_89, %parallel_loop3A_1291 : i32
          %parallel_loop3A_1293 = arith.constant 96 : i32
          %parallel_loop3A_1294 = arith.addi %parallel_loop3A_1242, %parallel_loop3A_1293 : i32
          %parallel_loop3A_1295 = arith.index_cast %rem3A_31 : i32 to index
          %parallel_loop3A_1296 = arith.index_cast %parallel_loop3A_1292 : i32 to index
          %parallel_loop3A_1297 = arith.index_cast %parallel_loop3A_1294 : i32 to index
          %parallel_loop3A_1298 = tpu.vector_load %arg4[%parallel_loop3A_1295, %parallel_loop3A_1296, %parallel_loop3A_1297] {strides = array<i32>} : memref<2x8x4096xf32, #tpu.memory_space<vmem>>, vector<16xf32>,
          %parallel_loop3A_1299 = arith.constant 1 : i32
          %parallel_loop3A_1300 = arith.addi %parallel_loop3A_89, %parallel_loop3A_1299 : i32
          %parallel_loop3A_1301 = arith.constant 112 : i32
          %parallel_loop3A_1302 = arith.addi %parallel_loop3A_1242, %parallel_loop3A_1301 : i32
          %parallel_loop3A_1303 = arith.index_cast %rem3A_31 : i32 to index
          %parallel_loop3A_1304 = arith.index_cast %parallel_loop3A_1300 : i32 to index
          %parallel_loop3A_1305 = arith.index_cast %parallel_loop3A_1302 : i32 to index
          %parallel_loop3A_1306 = tpu.vector_load %arg4[%parallel_loop3A_1303, %parallel_loop3A_1304, %parallel_loop3A_1305] {strides = array<i32>} : memref<2x8x4096xf32, #tpu.memory_space<vmem>>, vector<16xf32>,
          %parallel_loop3A_1307 = arith.constant 0.000000e+00 : f32
          %parallel_loop3A_1308 = vector.broadcast %parallel_loop3A_1307 : f32 to vector<16xf32>
          %parallel_loop3A_1309 = arith.subf %parallel_loop3A_1308, %parallel_loop3A_1250 : vector<16xf32>
          %parallel_loop3A_1310 = arith.constant dense<true> : vector<16xi1>
          %parallel_loop3A_1311, %parallel_loop3A_1312, %parallel_loop3A_1313 = tpu.sort %parallel_loop3A_1309, %parallel_loop3A_1309 masked %parallel_loop3A_1310 : (vector<16xf32>, vector<16xf32>, vector<16xi1>) -> (vector<16xi1>, vector<16xf32>, vector<16xf32>)
          %parallel_loop3A_1314 = arith.constant dense<true> : vector<16xi1>
          %parallel_loop3A_1315, %parallel_loop3A_1316, %parallel_loop3A_1317 = tpu.sort %parallel_loop3A_1258, %parallel_loop3A_1258 masked %parallel_loop3A_1314 : (vector<16xf32>, vector<16xf32>, vector<16xi1>) -> (vector<16xi1>, vector<16xf32>, vector<16xf32>)
          %parallel_loop3A_1318 = arith.constant 0.000000e+00 : f32
          %parallel_loop3A_1319 = vector.broadcast %parallel_loop3A_1318 : f32 to vector<16xf32>
          %parallel_loop3A_1320 = arith.subf %parallel_loop3A_1319, %parallel_loop3A_1316 : vector<16xf32>
          %parallel_loop3A_1321 = arith.minimumf %parallel_loop3A_1312, %parallel_loop3A_1320 : vector<16xf32>
          %parallel_loop3A_1322 = arith.maximumf %parallel_loop3A_1312, %parallel_loop3A_1320 : vector<16xf32>
          %parallel_loop3A_1323 = arith.constant dense<true> : vector<16xi1>
          %parallel_loop3A_1324, %parallel_loop3A_1325, %parallel_loop3A_1326 = tpu.sort %parallel_loop3A_1321, %parallel_loop3A_1321 masked %parallel_loop3A_1323 : (vector<16xf32>, vector<16xf32>, vector<16xi1>) -> (vector<16xi1>, vector<16xf32>, vector<16xf32>)
          %parallel_loop3A_1327 = arith.constant dense<true> : vector<16xi1>
          %parallel_loop3A_1328, %parallel_loop3A_1329, %parallel_loop3A_1330 = tpu.sort %parallel_loop3A_1322, %parallel_loop3A_1322 masked %parallel_loop3A_1327 : (vector<16xf32>, vector<16xf32>, vector<16xi1>) -> (vector<16xi1>, vector<16xf32>, vector<16xf32>)
          %parallel_loop3A_1331 = arith.constant dense<true> : vector<16xi1>
          %parallel_loop3A_1332, %parallel_loop3A_1333, %parallel_loop3A_1334 = tpu.sort %parallel_loop3A_1266, %parallel_loop3A_1266 masked %parallel_loop3A_1331 : (vector<16xf32>, vector<16xf32>, vector<16xi1>) -> (vector<16xi1>, vector<16xf32>, vector<16xf32>)
          %parallel_loop3A_1335 = arith.constant 0.000000e+00 : f32
          %parallel_loop3A_1336 = vector.broadcast %parallel_loop3A_1335 : f32 to vector<16xf32>
          %parallel_loop3A_1337 = arith.subf %parallel_loop3A_1336, %parallel_loop3A_1274 : vector<16xf32>
          %parallel_loop3A_1338 = arith.constant dense<true> : vector<16xi1>
          %parallel_loop3A_1339, %parallel_loop3A_1340, %parallel_loop3A_1341 = tpu.sort %parallel_loop3A_1337, %parallel_loop3A_1337 masked %parallel_loop3A_1338 : (vector<16xf32>, vector<16xf32>, vector<16xi1>) -> (vector<16xi1>, vector<16xf32>, vector<16xf32>)
          %parallel_loop3A_1342 = arith.constant 0.000000e+00 : f32
          %parallel_loop3A_1343 = vector.broadcast %parallel_loop3A_1342 : f32 to vector<16xf32>
          %parallel_loop3A_1344 = arith.subf %parallel_loop3A_1343, %parallel_loop3A_1340 : vector<16xf32>
          %parallel_loop3A_1345 = arith.minimumf %parallel_loop3A_1333, %parallel_loop3A_1344 : vector<16xf32>
          %parallel_loop3A_1346 = arith.maximumf %parallel_loop3A_1333, %parallel_loop3A_1344 : vector<16xf32>
          %parallel_loop3A_1347 = arith.constant dense<true> : vector<16xi1>
          %parallel_loop3A_1348, %parallel_loop3A_1349, %parallel_loop3A_1350 = tpu.sort %parallel_loop3A_1345, %parallel_loop3A_1345 masked %parallel_loop3A_1347 : (vector<16xf32>, vector<16xf32>, vector<16xi1>) -> (vector<16xi1>, vector<16xf32>, vector<16xf32>)
          %parallel_loop3A_1351 = arith.constant dense<true> : vector<16xi1>
          %parallel_loop3A_1352, %parallel_loop3A_1353, %parallel_loop3A_1354 = tpu.sort %parallel_loop3A_1346, %parallel_loop3A_1346 masked %parallel_loop3A_1351 : (vector<16xf32>, vector<16xf32>, vector<16xi1>) -> (vector<16xi1>, vector<16xf32>, vector<16xf32>)
          %parallel_loop3A_1355 = arith.constant 0.000000e+00 : f32
          %parallel_loop3A_1356 = vector.broadcast %parallel_loop3A_1355 : f32 to vector<16xf32>
          %parallel_loop3A_1357 = arith.subf %parallel_loop3A_1356, %parallel_loop3A_1349 : vector<16xf32>
          %parallel_loop3A_1358 = arith.constant 0.000000e+00 : f32
          %parallel_loop3A_1359 = vector.broadcast %parallel_loop3A_1358 : f32 to vector<16xf32>
          %parallel_loop3A_1360 = arith.subf %parallel_loop3A_1359, %parallel_loop3A_1353 : vector<16xf32>
          %parallel_loop3A_1361 = arith.minimumf %parallel_loop3A_1325, %parallel_loop3A_1357 : vector<16xf32>
          %parallel_loop3A_1362 = arith.minimumf %parallel_loop3A_1329, %parallel_loop3A_1360 : vector<16xf32>
          %parallel_loop3A_1363 = arith.maximumf %parallel_loop3A_1325, %parallel_loop3A_1357 : vector<16xf32>
          %parallel_loop3A_1364 = arith.maximumf %parallel_loop3A_1329, %parallel_loop3A_1360 : vector<16xf32>
          %parallel_loop3A_1365 = arith.minimumf %parallel_loop3A_1361, %parallel_loop3A_1362 : vector<16xf32>
          %parallel_loop3A_1366 = arith.maximumf %parallel_loop3A_1361, %parallel_loop3A_1362 : vector<16xf32>
          %parallel_loop3A_1367 = arith.constant dense<true> : vector<16xi1>
          %parallel_loop3A_1368, %parallel_loop3A_1369, %parallel_loop3A_1370 = tpu.sort %parallel_loop3A_1365, %parallel_loop3A_1365 masked %parallel_loop3A_1367 : (vector<16xf32>, vector<16xf32>, vector<16xi1>) -> (vector<16xi1>, vector<16xf32>, vector<16xf32>)
          %parallel_loop3A_1371 = arith.constant dense<true> : vector<16xi1>
          %parallel_loop3A_1372, %parallel_loop3A_1373, %parallel_loop3A_1374 = tpu.sort %parallel_loop3A_1366, %parallel_loop3A_1366 masked %parallel_loop3A_1371 : (vector<16xf32>, vector<16xf32>, vector<16xi1>) -> (vector<16xi1>, vector<16xf32>, vector<16xf32>)
          %parallel_loop3A_1375 = arith.minimumf %parallel_loop3A_1363, %parallel_loop3A_1364 : vector<16xf32>
          %parallel_loop3A_1376 = arith.maximumf %parallel_loop3A_1363, %parallel_loop3A_1364 : vector<16xf32>
          %parallel_loop3A_1377 = arith.constant dense<true> : vector<16xi1>
          %parallel_loop3A_1378, %parallel_loop3A_1379, %parallel_loop3A_1380 = tpu.sort %parallel_loop3A_1375, %parallel_loop3A_1375 masked %parallel_loop3A_1377 : (vector<16xf32>, vector<16xf32>, vector<16xi1>) -> (vector<16xi1>, vector<16xf32>, vector<16xf32>)
          %parallel_loop3A_1381 = arith.constant dense<true> : vector<16xi1>
          %parallel_loop3A_1382, %parallel_loop3A_1383, %parallel_loop3A_1384 = tpu.sort %parallel_loop3A_1376, %parallel_loop3A_1376 masked %parallel_loop3A_1381 : (vector<16xf32>, vector<16xf32>, vector<16xi1>) -> (vector<16xi1>, vector<16xf32>, vector<16xf32>)
          %parallel_loop3A_1385 = arith.constant dense<true> : vector<16xi1>
          %parallel_loop3A_1386, %parallel_loop3A_1387, %parallel_loop3A_1388 = tpu.sort %parallel_loop3A_1282, %parallel_loop3A_1282 masked %parallel_loop3A_1385 : (vector<16xf32>, vector<16xf32>, vector<16xi1>) -> (vector<16xi1>, vector<16xf32>, vector<16xf32>)
          %parallel_loop3A_1389 = arith.constant 0.000000e+00 : f32
          %parallel_loop3A_1390 = vector.broadcast %parallel_loop3A_1389 : f32 to vector<16xf32>
          %parallel_loop3A_1391 = arith.subf %parallel_loop3A_1390, %parallel_loop3A_1290 : vector<16xf32>
          %parallel_loop3A_1392 = arith.constant dense<true> : vector<16xi1>
          %parallel_loop3A_1393, %parallel_loop3A_1394, %parallel_loop3A_1395 = tpu.sort %parallel_loop3A_1391, %parallel_loop3A_1391 masked %parallel_loop3A_1392 : (vector<16xf32>, vector<16xf32>, vector<16xi1>) -> (vector<16xi1>, vector<16xf32>, vector<16xf32>)
          %parallel_loop3A_1396 = arith.constant 0.000000e+00 : f32
          %parallel_loop3A_1397 = vector.broadcast %parallel_loop3A_1396 : f32 to vector<16xf32>
          %parallel_loop3A_1398 = arith.subf %parallel_loop3A_1397, %parallel_loop3A_1394 : vector<16xf32>
          %parallel_loop3A_1399 = arith.minimumf %parallel_loop3A_1387, %parallel_loop3A_1398 : vector<16xf32>
          %parallel_loop3A_1400 = arith.maximumf %parallel_loop3A_1387, %parallel_loop3A_1398 : vector<16xf32>
          %parallel_loop3A_1401 = arith.constant dense<true> : vector<16xi1>
          %parallel_loop3A_1402, %parallel_loop3A_1403, %parallel_loop3A_1404 = tpu.sort %parallel_loop3A_1399, %parallel_loop3A_1399 masked %parallel_loop3A_1401 : (vector<16xf32>, vector<16xf32>, vector<16xi1>) -> (vector<16xi1>, vector<16xf32>, vector<16xf32>)
          %parallel_loop3A_1405 = arith.constant dense<true> : vector<16xi1>
          %parallel_loop3A_1406, %parallel_loop3A_1407, %parallel_loop3A_1408 = tpu.sort %parallel_loop3A_1400, %parallel_loop3A_1400 masked %parallel_loop3A_1405 : (vector<16xf32>, vector<16xf32>, vector<16xi1>) -> (vector<16xi1>, vector<16xf32>, vector<16xf32>)
          %parallel_loop3A_1409 = arith.constant 0.000000e+00 : f32
          %parallel_loop3A_1410 = vector.broadcast %parallel_loop3A_1409 : f32 to vector<16xf32>
          %parallel_loop3A_1411 = arith.subf %parallel_loop3A_1410, %parallel_loop3A_1298 : vector<16xf32>
          %parallel_loop3A_1412 = arith.constant dense<true> : vector<16xi1>
          %parallel_loop3A_1413, %parallel_loop3A_1414, %parallel_loop3A_1415 = tpu.sort %parallel_loop3A_1411, %parallel_loop3A_1411 masked %parallel_loop3A_1412 : (vector<16xf32>, vector<16xf32>, vector<16xi1>) -> (vector<16xi1>, vector<16xf32>, vector<16xf32>)
          %parallel_loop3A_1416 = arith.constant dense<true> : vector<16xi1>
          %parallel_loop3A_1417, %parallel_loop3A_1418, %parallel_loop3A_1419 = tpu.sort %parallel_loop3A_1306, %parallel_loop3A_1306 masked %parallel_loop3A_1416 : (vector<16xf32>, vector<16xf32>, vector<16xi1>) -> (vector<16xi1>, vector<16xf32>, vector<16xf32>)
          %parallel_loop3A_1420 = arith.constant 0.000000e+00 : f32
          %parallel_loop3A_1421 = vector.broadcast %parallel_loop3A_1420 : f32 to vector<16xf32>
          %parallel_loop3A_1422 = arith.subf %parallel_loop3A_1421, %parallel_loop3A_1418 : vector<16xf32>
          %parallel_loop3A_1423 = arith.minimumf %parallel_loop3A_1414, %parallel_loop3A_1422 : vector<16xf32>
          %parallel_loop3A_1424 = arith.maximumf %parallel_loop3A_1414, %parallel_loop3A_1422 : vector<16xf32>
          %parallel_loop3A_1425 = arith.constant dense<true> : vector<16xi1>
          %parallel_loop3A_1426, %parallel_loop3A_1427, %parallel_loop3A_1428 = tpu.sort %parallel_loop3A_1423, %parallel_loop3A_1423 masked %parallel_loop3A_1425 : (vector<16xf32>, vector<16xf32>, vector<16xi1>) -> (vector<16xi1>, vector<16xf32>, vector<16xf32>)
          %parallel_loop3A_1429 = arith.constant dense<true> : vector<16xi1>
          %parallel_loop3A_1430, %parallel_loop3A_1431, %parallel_loop3A_1432 = tpu.sort %parallel_loop3A_1424, %parallel_loop3A_1424 masked %parallel_loop3A_1429 : (vector<16xf32>, vector<16xf32>, vector<16xi1>) -> (vector<16xi1>, vector<16xf32>, vector<16xf32>)
          %parallel_loop3A_1433 = arith.constant 0.000000e+00 : f32
          %parallel_loop3A_1434 = vector.broadcast %parallel_loop3A_1433 : f32 to vector<16xf32>
          %parallel_loop3A_1435 = arith.subf %parallel_loop3A_1434, %parallel_loop3A_1427 : vector<16xf32>
          %parallel_loop3A_1436 = arith.constant 0.000000e+00 : f32
          %parallel_loop3A_1437 = vector.broadcast %parallel_loop3A_1436 : f32 to vector<16xf32>
          %parallel_loop3A_1438 = arith.subf %parallel_loop3A_1437, %parallel_loop3A_1431 : vector<16xf32>
          %parallel_loop3A_1439 = arith.minimumf %parallel_loop3A_1403, %parallel_loop3A_1435 : vector<16xf32>
          %parallel_loop3A_1440 = arith.minimumf %parallel_loop3A_1407, %parallel_loop3A_1438 : vector<16xf32>
          %parallel_loop3A_1441 = arith.maximumf %parallel_loop3A_1403, %parallel_loop3A_1435 : vector<16xf32>
          %parallel_loop3A_1442 = arith.maximumf %parallel_loop3A_1407, %parallel_loop3A_1438 : vector<16xf32>
          %parallel_loop3A_1443 = arith.minimumf %parallel_loop3A_1439, %parallel_loop3A_1440 : vector<16xf32>
          %parallel_loop3A_1444 = arith.maximumf %parallel_loop3A_1439, %parallel_loop3A_1440 : vector<16xf32>
          %parallel_loop3A_1445 = arith.constant dense<true> : vector<16xi1>
          %parallel_loop3A_1446, %parallel_loop3A_1447, %parallel_loop3A_1448 = tpu.sort %parallel_loop3A_1443, %parallel_loop3A_1443 masked %parallel_loop3A_1445 : (vector<16xf32>, vector<16xf32>, vector<16xi1>) -> (vector<16xi1>, vector<16xf32>, vector<16xf32>)
          %parallel_loop3A_1449 = arith.constant dense<true> : vector<16xi1>
          %parallel_loop3A_1450, %parallel_loop3A_1451, %parallel_loop3A_1452 = tpu.sort %parallel_loop3A_1444, %parallel_loop3A_1444 masked %parallel_loop3A_1449 : (vector<16xf32>, vector<16xf32>, vector<16xi1>) -> (vector<16xi1>, vector<16xf32>, vector<16xf32>)
          %parallel_loop3A_1453 = arith.minimumf %parallel_loop3A_1441, %parallel_loop3A_1442 : vector<16xf32>
          %parallel_loop3A_1454 = arith.maximumf %parallel_loop3A_1441, %parallel_loop3A_1442 : vector<16xf32>
          %parallel_loop3A_1455 = arith.constant dense<true> : vector<16xi1>
          %parallel_loop3A_1456, %parallel_loop3A_1457, %parallel_loop3A_1458 = tpu.sort %parallel_loop3A_1453, %parallel_loop3A_1453 masked %parallel_loop3A_1455 : (vector<16xf32>, vector<16xf32>, vector<16xi1>) -> (vector<16xi1>, vector<16xf32>, vector<16xf32>)
          %parallel_loop3A_1459 = arith.constant dense<true> : vector<16xi1>
          %parallel_loop3A_1460, %parallel_loop3A_1461, %parallel_loop3A_1462 = tpu.sort %parallel_loop3A_1454, %parallel_loop3A_1454 masked %parallel_loop3A_1459 : (vector<16xf32>, vector<16xf32>, vector<16xi1>) -> (vector<16xi1>, vector<16xf32>, vector<16xf32>)
          %parallel_loop3A_1463 = arith.constant 0.000000e+00 : f32
          %parallel_loop3A_1464 = vector.broadcast %parallel_loop3A_1463 : f32 to vector<16xf32>
          %parallel_loop3A_1465 = arith.subf %parallel_loop3A_1464, %parallel_loop3A_1447 : vector<16xf32>
          %parallel_loop3A_1466 = arith.constant 0.000000e+00 : f32
          %parallel_loop3A_1467 = vector.broadcast %parallel_loop3A_1466 : f32 to vector<16xf32>
          %parallel_loop3A_1468 = arith.subf %parallel_loop3A_1467, %parallel_loop3A_1451 : vector<16xf32>
          %parallel_loop3A_1469 = arith.constant 0.000000e+00 : f32
          %parallel_loop3A_1470 = vector.broadcast %parallel_loop3A_1469 : f32 to vector<16xf32>
          %parallel_loop3A_1471 = arith.subf %parallel_loop3A_1470, %parallel_loop3A_1457 : vector<16xf32>
          %parallel_loop3A_1472 = arith.constant 0.000000e+00 : f32
          %parallel_loop3A_1473 = vector.broadcast %parallel_loop3A_1472 : f32 to vector<16xf32>
          %parallel_loop3A_1474 = arith.subf %parallel_loop3A_1473, %parallel_loop3A_1461 : vector<16xf32>
          %parallel_loop3A_1475 = arith.minimumf %parallel_loop3A_1369, %parallel_loop3A_1465 : vector<16xf32>
          %parallel_loop3A_1476 = arith.minimumf %parallel_loop3A_1373, %parallel_loop3A_1468 : vector<16xf32>
          %parallel_loop3A_1477 = arith.minimumf %parallel_loop3A_1379, %parallel_loop3A_1471 : vector<16xf32>
          %parallel_loop3A_1478 = arith.minimumf %parallel_loop3A_1383, %parallel_loop3A_1474 : vector<16xf32>
          %parallel_loop3A_1479 = arith.maximumf %parallel_loop3A_1369, %parallel_loop3A_1465 : vector<16xf32>
          %parallel_loop3A_1480 = arith.maximumf %parallel_loop3A_1373, %parallel_loop3A_1468 : vector<16xf32>
          %parallel_loop3A_1481 = arith.maximumf %parallel_loop3A_1379, %parallel_loop3A_1471 : vector<16xf32>
          %parallel_loop3A_1482 = arith.maximumf %parallel_loop3A_1383, %parallel_loop3A_1474 : vector<16xf32>
          %parallel_loop3A_1483 = arith.minimumf %parallel_loop3A_1475, %parallel_loop3A_1477 : vector<16xf32>
          %parallel_loop3A_1484 = arith.minimumf %parallel_loop3A_1476, %parallel_loop3A_1478 : vector<16xf32>
          %parallel_loop3A_1485 = arith.maximumf %parallel_loop3A_1475, %parallel_loop3A_1477 : vector<16xf32>
          %parallel_loop3A_1486 = arith.maximumf %parallel_loop3A_1476, %parallel_loop3A_1478 : vector<16xf32>
          %parallel_loop3A_1487 = arith.minimumf %parallel_loop3A_1483, %parallel_loop3A_1484 : vector<16xf32>
          %parallel_loop3A_1488 = arith.maximumf %parallel_loop3A_1483, %parallel_loop3A_1484 : vector<16xf32>
          %parallel_loop3A_1489 = arith.constant dense<true> : vector<16xi1>
          %parallel_loop3A_1490, %parallel_loop3A_1491, %parallel_loop3A_1492 = tpu.sort %parallel_loop3A_1487, %parallel_loop3A_1487 masked %parallel_loop3A_1489 : (vector<16xf32>, vector<16xf32>, vector<16xi1>) -> (vector<16xi1>, vector<16xf32>, vector<16xf32>)
          %parallel_loop3A_1493 = arith.constant dense<true> : vector<16xi1>
          %parallel_loop3A_1494, %parallel_loop3A_1495, %parallel_loop3A_1496 = tpu.sort %parallel_loop3A_1488, %parallel_loop3A_1488 masked %parallel_loop3A_1493 : (vector<16xf32>, vector<16xf32>, vector<16xi1>) -> (vector<16xi1>, vector<16xf32>, vector<16xf32>)
          %parallel_loop3A_1497 = arith.minimumf %parallel_loop3A_1485, %parallel_loop3A_1486 : vector<16xf32>
          %parallel_loop3A_1498 = arith.maximumf %parallel_loop3A_1485, %parallel_loop3A_1486 : vector<16xf32>
          %parallel_loop3A_1499 = arith.constant dense<true> : vector<16xi1>
          %parallel_loop3A_1500, %parallel_loop3A_1501, %parallel_loop3A_1502 = tpu.sort %parallel_loop3A_1497, %parallel_loop3A_1497 masked %parallel_loop3A_1499 : (vector<16xf32>, vector<16xf32>, vector<16xi1>) -> (vector<16xi1>, vector<16xf32>, vector<16xf32>)
          %parallel_loop3A_1503 = arith.constant dense<true> : vector<16xi1>
          %parallel_loop3A_1504, %parallel_loop3A_1505, %parallel_loop3A_1506 = tpu.sort %parallel_loop3A_1498, %parallel_loop3A_1498 masked %parallel_loop3A_1503 : (vector<16xf32>, vector<16xf32>, vector<16xi1>) -> (vector<16xi1>, vector<16xf32>, vector<16xf32>)
          %parallel_loop3A_1507 = arith.minimumf %parallel_loop3A_1479, %parallel_loop3A_1481 : vector<16xf32>
          %parallel_loop3A_1508 = arith.minimumf %parallel_loop3A_1480, %parallel_loop3A_1482 : vector<16xf32>
          %parallel_loop3A_1509 = arith.maximumf %parallel_loop3A_1479, %parallel_loop3A_1481 : vector<16xf32>
          %parallel_loop3A_1510 = arith.maximumf %parallel_loop3A_1480, %parallel_loop3A_1482 : vector<16xf32>
          %parallel_loop3A_1511 = arith.minimumf %parallel_loop3A_1507, %parallel_loop3A_1508 : vector<16xf32>
          %parallel_loop3A_1512 = arith.maximumf %parallel_loop3A_1507, %parallel_loop3A_1508 : vector<16xf32>
          %parallel_loop3A_1513 = arith.constant dense<true> : vector<16xi1>
          %parallel_loop3A_1514, %parallel_loop3A_1515, %parallel_loop3A_1516 = tpu.sort %parallel_loop3A_1511, %parallel_loop3A_1511 masked %parallel_loop3A_1513 : (vector<16xf32>, vector<16xf32>, vector<16xi1>) -> (vector<16xi1>, vector<16xf32>, vector<16xf32>)
          %parallel_loop3A_1517 = arith.constant dense<true> : vector<16xi1>
          %parallel_loop3A_1518, %parallel_loop3A_1519, %parallel_loop3A_1520 = tpu.sort %parallel_loop3A_1512, %parallel_loop3A_1512 masked %parallel_loop3A_1517 : (vector<16xf32>, vector<16xf32>, vector<16xi1>) -> (vector<16xi1>, vector<16xf32>, vector<16xf32>)
          %parallel_loop3A_1521 = arith.minimumf %parallel_loop3A_1509, %parallel_loop3A_1510 : vector<16xf32>
          %parallel_loop3A_1522 = arith.maximumf %parallel_loop3A_1509, %parallel_loop3A_1510 : vector<16xf32>
          %parallel_loop3A_1523 = arith.constant dense<true> : vector<16xi1>
          %parallel_loop3A_1524, %parallel_loop3A_1525, %parallel_loop3A_1526 = tpu.sort %parallel_loop3A_1521, %parallel_loop3A_1521 masked %parallel_loop3A_1523 : (vector<16xf32>, vector<16xf32>, vector<16xi1>) -> (vector<16xi1>, vector<16xf32>, vector<16xf32>)
          %parallel_loop3A_1527 = arith.constant dense<true> : vector<16xi1>
          %parallel_loop3A_1528, %parallel_loop3A_1529, %parallel_loop3A_1530 = tpu.sort %parallel_loop3A_1522, %parallel_loop3A_1522 masked %parallel_loop3A_1527 : (vector<16xf32>, vector<16xf32>, vector<16xi1>) -> (vector<16xi1>, vector<16xf32>, vector<16xf32>)
          %parallel_loop3A_1531 = arith.constant 0.000000e+00 : f32
          %parallel_loop3A_1532 = vector.broadcast %parallel_loop3A_1531 : f32 to vector<16xf32>
          %parallel_loop3A_1533 = arith.subf %parallel_loop3A_1532, %parallel_loop3A_1491 : vector<16xf32>
          %parallel_loop3A_1534 = arith.maximumf %scan3A_855, %parallel_loop3A_1533 : vector<16xf32>
          %parallel_loop3A_1535 = arith.constant 0.000000e+00 : f32
          %parallel_loop3A_1536 = vector.broadcast %parallel_loop3A_1535 : f32 to vector<16xf32>
          %parallel_loop3A_1537 = arith.subf %parallel_loop3A_1536, %parallel_loop3A_1495 : vector<16xf32>
          %parallel_loop3A_1538 = arith.maximumf %scan3A_856, %parallel_loop3A_1537 : vector<16xf32>
          %parallel_loop3A_1539 = arith.constant 0.000000e+00 : f32
          %parallel_loop3A_1540 = vector.broadcast %parallel_loop3A_1539 : f32 to vector<16xf32>
          %parallel_loop3A_1541 = arith.subf %parallel_loop3A_1540, %parallel_loop3A_1501 : vector<16xf32>
          %parallel_loop3A_1542 = arith.maximumf %scan3A_857, %parallel_loop3A_1541 : vector<16xf32>
          %parallel_loop3A_1543 = arith.constant 0.000000e+00 : f32
          %parallel_loop3A_1544 = vector.broadcast %parallel_loop3A_1543 : f32 to vector<16xf32>
          %parallel_loop3A_1545 = arith.subf %parallel_loop3A_1544, %parallel_loop3A_1505 : vector<16xf32>
          %parallel_loop3A_1546 = arith.maximumf %scan3A_858, %parallel_loop3A_1545 : vector<16xf32>
          %parallel_loop3A_1547 = arith.constant 0.000000e+00 : f32
          %parallel_loop3A_1548 = vector.broadcast %parallel_loop3A_1547 : f32 to vector<16xf32>
          %parallel_loop3A_1549 = arith.subf %parallel_loop3A_1548, %parallel_loop3A_1515 : vector<16xf32>
          %parallel_loop3A_1550 = arith.maximumf %scan3A_859, %parallel_loop3A_1549 : vector<16xf32>
          %parallel_loop3A_1551 = arith.constant 0.000000e+00 : f32
          %parallel_loop3A_1552 = vector.broadcast %parallel_loop3A_1551 : f32 to vector<16xf32>
          %parallel_loop3A_1553 = arith.subf %parallel_loop3A_1552, %parallel_loop3A_1519 : vector<16xf32>
          %parallel_loop3A_1554 = arith.maximumf %scan3A_860, %parallel_loop3A_1553 : vector<16xf32>
          %parallel_loop3A_1555 = arith.constant 0.000000e+00 : f32
          %parallel_loop3A_1556 = vector.broadcast %parallel_loop3A_1555 : f32 to vector<16xf32>
          %parallel_loop3A_1557 = arith.subf %parallel_loop3A_1556, %parallel_loop3A_1525 : vector<16xf32>
          %parallel_loop3A_1558 = arith.maximumf %scan3A_861, %parallel_loop3A_1557 : vector<16xf32>
          %parallel_loop3A_1559 = arith.constant 0.000000e+00 : f32
          %parallel_loop3A_1560 = vector.broadcast %parallel_loop3A_1559 : f32 to vector<16xf32>
          %parallel_loop3A_1561 = arith.subf %parallel_loop3A_1560, %parallel_loop3A_1529 : vector<16xf32>
          %parallel_loop3A_1562 = arith.maximumf %scan3A_862, %parallel_loop3A_1561 : vector<16xf32>
          %parallel_loop3A_1563 = arith.minimumf %parallel_loop3A_1534, %parallel_loop3A_1550 : vector<16xf32>
          %parallel_loop3A_1564 = arith.minimumf %parallel_loop3A_1538, %parallel_loop3A_1554 : vector<16xf32>
          %parallel_loop3A_1565 = arith.minimumf %parallel_loop3A_1542, %parallel_loop3A_1558 : vector<16xf32>
          %parallel_loop3A_1566 = arith.minimumf %parallel_loop3A_1546, %parallel_loop3A_1562 : vector<16xf32>
          %parallel_loop3A_1567 = arith.maximumf %parallel_loop3A_1534, %parallel_loop3A_1550 : vector<16xf32>
          %parallel_loop3A_1568 = arith.maximumf %parallel_loop3A_1538, %parallel_loop3A_1554 : vector<16xf32>
          %parallel_loop3A_1569 = arith.maximumf %parallel_loop3A_1542, %parallel_loop3A_1558 : vector<16xf32>
          %parallel_loop3A_1570 = arith.maximumf %parallel_loop3A_1546, %parallel_loop3A_1562 : vector<16xf32>
          %parallel_loop3A_1571 = arith.minimumf %parallel_loop3A_1563, %parallel_loop3A_1565 : vector<16xf32>
          %parallel_loop3A_1572 = arith.minimumf %parallel_loop3A_1564, %parallel_loop3A_1566 : vector<16xf32>
          %parallel_loop3A_1573 = arith.maximumf %parallel_loop3A_1563, %parallel_loop3A_1565 : vector<16xf32>
          %parallel_loop3A_1574 = arith.maximumf %parallel_loop3A_1564, %parallel_loop3A_1566 : vector<16xf32>
          %parallel_loop3A_1575 = arith.minimumf %parallel_loop3A_1571, %parallel_loop3A_1572 : vector<16xf32>
          %parallel_loop3A_1576 = arith.maximumf %parallel_loop3A_1571, %parallel_loop3A_1572 : vector<16xf32>
          %parallel_loop3A_1577 = arith.constant dense<true> : vector<16xi1>
          %parallel_loop3A_1578, %parallel_loop3A_1579, %parallel_loop3A_1580 = tpu.sort %parallel_loop3A_1575, %parallel_loop3A_1575 masked %parallel_loop3A_1577 : (vector<16xf32>, vector<16xf32>, vector<16xi1>) -> (vector<16xi1>, vector<16xf32>, vector<16xf32>)
          %parallel_loop3A_1581 = arith.constant dense<true> : vector<16xi1>
          %parallel_loop3A_1582, %parallel_loop3A_1583, %parallel_loop3A_1584 = tpu.sort %parallel_loop3A_1576, %parallel_loop3A_1576 masked %parallel_loop3A_1581 : (vector<16xf32>, vector<16xf32>, vector<16xi1>) -> (vector<16xi1>, vector<16xf32>, vector<16xf32>)
          %parallel_loop3A_1585 = arith.minimumf %parallel_loop3A_1573, %parallel_loop3A_1574 : vector<16xf32>
          %parallel_loop3A_1586 = arith.maximumf %parallel_loop3A_1573, %parallel_loop3A_1574 : vector<16xf32>
          %parallel_loop3A_1587 = arith.constant dense<true> : vector<16xi1>
          %parallel_loop3A_1588, %parallel_loop3A_1589, %parallel_loop3A_1590 = tpu.sort %parallel_loop3A_1585, %parallel_loop3A_1585 masked %parallel_loop3A_1587 : (vector<16xf32>, vector<16xf32>, vector<16xi1>) -> (vector<16xi1>, vector<16xf32>, vector<16xf32>)
          %parallel_loop3A_1591 = arith.constant dense<true> : vector<16xi1>
          %parallel_loop3A_1592, %parallel_loop3A_1593, %parallel_loop3A_1594 = tpu.sort %parallel_loop3A_1586, %parallel_loop3A_1586 masked %parallel_loop3A_1591 : (vector<16xf32>, vector<16xf32>, vector<16xi1>) -> (vector<16xi1>, vector<16xf32>, vector<16xf32>)
          %parallel_loop3A_1595 = arith.minimumf %parallel_loop3A_1567, %parallel_loop3A_1569 : vector<16xf32>
          %parallel_loop3A_1596 = arith.minimumf %parallel_loop3A_1568, %parallel_loop3A_1570 : vector<16xf32>
          %parallel_loop3A_1597 = arith.maximumf %parallel_loop3A_1567, %parallel_loop3A_1569 : vector<16xf32>
          %parallel_loop3A_1598 = arith.maximumf %parallel_loop3A_1568, %parallel_loop3A_1570 : vector<16xf32>
          %parallel_loop3A_1599 = arith.minimumf %parallel_loop3A_1595, %parallel_loop3A_1596 : vector<16xf32>
          %parallel_loop3A_1600 = arith.maximumf %parallel_loop3A_1595, %parallel_loop3A_1596 : vector<16xf32>
          %parallel_loop3A_1601 = arith.constant dense<true> : vector<16xi1>
          %parallel_loop3A_1602, %parallel_loop3A_1603, %parallel_loop3A_1604 = tpu.sort %parallel_loop3A_1599, %parallel_loop3A_1599 masked %parallel_loop3A_1601 : (vector<16xf32>, vector<16xf32>, vector<16xi1>) -> (vector<16xi1>, vector<16xf32>, vector<16xf32>)
          %parallel_loop3A_1605 = arith.constant dense<true> : vector<16xi1>
          %parallel_loop3A_1606, %parallel_loop3A_1607, %parallel_loop3A_1608 = tpu.sort %parallel_loop3A_1600, %parallel_loop3A_1600 masked %parallel_loop3A_1605 : (vector<16xf32>, vector<16xf32>, vector<16xi1>) -> (vector<16xi1>, vector<16xf32>, vector<16xf32>)
          %parallel_loop3A_1609 = arith.minimumf %parallel_loop3A_1597, %parallel_loop3A_1598 : vector<16xf32>
          %parallel_loop3A_1610 = arith.maximumf %parallel_loop3A_1597, %parallel_loop3A_1598 : vector<16xf32>
          %parallel_loop3A_1611 = arith.constant dense<true> : vector<16xi1>
          %parallel_loop3A_1612, %parallel_loop3A_1613, %parallel_loop3A_1614 = tpu.sort %parallel_loop3A_1609, %parallel_loop3A_1609 masked %parallel_loop3A_1611 : (vector<16xf32>, vector<16xf32>, vector<16xi1>) -> (vector<16xi1>, vector<16xf32>, vector<16xf32>)
          %parallel_loop3A_1615 = arith.constant dense<true> : vector<16xi1>
          %parallel_loop3A_1616, %parallel_loop3A_1617, %parallel_loop3A_1618 = tpu.sort %parallel_loop3A_1610, %parallel_loop3A_1610 masked %parallel_loop3A_1615 : (vector<16xf32>, vector<16xf32>, vector<16xi1>) -> (vector<16xi1>, vector<16xf32>, vector<16xf32>)
          scf.yield %parallel_loop3A_1201, %parallel_loop3A_1205, %parallel_loop3A_1211, %parallel_loop3A_1215, %parallel_loop3A_1225, %parallel_loop3A_1229, %parallel_loop3A_1235, %parallel_loop3A_1239, %parallel_loop3A_1579, %parallel_loop3A_1583, %parallel_loop3A_1589, %parallel_loop3A_1593, %parallel_loop3A_1603, %parallel_loop3A_1607, %parallel_loop3A_1613, %parallel_loop3A_1617 : vector<16xf32>, vector<16xf32>, vector<16xf32>, vector<16xf32>, vector<16xf32>, vector<16xf32>, vector<16xf32>, vector<16xf32>, vector<16xf32>, vector<16xf32>, vector<16xf32>, vector<16xf32>, vector<16xf32>, vector<16xf32>, vector<16xf32>, vector<16xf32>
        }
        %parallel_loop3A_639 = arith.constant 31 : i32
        %parallel_loop3A_640 = arith.constant 8 : i32
        %parallel_loop3A_641 = arith.muli %scan3A_29, %parallel_loop3A_640 : i32
        %parallel_loop3A_642 = arith.addi %parallel_loop3A_641, %parallel_loop3A_89 : i32
        %parallel_loop3A_643 = arith.constant 0 : i32
        %parallel_loop3A_644 = arith.addi %parallel_loop3A_642, %parallel_loop3A_643 : i32
        %parallel_loop3A_645 = arith.constant 32 : i32
        %parallel_loop3A_646 = arith.divsi %parallel_loop3A_644, %parallel_loop3A_645 : i32
        %parallel_loop3A_647 = arith.constant 0 : i32
        %parallel_loop3A_648 = arith.cmpi sgt, %parallel_loop3A_644, %parallel_loop3A_647 : i32
        %parallel_loop3A_649 = arith.extui %parallel_loop3A_648 : i1 to i32
        %parallel_loop3A_650 = arith.constant 0 : i32
        %parallel_loop3A_651 = arith.cmpi slt, %parallel_loop3A_644, %parallel_loop3A_650 : i32
        %parallel_loop3A_652 = arith.extui %parallel_loop3A_651 : i1 to i32
        %parallel_loop3A_653 = arith.subi %parallel_loop3A_649, %parallel_loop3A_652 : i32
        %parallel_loop3A_654 = arith.constant 0 : i32
        %parallel_loop3A_655 = arith.cmpi sgt, %parallel_loop3A_645, %parallel_loop3A_654 : i32
        %parallel_loop3A_656 = arith.extui %parallel_loop3A_655 : i1 to i32
        %parallel_loop3A_657 = arith.constant 0 : i32
        %parallel_loop3A_658 = arith.cmpi slt, %parallel_loop3A_645, %parallel_loop3A_657 : i32
        %parallel_loop3A_659 = arith.extui %parallel_loop3A_658 : i1 to i32
        %parallel_loop3A_660 = arith.subi %parallel_loop3A_656, %parallel_loop3A_659 : i32
        %parallel_loop3A_661 = arith.cmpi ne, %parallel_loop3A_653, %parallel_loop3A_660 : i32
        %parallel_loop3A_662 = arith.remsi %parallel_loop3A_644, %parallel_loop3A_645 : i32
        %parallel_loop3A_663 = arith.constant 0 : i32
        %parallel_loop3A_664 = arith.cmpi ne, %parallel_loop3A_662, %parallel_loop3A_663 : i32
        %parallel_loop3A_665 = arith.andi %parallel_loop3A_661, %parallel_loop3A_664 : i1
        %parallel_loop3A_666 = arith.constant 1 : i32
        %parallel_loop3A_667 = arith.subi %parallel_loop3A_646, %parallel_loop3A_666 : i32
        %parallel_loop3A_668 = arith.select %parallel_loop3A_665, %parallel_loop3A_667, %parallel_loop3A_646 : i32
        %parallel_loop3A_669 = arith.constant 32 : i32
        %parallel_loop3A_670 = arith.remsi %parallel_loop3A_644, %parallel_loop3A_669 : i32
        %parallel_loop3A_671 = arith.constant 15 : i32
        %parallel_loop3A_672 = vector.broadcast %parallel_loop3A_671 : i32 to vector<16xi32>
        %parallel_loop3A_673 = tpu.iota {dimensions = array<i32: 0>} : vector<16xi32>
        %parallel_loop3A_674 = arith.subi %parallel_loop3A_672, %parallel_loop3A_673 : vector<16xi32>
        %parallel_loop3A_675 = tpu.dynamic_gather %parallel_loop3A_638#7[%parallel_loop3A_674] in [0] : vector<16xf32>, vector<16xi32> -> vector<16xf32>
        %parallel_loop3A_676 = arith.index_cast %parallel_loop3A_668 : i32 to index
        %parallel_loop3A_677 = arith.index_cast %parallel_loop3A_670 : i32 to index
        %parallel_loop3A_678 = arith.constant 0 : index
        %parallel_loop3A_679 = tpu.vector_load %arg5[%parallel_loop3A_676, %parallel_loop3A_677, %parallel_loop3A_678] {strides = array<i32>} : memref<2x32x128xf32, #tpu.memory_space<vmem>>, vector<16xf32>,
        tpu.vector_store %arg5[%parallel_loop3A_676, %parallel_loop3A_677, %parallel_loop3A_678], %parallel_loop3A_675 {strides = array<i32>} : memref<2x32x128xf32, #tpu.memory_space<vmem>>, vector<16xf32>,
        %parallel_loop3A_680 = arith.constant 15 : i32
        %parallel_loop3A_681 = vector.broadcast %parallel_loop3A_680 : i32 to vector<16xi32>
        %parallel_loop3A_682 = tpu.iota {dimensions = array<i32: 0>} : vector<16xi32>
        %parallel_loop3A_683 = arith.subi %parallel_loop3A_681, %parallel_loop3A_682 : vector<16xi32>
        %parallel_loop3A_684 = tpu.dynamic_gather %parallel_loop3A_638#6[%parallel_loop3A_683] in [0] : vector<16xf32>, vector<16xi32> -> vector<16xf32>
        %parallel_loop3A_685 = arith.index_cast %parallel_loop3A_668 : i32 to index
        %parallel_loop3A_686 = arith.index_cast %parallel_loop3A_670 : i32 to index
        %parallel_loop3A_687 = arith.constant 16 : index
        %parallel_loop3A_688 = tpu.vector_load %arg5[%parallel_loop3A_685, %parallel_loop3A_686, %parallel_loop3A_687] {strides = array<i32>} : memref<2x32x128xf32, #tpu.memory_space<vmem>>, vector<16xf32>,
        tpu.vector_store %arg5[%parallel_loop3A_685, %parallel_loop3A_686, %parallel_loop3A_687], %parallel_loop3A_684 {strides = array<i32>} : memref<2x32x128xf32, #tpu.memory_space<vmem>>, vector<16xf32>,
        %parallel_loop3A_689 = arith.constant 15 : i32
        %parallel_loop3A_690 = vector.broadcast %parallel_loop3A_689 : i32 to vector<16xi32>
        %parallel_loop3A_691 = tpu.iota {dimensions = array<i32: 0>} : vector<16xi32>
        %parallel_loop3A_692 = arith.subi %parallel_loop3A_690, %parallel_loop3A_691 : vector<16xi32>
        %parallel_loop3A_693 = tpu.dynamic_gather %parallel_loop3A_638#5[%parallel_loop3A_692] in [0] : vector<16xf32>, vector<16xi32> -> vector<16xf32>
        %parallel_loop3A_694 = arith.index_cast %parallel_loop3A_668 : i32 to index
        %parallel_loop3A_695 = arith.index_cast %parallel_loop3A_670 : i32 to index
        %parallel_loop3A_696 = arith.constant 32 : index
        %parallel_loop3A_697 = tpu.vector_load %arg5[%parallel_loop3A_694, %parallel_loop3A_695, %parallel_loop3A_696] {strides = array<i32>} : memref<2x32x128xf32, #tpu.memory_space<vmem>>, vector<16xf32>,
        tpu.vector_store %arg5[%parallel_loop3A_694, %parallel_loop3A_695, %parallel_loop3A_696], %parallel_loop3A_693 {strides = array<i32>} : memref<2x32x128xf32, #tpu.memory_space<vmem>>, vector<16xf32>,
        %parallel_loop3A_698 = arith.constant 15 : i32
        %parallel_loop3A_699 = vector.broadcast %parallel_loop3A_698 : i32 to vector<16xi32>
        %parallel_loop3A_700 = tpu.iota {dimensions = array<i32: 0>} : vector<16xi32>
        %parallel_loop3A_701 = arith.subi %parallel_loop3A_699, %parallel_loop3A_700 : vector<16xi32>
        %parallel_loop3A_702 = tpu.dynamic_gather %parallel_loop3A_638#4[%parallel_loop3A_701] in [0] : vector<16xf32>, vector<16xi32> -> vector<16xf32>
        %parallel_loop3A_703 = arith.index_cast %parallel_loop3A_668 : i32 to index
        %parallel_loop3A_704 = arith.index_cast %parallel_loop3A_670 : i32 to index
        %parallel_loop3A_705 = arith.constant 48 : index
        %parallel_loop3A_706 = tpu.vector_load %arg5[%parallel_loop3A_703, %parallel_loop3A_704, %parallel_loop3A_705] {strides = array<i32>} : memref<2x32x128xf32, #tpu.memory_space<vmem>>, vector<16xf32>,
        tpu.vector_store %arg5[%parallel_loop3A_703, %parallel_loop3A_704, %parallel_loop3A_705], %parallel_loop3A_702 {strides = array<i32>} : memref<2x32x128xf32, #tpu.memory_space<vmem>>, vector<16xf32>,
        %parallel_loop3A_707 = arith.constant 15 : i32
        %parallel_loop3A_708 = vector.broadcast %parallel_loop3A_707 : i32 to vector<16xi32>
        %parallel_loop3A_709 = tpu.iota {dimensions = array<i32: 0>} : vector<16xi32>
        %parallel_loop3A_710 = arith.subi %parallel_loop3A_708, %parallel_loop3A_709 : vector<16xi32>
        %parallel_loop3A_711 = tpu.dynamic_gather %parallel_loop3A_638#3[%parallel_loop3A_710] in [0] : vector<16xf32>, vector<16xi32> -> vector<16xf32>
        %parallel_loop3A_712 = arith.index_cast %parallel_loop3A_668 : i32 to index
        %parallel_loop3A_713 = arith.index_cast %parallel_loop3A_670 : i32 to index
        %parallel_loop3A_714 = arith.constant 64 : index
        %parallel_loop3A_715 = tpu.vector_load %arg5[%parallel_loop3A_712, %parallel_loop3A_713, %parallel_loop3A_714] {strides = array<i32>} : memref<2x32x128xf32, #tpu.memory_space<vmem>>, vector<16xf32>,
        tpu.vector_store %arg5[%parallel_loop3A_712, %parallel_loop3A_713, %parallel_loop3A_714], %parallel_loop3A_711 {strides = array<i32>} : memref<2x32x128xf32, #tpu.memory_space<vmem>>, vector<16xf32>,
        %parallel_loop3A_716 = arith.constant 15 : i32
        %parallel_loop3A_717 = vector.broadcast %parallel_loop3A_716 : i32 to vector<16xi32>
        %parallel_loop3A_718 = tpu.iota {dimensions = array<i32: 0>} : vector<16xi32>
        %parallel_loop3A_719 = arith.subi %parallel_loop3A_717, %parallel_loop3A_718 : vector<16xi32>
        %parallel_loop3A_720 = tpu.dynamic_gather %parallel_loop3A_638#2[%parallel_loop3A_719] in [0] : vector<16xf32>, vector<16xi32> -> vector<16xf32>
        %parallel_loop3A_721 = arith.index_cast %parallel_loop3A_668 : i32 to index
        %parallel_loop3A_722 = arith.index_cast %parallel_loop3A_670 : i32 to index
        %parallel_loop3A_723 = arith.constant 80 : index
        %parallel_loop3A_724 = tpu.vector_load %arg5[%parallel_loop3A_721, %parallel_loop3A_722, %parallel_loop3A_723] {strides = array<i32>} : memref<2x32x128xf32, #tpu.memory_space<vmem>>, vector<16xf32>,
        tpu.vector_store %arg5[%parallel_loop3A_721, %parallel_loop3A_722, %parallel_loop3A_723], %parallel_loop3A_720 {strides = array<i32>} : memref<2x32x128xf32, #tpu.memory_space<vmem>>, vector<16xf32>,
        %parallel_loop3A_725 = arith.constant 15 : i32
        %parallel_loop3A_726 = vector.broadcast %parallel_loop3A_725 : i32 to vector<16xi32>
        %parallel_loop3A_727 = tpu.iota {dimensions = array<i32: 0>} : vector<16xi32>
        %parallel_loop3A_728 = arith.subi %parallel_loop3A_726, %parallel_loop3A_727 : vector<16xi32>
        %parallel_loop3A_729 = tpu.dynamic_gather %parallel_loop3A_638#1[%parallel_loop3A_728] in [0] : vector<16xf32>, vector<16xi32> -> vector<16xf32>
        %parallel_loop3A_730 = arith.index_cast %parallel_loop3A_668 : i32 to index
        %parallel_loop3A_731 = arith.index_cast %parallel_loop3A_670 : i32 to index
        %parallel_loop3A_732 = arith.constant 96 : index
        %parallel_loop3A_733 = tpu.vector_load %arg5[%parallel_loop3A_730, %parallel_loop3A_731, %parallel_loop3A_732] {strides = array<i32>} : memref<2x32x128xf32, #tpu.memory_space<vmem>>, vector<16xf32>,
        tpu.vector_store %arg5[%parallel_loop3A_730, %parallel_loop3A_731, %parallel_loop3A_732], %parallel_loop3A_729 {strides = array<i32>} : memref<2x32x128xf32, #tpu.memory_space<vmem>>, vector<16xf32>,
        %parallel_loop3A_734 = arith.constant 15 : i32
        %parallel_loop3A_735 = vector.broadcast %parallel_loop3A_734 : i32 to vector<16xi32>
        %parallel_loop3A_736 = tpu.iota {dimensions = array<i32: 0>} : vector<16xi32>
        %parallel_loop3A_737 = arith.subi %parallel_loop3A_735, %parallel_loop3A_736 : vector<16xi32>
        %parallel_loop3A_738 = tpu.dynamic_gather %parallel_loop3A_638#0[%parallel_loop3A_737] in [0] : vector<16xf32>, vector<16xi32> -> vector<16xf32>
        %parallel_loop3A_739 = arith.index_cast %parallel_loop3A_668 : i32 to index
        %parallel_loop3A_740 = arith.index_cast %parallel_loop3A_670 : i32 to index
        %parallel_loop3A_741 = arith.constant 112 : index
        %parallel_loop3A_742 = tpu.vector_load %arg5[%parallel_loop3A_739, %parallel_loop3A_740, %parallel_loop3A_741] {strides = array<i32>} : memref<2x32x128xf32, #tpu.memory_space<vmem>>, vector<16xf32>,
        tpu.vector_store %arg5[%parallel_loop3A_739, %parallel_loop3A_740, %parallel_loop3A_741], %parallel_loop3A_738 {strides = array<i32>} : memref<2x32x128xf32, #tpu.memory_space<vmem>>, vector<16xf32>,
        %parallel_loop3A_743 = arith.constant 8 : i32
        %parallel_loop3A_744 = arith.muli %scan3A_29, %parallel_loop3A_743 : i32
        %parallel_loop3A_745 = arith.addi %parallel_loop3A_744, %parallel_loop3A_89 : i32
        %parallel_loop3A_746 = arith.constant 1 : i32
        %parallel_loop3A_747 = arith.addi %parallel_loop3A_745, %parallel_loop3A_746 : i32
        %parallel_loop3A_748 = arith.constant 32 : i32
        %parallel_loop3A_749 = arith.divsi %parallel_loop3A_747, %parallel_loop3A_748 : i32
        %parallel_loop3A_750 = arith.constant 0 : i32
        %parallel_loop3A_751 = arith.cmpi sgt, %parallel_loop3A_747, %parallel_loop3A_750 : i32
        %parallel_loop3A_752 = arith.extui %parallel_loop3A_751 : i1 to i32
        %parallel_loop3A_753 = arith.constant 0 : i32
        %parallel_loop3A_754 = arith.cmpi slt, %parallel_loop3A_747, %parallel_loop3A_753 : i32
        %parallel_loop3A_755 = arith.extui %parallel_loop3A_754 : i1 to i32
        %parallel_loop3A_756 = arith.subi %parallel_loop3A_752, %parallel_loop3A_755 : i32
        %parallel_loop3A_757 = arith.constant 0 : i32
        %parallel_loop3A_758 = arith.cmpi sgt, %parallel_loop3A_748, %parallel_loop3A_757 : i32
        %parallel_loop3A_759 = arith.extui %parallel_loop3A_758 : i1 to i32
        %parallel_loop3A_760 = arith.constant 0 : i32
        %parallel_loop3A_761 = arith.cmpi slt, %parallel_loop3A_748, %parallel_loop3A_760 : i32
        %parallel_loop3A_762 = arith.extui %parallel_loop3A_761 : i1 to i32
        %parallel_loop3A_763 = arith.subi %parallel_loop3A_759, %parallel_loop3A_762 : i32
        %parallel_loop3A_764 = arith.cmpi ne, %parallel_loop3A_756, %parallel_loop3A_763 : i32
        %parallel_loop3A_765 = arith.remsi %parallel_loop3A_747, %parallel_loop3A_748 : i32
        %parallel_loop3A_766 = arith.constant 0 : i32
        %parallel_loop3A_767 = arith.cmpi ne, %parallel_loop3A_765, %parallel_loop3A_766 : i32
        %parallel_loop3A_768 = arith.andi %parallel_loop3A_764, %parallel_loop3A_767 : i1
        %parallel_loop3A_769 = arith.constant 1 : i32
        %parallel_loop3A_770 = arith.subi %parallel_loop3A_749, %parallel_loop3A_769 : i32
        %parallel_loop3A_771 = arith.select %parallel_loop3A_768, %parallel_loop3A_770, %parallel_loop3A_749 : i32
        %parallel_loop3A_772 = arith.constant 32 : i32
        %parallel_loop3A_773 = arith.remsi %parallel_loop3A_747, %parallel_loop3A_772 : i32
        %parallel_loop3A_774 = arith.constant 15 : i32
        %parallel_loop3A_775 = vector.broadcast %parallel_loop3A_774 : i32 to vector<16xi32>
        %parallel_loop3A_776 = tpu.iota {dimensions = array<i32: 0>} : vector<16xi32>
        %parallel_loop3A_777 = arith.subi %parallel_loop3A_775, %parallel_loop3A_776 : vector<16xi32>
        %parallel_loop3A_778 = tpu.dynamic_gather %parallel_loop3A_638#15[%parallel_loop3A_777] in [0] : vector<16xf32>, vector<16xi32> -> vector<16xf32>
        %parallel_loop3A_779 = arith.index_cast %parallel_loop3A_771 : i32 to index
        %parallel_loop3A_780 = arith.index_cast %parallel_loop3A_773 : i32 to index
        %parallel_loop3A_781 = arith.constant 0 : index
        %parallel_loop3A_782 = tpu.vector_load %arg5[%parallel_loop3A_779, %parallel_loop3A_780, %parallel_loop3A_781] {strides = array<i32>} : memref<2x32x128xf32, #tpu.memory_space<vmem>>, vector<16xf32>,
        tpu.vector_store %arg5[%parallel_loop3A_779, %parallel_loop3A_780, %parallel_loop3A_781], %parallel_loop3A_778 {strides = array<i32>} : memref<2x32x128xf32, #tpu.memory_space<vmem>>, vector<16xf32>,
        %parallel_loop3A_783 = arith.constant 15 : i32
        %parallel_loop3A_784 = vector.broadcast %parallel_loop3A_783 : i32 to vector<16xi32>
        %parallel_loop3A_785 = tpu.iota {dimensions = array<i32: 0>} : vector<16xi32>
        %parallel_loop3A_786 = arith.subi %parallel_loop3A_784, %parallel_loop3A_785 : vector<16xi32>
        %parallel_loop3A_787 = tpu.dynamic_gather %parallel_loop3A_638#14[%parallel_loop3A_786] in [0] : vector<16xf32>, vector<16xi32> -> vector<16xf32>
        %parallel_loop3A_788 = arith.index_cast %parallel_loop3A_771 : i32 to index
        %parallel_loop3A_789 = arith.index_cast %parallel_loop3A_773 : i32 to index
        %parallel_loop3A_790 = arith.constant 16 : index
        %parallel_loop3A_791 = tpu.vector_load %arg5[%parallel_loop3A_788, %parallel_loop3A_789, %parallel_loop3A_790] {strides = array<i32>} : memref<2x32x128xf32, #tpu.memory_space<vmem>>, vector<16xf32>,
        tpu.vector_store %arg5[%parallel_loop3A_788, %parallel_loop3A_789, %parallel_loop3A_790], %parallel_loop3A_787 {strides = array<i32>} : memref<2x32x128xf32, #tpu.memory_space<vmem>>, vector<16xf32>,
        %parallel_loop3A_792 = arith.constant 15 : i32
        %parallel_loop3A_793 = vector.broadcast %parallel_loop3A_792 : i32 to vector<16xi32>
        %parallel_loop3A_794 = tpu.iota {dimensions = array<i32: 0>} : vector<16xi32>
        %parallel_loop3A_795 = arith.subi %parallel_loop3A_793, %parallel_loop3A_794 : vector<16xi32>
        %parallel_loop3A_796 = tpu.dynamic_gather %parallel_loop3A_638#13[%parallel_loop3A_795] in [0] : vector<16xf32>, vector<16xi32> -> vector<16xf32>
        %parallel_loop3A_797 = arith.index_cast %parallel_loop3A_771 : i32 to index
        %parallel_loop3A_798 = arith.index_cast %parallel_loop3A_773 : i32 to index
        %parallel_loop3A_799 = arith.constant 32 : index
        %parallel_loop3A_800 = tpu.vector_load %arg5[%parallel_loop3A_797, %parallel_loop3A_798, %parallel_loop3A_799] {strides = array<i32>} : memref<2x32x128xf32, #tpu.memory_space<vmem>>, vector<16xf32>,
        tpu.vector_store %arg5[%parallel_loop3A_797, %parallel_loop3A_798, %parallel_loop3A_799], %parallel_loop3A_796 {strides = array<i32>} : memref<2x32x128xf32, #tpu.memory_space<vmem>>, vector<16xf32>,
        %parallel_loop3A_801 = arith.constant 15 : i32
        %parallel_loop3A_802 = vector.broadcast %parallel_loop3A_801 : i32 to vector<16xi32>
        %parallel_loop3A_803 = tpu.iota {dimensions = array<i32: 0>} : vector<16xi32>
        %parallel_loop3A_804 = arith.subi %parallel_loop3A_802, %parallel_loop3A_803 : vector<16xi32>
        %parallel_loop3A_805 = tpu.dynamic_gather %parallel_loop3A_638#12[%parallel_loop3A_804] in [0] : vector<16xf32>, vector<16xi32> -> vector<16xf32>
        %parallel_loop3A_806 = arith.index_cast %parallel_loop3A_771 : i32 to index
        %parallel_loop3A_807 = arith.index_cast %parallel_loop3A_773 : i32 to index
        %parallel_loop3A_808 = arith.constant 48 : index
        %parallel_loop3A_809 = tpu.vector_load %arg5[%parallel_loop3A_806, %parallel_loop3A_807, %parallel_loop3A_808] {strides = array<i32>} : memref<2x32x128xf32, #tpu.memory_space<vmem>>, vector<16xf32>,
        tpu.vector_store %arg5[%parallel_loop3A_806, %parallel_loop3A_807, %parallel_loop3A_808], %parallel_loop3A_805 {strides = array<i32>} : memref<2x32x128xf32, #tpu.memory_space<vmem>>, vector<16xf32>,
        %parallel_loop3A_810 = arith.constant 15 : i32
        %parallel_loop3A_811 = vector.broadcast %parallel_loop3A_810 : i32 to vector<16xi32>
        %parallel_loop3A_812 = tpu.iota {dimensions = array<i32: 0>} : vector<16xi32>
        %parallel_loop3A_813 = arith.subi %parallel_loop3A_811, %parallel_loop3A_812 : vector<16xi32>
        %parallel_loop3A_814 = tpu.dynamic_gather %parallel_loop3A_638#11[%parallel_loop3A_813] in [0] : vector<16xf32>, vector<16xi32> -> vector<16xf32>
        %parallel_loop3A_815 = arith.index_cast %parallel_loop3A_771 : i32 to index
        %parallel_loop3A_816 = arith.index_cast %parallel_loop3A_773 : i32 to index
        %parallel_loop3A_817 = arith.constant 64 : index
        %parallel_loop3A_818 = tpu.vector_load %arg5[%parallel_loop3A_815, %parallel_loop3A_816, %parallel_loop3A_817] {strides = array<i32>} : memref<2x32x128xf32, #tpu.memory_space<vmem>>, vector<16xf32>,
        tpu.vector_store %arg5[%parallel_loop3A_815, %parallel_loop3A_816, %parallel_loop3A_817], %parallel_loop3A_814 {strides = array<i32>} : memref<2x32x128xf32, #tpu.memory_space<vmem>>, vector<16xf32>,
        %parallel_loop3A_819 = arith.constant 15 : i32
        %parallel_loop3A_820 = vector.broadcast %parallel_loop3A_819 : i32 to vector<16xi32>
        %parallel_loop3A_821 = tpu.iota {dimensions = array<i32: 0>} : vector<16xi32>
        %parallel_loop3A_822 = arith.subi %parallel_loop3A_820, %parallel_loop3A_821 : vector<16xi32>
        %parallel_loop3A_823 = tpu.dynamic_gather %parallel_loop3A_638#10[%parallel_loop3A_822] in [0] : vector<16xf32>, vector<16xi32> -> vector<16xf32>
        %parallel_loop3A_824 = arith.index_cast %parallel_loop3A_771 : i32 to index
        %parallel_loop3A_825 = arith.index_cast %parallel_loop3A_773 : i32 to index
        %parallel_loop3A_826 = arith.constant 80 : index
        %parallel_loop3A_827 = tpu.vector_load %arg5[%parallel_loop3A_824, %parallel_loop3A_825, %parallel_loop3A_826] {strides = array<i32>} : memref<2x32x128xf32, #tpu.memory_space<vmem>>, vector<16xf32>,
        tpu.vector_store %arg5[%parallel_loop3A_824, %parallel_loop3A_825, %parallel_loop3A_826], %parallel_loop3A_823 {strides = array<i32>} : memref<2x32x128xf32, #tpu.memory_space<vmem>>, vector<16xf32>,
        %parallel_loop3A_828 = arith.constant 15 : i32
        %parallel_loop3A_829 = vector.broadcast %parallel_loop3A_828 : i32 to vector<16xi32>
        %parallel_loop3A_830 = tpu.iota {dimensions = array<i32: 0>} : vector<16xi32>
        %parallel_loop3A_831 = arith.subi %parallel_loop3A_829, %parallel_loop3A_830 : vector<16xi32>
        %parallel_loop3A_832 = tpu.dynamic_gather %parallel_loop3A_638#9[%parallel_loop3A_831] in [0] : vector<16xf32>, vector<16xi32> -> vector<16xf32>
        %parallel_loop3A_833 = arith.index_cast %parallel_loop3A_771 : i32 to index
        %parallel_loop3A_834 = arith.index_cast %parallel_loop3A_773 : i32 to index
        %parallel_loop3A_835 = arith.constant 96 : index
        %parallel_loop3A_836 = tpu.vector_load %arg5[%parallel_loop3A_833, %parallel_loop3A_834, %parallel_loop3A_835] {strides = array<i32>} : memref<2x32x128xf32, #tpu.memory_space<vmem>>, vector<16xf32>,
        tpu.vector_store %arg5[%parallel_loop3A_833, %parallel_loop3A_834, %parallel_loop3A_835], %parallel_loop3A_832 {strides = array<i32>} : memref<2x32x128xf32, #tpu.memory_space<vmem>>, vector<16xf32>,
        %parallel_loop3A_837 = arith.constant 15 : i32
        %parallel_loop3A_838 = vector.broadcast %parallel_loop3A_837 : i32 to vector<16xi32>
        %parallel_loop3A_839 = tpu.iota {dimensions = array<i32: 0>} : vector<16xi32>
        %parallel_loop3A_840 = arith.subi %parallel_loop3A_838, %parallel_loop3A_839 : vector<16xi32>
        %parallel_loop3A_841 = tpu.dynamic_gather %parallel_loop3A_638#8[%parallel_loop3A_840] in [0] : vector<16xf32>, vector<16xi32> -> vector<16xf32>
        %parallel_loop3A_842 = arith.index_cast %parallel_loop3A_771 : i32 to index
        %parallel_loop3A_843 = arith.index_cast %parallel_loop3A_773 : i32 to index
        %parallel_loop3A_844 = arith.constant 112 : index
        %parallel_loop3A_845 = tpu.vector_load %arg5[%parallel_loop3A_842, %parallel_loop3A_843, %parallel_loop3A_844] {strides = array<i32>} : memref<2x32x128xf32, #tpu.memory_space<vmem>>, vector<16xf32>,
        tpu.vector_store %arg5[%parallel_loop3A_842, %parallel_loop3A_843, %parallel_loop3A_844], %parallel_loop3A_841 {strides = array<i32>} : memref<2x32x128xf32, #tpu.memory_space<vmem>>, vector<16xf32>,
      } {sc.loop_unroll_factor = 1 : i64, sc.parallel_access}
      %scan3A_86 = arith.constant 0 : i32
      scf.yield %scan3A_86 : i32
    }
    %scan3A_26 = arith.constant 8 : i32
    %mul3A_27 = arith.constant 2 : i32
    %mul3A_28 = arith.muli %mul3A_27, %add3A : i32
    "tpu.region"() ({
      %run_scoped3A = tpu.sem_alloc : memref<!tpu.dma_semaphore, #tpu.memory_space<semaphore_mem>>
      %dma_start3A_29 = arith.constant 0 : i32
      %dma_start3A_30 = arith.constant 0 : i32
      %dma_start3A_31 = tpu.memref_slice %arg3[%mul3A_28, %dma_start3A_29, %dma_start3A_30] : memref<64x32x128xf32, #tpu.memory_space<hbm>> -> memref<2x32x128xf32, #tpu.memory_space<hbm>>
      %dma_start3A_32 = arith.constant 0 : i32
      %dma_start3A_33 = arith.constant 0 : i32
      %dma_start3A_34 = tpu.memref_slice %arg3[%mul3A_28, %dma_start3A_32, %dma_start3A_33] : memref<64x32x128xf32, #tpu.memory_space<hbm>> -> memref<2x32x128xf32, #tpu.memory_space<hbm>>
      tpu.enqueue_dma source(%arg5 : memref<2x32x128xf32, #tpu.memory_space<vmem>>) target(%dma_start3A_34 : memref<2x32x128xf32, #tpu.memory_space<hbm>>) target_semaphore(%run_scoped3A : memref<!tpu.dma_semaphore, #tpu.memory_space<semaphore_mem>>)
      %dma_wait3A = arith.constant 0 : i32
      %dma_wait3A_35 = arith.constant 0 : i32
      %dma_wait3A_36 = tpu.memref_slice %arg3[%mul3A_28, %dma_wait3A, %dma_wait3A_35] : memref<64x32x128xf32, #tpu.memory_space<hbm>> -> memref<2x32x128xf32, #tpu.memory_space<hbm>>
      %dma_wait3A_37 = arith.constant 0 : i32
      %dma_wait3A_38 = arith.constant 0 : i32
      %dma_wait3A_39 = tpu.memref_slice %arg3[%mul3A_28, %dma_wait3A_37, %dma_wait3A_38] : memref<64x32x128xf32, #tpu.memory_space<hbm>> -> memref<2x32x128xf32, #tpu.memory_space<hbm>>
      tpu.wait_dma2 semaphore(%run_scoped3A : memref<!tpu.dma_semaphore, #tpu.memory_space<semaphore_mem>>) src(%arg5 : memref<2x32x128xf32, #tpu.memory_space<vmem>>) dst(%dma_wait3A_39 : memref<2x32x128xf32, #tpu.memory_space<hbm>>)
      tpu.yield
    }) : () -> ()
    return
  }
}

</mosaic_0001>

<sc_bundles>
// kernel: kernel.3.cloned.1.call-start
scs
__scs_entry_jumppad:
0x0: {  	(pc) =	sbr.rel $0x88, $3  }
0x1: {  	(tag) =	ssettag $0x0;
	lr =	simm.s32 $0x1  }
0x2: {  	[smem:$0x3FA0] =	sst lr;
	_ =	strace $0xD0000000  }
0x3: {  	_ = 	snop  }
0x4: {  	_ = 	snop  }
0x5: {  	_ = 	snop  }
0x6: {  	_ = 	snop  }
0x7: {  	_ = 	snop  }
__scs_overlays_trampoline_lowered:
0x8: {  	[smem:$0x3FAF] =	sst s0  }
0x9: {  	[smem:$0x3FB0] =	sst s1  }
0xa: {  	[smem:$0x3FB1] =	sst s2  }
0xb: {  	[smem:$0x3FB2] =	sst s3  }
0xc: {  	[smem:$0x3FB3] =	sst s4  }
0xd: {  	[smem:$0x3FB4] =	sst s5  }
0xe: {  	[smem:$0x3FB5] =	sst s6  }
0xf: {  	[smem:$0x3FB6] =	sst s7  }
0x10: {  	[smem:$0x3FB7] =	sst s8  }
0x11: {  	[smem:$0x3FB8] =	sst s9;
	s0 =	simm.s32 @!p0 $0x0  }
0x12: {  	s1 =	sld [smem:$0x3F9E];
	s0 =	simm.s32 @p0 $0x1  }
0x13: {  	[smem:$0x3FB9] =	sst s0;
	s0 =	simm.s32 @!p1 $0x0  }
0x14: {  	s2 =	sld [smem:$0x3F9D];
	s0 =	simm.s32 @p1 $0x1  }
0x15: {  	[smem:$0x3FBA] =	sst s0;
	s0 =	simm.s32 @!p2 $0x0  }
0x16: {  	s3 =	sld [smem:$0x3FDB];
	s0 =	simm.s32 @p2 $0x1  }
0x17: {  	s4 =	simm.s32 $0x1BF5;
	[smem:$0x3FBC] =	sst s0  }
0x18: {  	s0 =	sld [smem:$0x3F9F];
	_ =	swait.ge [sflag:s4], $0x0  }
0x19: {  	s7 =	sld [smem:$0x3FA0]  }
0x1a: {  	s8 =	sadd.s32 $0xFFFFE003, lr  }
0x1b: {  	s9 =	sadd.s32 $0xFFFFFEF7, lr;
	s5 =	simm.s32 $0xFFFFFFFF;
	p2 =	slt.u32 s8, $0xFFFFF086  }
0x1c: {  	p1 =	slt.u32 s9, $0xF7A;
	s5 =	simm.s32 @!p2 $0x0  }
0x1d: {  	s5 =	simm.s32 @p1 $0x1;
	p0 =	seq.s32 s7, s2  }
0x1e: {  	s7 =	smul.u32 @!p0 $0xF7A, s2;
	p2 =	seq.s32 @!p0 s5, $0x0  }
0x1f: {  	s9 =	smul.u32 $0xF7A, s1;
	s8 =	simm.s32 @!p0 $0x1BF5;
	p2 =	por !p2, p0  }
0x20: {  	[sflag:s8] =	ssyncset.s32 @!p0 $0xFFFFF086;
	s6 =	sadd.s32 @!p0 s3, s7;
	s7 =	simm.s32 @!p0 $0x108  }
0x21: {  	s3 =	sadd.s32 s3, s9;
	s6 =	sadd.s32 @!p0 $0x88, s6;
	s7 =	simm.s32 @p2 $0x1082  }
0x22: {  	[simem:s7], [sflag:s8] =	dma.local @!p0 [hbm:s6], $0xF7A  }
0x23: {  	s9 =	sor.u32 $0xD0000000, s2;
	s6 =	simm.s32 $0x108;
	_ =	swait.ge @!p0 [sflag:s8], $0x0  }
0x24: {  	s3 =	sadd.s32 $0x88, s3;
	s6 =	simm.s32 @!p1 $0x1082;
	[sflag:s4] =	ssyncset.s32 $0xFFFFF086  }
0x25: {  	[simem:s6], [sflag:s4] =	dma.local [hbm:s3], $0xF7A  }
0x26: {  	[smem:$0x3FA0] =	sst s1;
	(tag) =	ssettag s2;
	_ =	strace s9  }
0x27: {  	s1 =	sld [smem:$0x3FB0]  }
0x28: {  	s2 =	sld [smem:$0x3FB1]  }
0x29: {  	s4 =	sld [smem:$0x3FB3]  }
0x2a: {  	p0 =	seq.s32 s5, $0x0;
	s5 =	sld [smem:$0x3FB4]  }
0x2b: {  	s6 =	sld [smem:$0x3FB5]  }
0x2c: {  	s7 =	sld [smem:$0x3FB6]  }
0x2d: {  	s3 =	simm.s32 $0x108;
	s8 =	sld [smem:$0x3FB7]  }
0x2e: {  	s3 =	simm.s32 @!p0 $0x1082;
	s9 =	sld [smem:$0x3FB8]  }
0x2f: {  	lr =	sadd.s32 s0, s3;
	s0 =	sld [smem:$0x3FAF]  }
0x30: {  	s3 =	sld [smem:$0x3FB2]  }
0x31: {  	[smem:$0x3FBB] =	sst s10  }
0x32: {  	s10 =	sld [smem:$0x3FB9];
	_ =	sdelay $0x3  }
0x33: {  	p0 =	seq.s32 s10, $0x1;
	s10 =	sld [smem:$0x3FBB];
	_ =	sdelay $0x3  }
0x34: {  	[smem:$0x3FBB] =	sst s10  }
0x35: {  	s10 =	sld [smem:$0x3FBA];
	_ =	sdelay $0x3  }
0x36: {  	p1 =	seq.s32 s10, $0x1;
	s10 =	sld [smem:$0x3FBB];
	_ =	sdelay $0x3  }
0x37: {  	[smem:$0x3FBB] =	sst s10  }
0x38: {  	s10 =	sld [smem:$0x3FBC]  }
0x39: {  	_ = 	snop;
	(pc) =	sbr.ind lr, $3  }
0x3a: {  	_ = 	snop  }
0x3b: {  	_ = 	snop  }
0x3c: {  	p2 =	seq.s32 s10, $0x1;
	s10 =	sld [smem:$0x3FBB]  }
0x3d: {  	_ =	shalt  }
0x3e: {  	_ =	shalt  }
0x3f: {  	_ =	shalt  }
0x40: {  	_ =	shalt  }
0x41: {  	_ =	shalt  }
0x42: {  	_ =	shalt  }
0x43: {  	_ =	shalt  }
0x44: {  	_ =	shalt  }
0x45: {  	_ =	shalt  }
0x46: {  	_ =	shalt  }
0x47: {  	_ =	shalt  }
0x48: {  	_ =	shalt  }
0x49: {  	_ =	shalt  }
0x4a: {  	_ =	shalt  }
0x4b: {  	_ =	shalt  }
0x4c: {  	_ =	shalt  }
0x4d: {  	_ =	shalt  }
0x4e: {  	_ =	shalt  }
0x4f: {  	_ =	shalt  }
0x50: {  	_ =	shalt  }
0x51: {  	_ =	shalt  }
0x52: {  	_ =	shalt  }
0x53: {  	_ =	shalt  }
0x54: {  	_ =	shalt  }
0x55: {  	_ =	shalt  }
0x56: {  	_ =	shalt  }
0x57: {  	_ =	shalt  }
0x58: {  	_ =	shalt  }
0x59: {  	_ =	shalt  }
0x5a: {  	_ =	shalt  }
0x5b: {  	_ =	shalt  }
0x5c: {  	_ =	shalt  }
0x5d: {  	_ =	shalt  }
0x5e: {  	_ =	shalt  }
0x5f: {  	_ =	shalt  }
0x60: {  	_ =	shalt  }
0x61: {  	_ =	shalt  }
0x62: {  	_ =	shalt  }
0x63: {  	_ =	shalt  }
0x64: {  	_ =	shalt  }
0x65: {  	_ =	shalt  }
0x66: {  	_ =	shalt  }
0x67: {  	_ =	shalt  }
0x68: {  	_ =	shalt  }
0x69: {  	_ =	shalt  }
0x6a: {  	_ =	shalt  }
0x6b: {  	_ =	shalt  }
0x6c: {  	_ =	shalt  }
0x6d: {  	_ =	shalt  }
0x6e: {  	_ =	shalt  }
0x6f: {  	_ =	shalt  }
0x70: {  	_ =	shalt  }
0x71: {  	_ =	shalt  }
0x72: {  	_ =	shalt  }
0x73: {  	_ =	shalt  }
0x74: {  	_ =	shalt  }
0x75: {  	_ =	shalt  }
0x76: {  	_ =	shalt  }
0x77: {  	_ =	shalt  }
0x78: {  	_ =	shalt  }
0x79: {  	_ =	shalt  }
0x7a: {  	_ =	shalt  }
0x7b: {  	_ =	shalt  }
0x7c: {  	_ =	shalt  }
0x7d: {  	_ =	shalt  }
0x7e: {  	_ =	shalt  }
0x7f: {  	_ =	shalt  }
0x80: {  	_ =	shalt  }
0x81: {  	_ =	shalt  }
0x82: {  	_ =	shalt  }
0x83: {  	_ =	shalt  }
0x84: {  	_ =	shalt  }
0x85: {  	_ =	shalt  }
0x86: {  	_ =	shalt  }
0x87: {  	_ =	shalt  }
.Lfunc_end0:
.L_simem_size_0:
called_computation_lowered:
.L_overlay_start_0:
0x88: {  	s2 =	sld [smem:$0x3FD9]  }
0x89: {  	s3 =	sld [smem:$0x3FFE];
	_ =	sdelay $0x1  }
0x8a: {  	s1 =	srdreg.scid  }
0x8b: {  	s0 =	sand.u32 $0x1, s1  }
0x8c: {  	s18 =	sshll.u32 s0, $0xA;
	s2 =	sadd.s32 s3, s2  }
0x8d: {  	s2 =	sadd.s32 s2, s18  }
0x8e: {  	[smem:$0x3FC7] =	sst s2  }
0x8f: {  	_ = 	snop  }
0x90: {  	s2 =	sld [smem:$0x3FC9]  }
0x91: {  	s19 =	sld [smem:$0x3FD0];
	(tm) =	ssettm $0x1  }
0x92: {  	s4 =	sld [smem:$0x3FFB];
	_ =	sdelay $0x3  }
0x93: {  	_ =	strace s4  }
0x94: {  	s4 =	sld [smem:$0x3FFC];
	_ =	sdelay $0x3  }
0x95: {  	_ =	strace s4  }
0x96: {  	s4 =	sld [smem:$0x3FFD];
	_ =	sdelay $0x3  }
0x97: {  	_ =	strace s4  }
0x98: {  	_ =	strace $0x8FFFFFFF  }
0x99: {  	s20 =	sld [smem:$0x3FDB];
	_ =	sdelay $0x1  }
0x9a: {  	s5 =	simm.s32 $_scs_section_size  }
0x9b: {  	s6 =	simm.s32 $_size__tile_overlayer_lowered;
	s7 =	simm.s32 $_tile_overlayer_lowered  }
0x9c: {  	s23 =	simm.s32 $0x1BFF;
	s22 =	sshll.u32 s7, $0x1;
	s4 =	sadd.s32 s5, s20  }
0x9d: {  	s8 =	simm.s32 $0x0;
	s21 =	sshll.u32 s6, $0x1;
	s6 =	sadd.s32 s22, s4  }
0x9e: {  	[timem:s8], [sflag:s23] =	dma.local [hbm:s6], s21  }
0x9f: {  	_ =	swait.ge [sflag:s23], s21  }
0xa0: {  	s5 =	ssub.s32 $0x0, s21;
	[sflag:s23] =	ssyncset.done $0x0  }
0xa1: {  	[sflag:s23] =	ssyncadd.s32 s5;
	_ =	sdelay $0x1  }
0xa2: {  	s24 =	simm.s32 $0x1B8B  }
0xa3: {  	_ =	swait.ge [sflag:s24], $0x1  }
0xa4: {  	[sflag:s24] =	ssyncset.done $0x0  }
0xa5: {  	s25 =	simm.s32 $0x1B8E;
	[sflag:s24] =	ssyncadd.s32 $0xFFFFFFFF  }
0xa6: {  	s26 =	simm.s32 $execute0_lowered;
	[smem:$0x3FD2] =	sst s25  }
0xa7: {  	s5 =	sshll.u32 s26, $0x1;
	_ =	strace $0x80000046;
	[dreg:$0x1] =	wrdreg $0xFFFFFFFF  }
0xa8: {  	s28 =	simm.s32 $_size_execute0_lowered;
	s4 =	sadd.s32 s4, s5;
	[dreg:$0x0] =	wrdreg $0x0  }
0xa9: {  	s5 =	sshll.u32 s28, $0x1;
	[dreg:$0x2] =	wrdreg s4  }
0xaa: {  	[dreg:$0x3] =	wrdreg s5  }
0xab: {  	[dreg:$0x4] =	wrdreg $0xC0  }
0xac: {  	_ =	task [dreg:s8], $0x5FFFF  }
0xad: {  	[dreg:$0x1] =	wrdreg $0xFFFFFFFF  }
0xae: {  	[dreg:$0x0] =	wrdreg $0x60  }
0xaf: {  	[dreg:$0x2] =	wrdreg s2  }
0xb0: {  	[dreg:$0x3] =	wrdreg s19  }
0xb1: {  	[dreg:$0x4] =	wrdreg $0x9  }
0xb2: {  	_ =	task.clear_ibuf [dreg:s8], $0x5FFFF;
	_ =	strace $0x90000046  }
0xb3: {  	s29 =	simm.s32 $0x9;
	_ =	strace $0x80000048  }
0xb4: {  	_ =	swait.ge [sflag:s29], $0x1  }
0xb5: {  	[sflag:s29] =	ssyncadd.s32 $0xFFFFFFFF  }
0xb6: {  	_ =	strace $0x90000048  }
0xb7: {  	_ =	sfence  }
0xb8: {  	s30 =	sld [smem:$0x0];
	_ =	sdelay $0x2  }
0xb9: {  	s31 =	sshll.u32 s1, $0xD;
	s1 =	sshrl.u32 s1, $0x2  }
0xba: {  	s3 =	sand.u32 $0x4000, s31;
	s1 =	sadd.s32 s1, s30  }
0xbb: {  	s0 =	sor.u32 s3, s0;
	s1 =	sshll.u32 s1, $0x11  }
0xbc: {  	s0 =	sor.u32 s1, s0  }
0xbd: {  	s0 =	sadd.s32 $0x8F2B, s0  }
0xbe: {  	[sflag:s0] =	ssyncadd.remote.s32 $0x1  }
0xbf: {  	_ =	sfence.sel $0xFFFF  }
0xc0: {  	[dreg:$0x0] =	wrdreg $0xFFFFFFFF;
	(pc) =	sbr.abs _section_cstart, $3  }
0xc1: {  	[dreg:$0x1] =	wrdreg $0xFFFFFFFF  }
0xc2: {  	_ =	task.clear_ibuf [dreg:s8], $0x2FFFF;
	_ =	strace $0x9FFFFFFF  }
0xc3: {  	(tm) =	ssettm $0x7FFFFFFF  }
tec
execute0_lowered:
.L_overlay_start_1:
0x0: {  	(tag) =	ssettag $0x1  }
0x1: {  	s2 =	rddreg [dreg:$0x0]  }
0x2: {  	s6 =	rddreg [dreg:$0x1];
	s3 =	srdreg.scid  }
0x3: {  	s0 =	rddreg [dreg:$0x2];
	s1 =	stileid.u32;
	s9 =	simm.s32 $0x10000  }
0x4: {  	s10 =	simm.s32 $0x2;
	s11 =	simm.s32 $0x0;
	s4 =	sand.u32 $0x1, s3  }
0x5: {  	s3 =	simm.s32 $0x0;
	s5 =	sshll.u32 s1, $0x2;
	s7 =	sshll.u32 s4, $0x1  }
0x6: {  	v0 =	vlaneseq.u32;
	[smem:$0x7FF] =	sst s3;
	s8 =	ssub.s32 $0x2, s4;
	s4 =	sor.u32 s7, s5  }
0x7: {  	v0 =	vmul.u32 $0xFFFFFFFF, v0;
	_ =	strace $0x80000047;
	s30 =	sshrl.u32 s8, $0x1;
	s7 =	sshll.u32 s4, $0xE  }
0x8: {  	s8 =	ssub.s32 s8, s30;
	s31 =	sshll.u32 s4, $0x9;
	s5 =	sadd.s32 s2, s7  }
0x9: {  	v0 =	vadd.s32 $0xF, v0;
	s6 =	sadd.s32 s6, s31;
	s7 =	smax.u32 s8, $0x1;
	s8 =	simm.s32 $0x1  }
.LBB2_1:
0xa: {  	[tilespmem:s3], [sflag:$0x1] =	stream.linear.gather [hbm4b:s5+s3], $0x8000, $0x38;
	[tilespmem:$0x12000] =	vst v63  }
0xb: {  	s12 =	simm.s32 $0x0  }
.LBB2_2:
0xc: {  	p0 =	seq.s32 s12, $0x7  }
0xd: {  	s13 =	sadd.s32 @!p0 $0x1, s12  }
0xe: {  	s30 =	sshll.u32 s12, $0xA;
	s14 =	sshrl.u32 @!p0 s13, $0x2;
	s13 =	sshll.u32 @!p0 s13, $0xC  }
0xf: {  	s15 =	sshll.u32 @!p0 s12, $0xF;
	s14 =	sadd.s32 @!p0 s4, s14;
	s13 =	sand.u32 @!p0 $0x3000, s13  }
0x10: {  	s15 =	sand.u32 @!p0 $0x8000, s15;
	s14 =	sshll.u32 @!p0 s14, $0xE;
	s13 =	sadd.s32 @!p0 s2, s13  }
0x11: {  	s16 =	sxor.u32 @!p0 $0x8000, s15;
	s13 =	sadd.s32 @!p0 s14, s13;
	s14 =	simm.s32 @!p0 $0x0  }
0x12: {  	[tilespmem:s16], [sflag:$0x1] =	stream.linear.gather @!p0 [hbm4b:s13+s14], $0x8000, $0x38;
	[tilespmem:$0x12000] =	vst v63  }
0x13: {  	s13 =	sand.u32 $0x1C00, s30;
	_ =	swait.ge [sflag:s8], $0x8000  }
0x14: {  	s15 =	simm.s32 @p0 $0x8000;
	s31 =	sor.u32 $0x10000, s13;
	[sflag:s8] =	ssyncset.done $0x0  }
0x15: {  	v1 =	vmov s15;
	s14 =	simm.s32 $0x0;
	s13 =	sadd.s32 $0x400, s15;
	v2 =	vmov s31;
	[sflag:s8] =	ssyncadd.s32 $0xFFFF8000  }
.LBB2_3:
0x16: {  	_ =	sdelay $0x2  }
0x17: {  	s15 =	sshll.u32 s14, $0x8  }
0x18: {  	v3 =	vld.idx.msk [tilespmem:v1+s15+$0x10 ss:$0x1], $0xffff  }
0x19: {  	v4 =	vld.idx.msk [tilespmem:v1+s15+$0x0 ss:$0x1], $0xffff;
	_ =	sdelay $0x3  }
0x1a: {  	v3 =	vsub.f32 $0.0e+00, v3  }
0x1b: {  	(xrf1) =	vsort.ascd.msk.f32 $0xffff, v4, v4  }
0x1c: {  	(xrf1) =	vsort.ascd.msk.f32 $0xffff, v3, v3;
	_ =	sdelay $0xc  }
0x1d: {  	v3 =	vld.idx.msk [tilespmem:v1+s15+$0x20 ss:$0x1], $0xffff;
	v4, _, _ =	vpop (xrf1)  }
0x1e: {  	v5, _, _ =	vpop (xrf1)  }
0x1f: {  	v5 =	vsub.f32 $0.0e+00, v5  }
0x20: {  	v6 =	vld.idx.msk [tilespmem:v1+s15+$0x30 ss:$0x1], $0xffff  }
0x21: {  	v7 =	vmin.f32 v4, v5  }
0x22: {  	v3 =	vsub.f32 $0.0e+00, v3;
	v4 =	vmax.f32 v4, v5;
	(xrf1) =	vsort.ascd.msk.f32 $0xffff, v7, v7  }
0x23: {  	(xrf1) =	vsort.ascd.msk.f32 $0xffff, v4, v4  }
0x24: {  	(xrf1) =	vsort.ascd.msk.f32 $0xffff, v3, v3  }
0x25: {  	(xrf1) =	vsort.ascd.msk.f32 $0xffff, v6, v6;
	_ =	sdelay $0xa  }
0x26: {  	v3, _, _ =	vpop (xrf1)  }
0x27: {  	v4, _, _ =	vpop (xrf1)  }
0x28: {  	v5, _, _ =	vpop (xrf1)  }
0x29: {  	v6, _, _ =	vpop (xrf1)  }
0x2a: {  	v6 =	vsub.f32 $0.0e+00, v6;
	_ =	sdelay $0x1  }
0x2b: {  	v7 =	vmin.f32 v5, v6  }
0x2c: {  	v5 =	vmax.f32 v5, v6;
	(xrf1) =	vsort.ascd.msk.f32 $0xffff, v7, v7  }
0x2d: {  	(xrf1) =	vsort.ascd.msk.f32 $0xffff, v5, v5;
	_ =	sdelay $0xc  }
0x2e: {  	v5, _, _ =	vpop (xrf1)  }
0x2f: {  	v6, _, _ =	vpop (xrf1)  }
0x30: {  	v5 =	vsub.f32 $0.0e+00, v5;
	v6 =	vsub.f32 $0.0e+00, v6  }
0x31: {  	v7 =	vld.idx.msk [tilespmem:v1+s15+$0x40 ss:$0x1], $0xffff  }
0x32: {  	v8 =	vmin.f32 v3, v5;
	v9 =	vmin.f32 v4, v6  }
0x33: {  	v3 =	vmax.f32 v3, v5;
	v5 =	vmin.f32 v8, v9  }
0x34: {  	v10 =	vld.idx.msk [tilespmem:v1+s15+$0x50 ss:$0x1], $0xffff;
	v4 =	vmax.f32 v4, v6;
	v6 =	vmax.f32 v8, v9;
	(xrf1) =	vsort.ascd.msk.f32 $0xffff, v5, v5  }
0x35: {  	v5 =	vmin.f32 v3, v4;
	(xrf1) =	vsort.ascd.msk.f32 $0xffff, v6, v6  }
0x36: {  	v3 =	vmax.f32 v3, v4;
	v4 =	vsub.f32 $0.0e+00, v7;
	(xrf1) =	vsort.ascd.msk.f32 $0xffff, v5, v5  }
0x37: {  	(xrf1) =	vsort.ascd.msk.f32 $0xffff, v3, v3  }
0x38: {  	(xrf1) =	vsort.ascd.msk.f32 $0xffff, v4, v4  }
0x39: {  	(xrf1) =	vsort.ascd.msk.f32 $0xffff, v10, v10;
	_ =	sdelay $0x8  }
0x3a: {  	v3, _, _ =	vpop (xrf1)  }
0x3b: {  	v4, _, _ =	vpop (xrf1)  }
0x3c: {  	v5, _, _ =	vpop (xrf1)  }
0x3d: {  	v6, _, _ =	vpop (xrf1)  }
0x3e: {  	v7, _, _ =	vpop (xrf1)  }
0x3f: {  	v8 =	vld.idx.msk [tilespmem:v1+s15+$0x70 ss:$0x1], $0xffff;
	v9, _, _ =	vpop (xrf1)  }
0x40: {  	v10 =	vld.idx.msk [tilespmem:v1+s15+$0x60 ss:$0x1], $0xffff;
	v9 =	vsub.f32 $0.0e+00, v9;
	_ =	sdelay $0x1  }
0x41: {  	v11 =	vmin.f32 v7, v9  }
0x42: {  	v7 =	vmax.f32 v7, v9;
	(xrf1) =	vsort.ascd.msk.f32 $0xffff, v11, v11  }
0x43: {  	(xrf1) =	vsort.ascd.msk.f32 $0xffff, v7, v7;
	v7 =	vsub.f32 $0.0e+00, v8  }
0x44: {  	(xrf1) =	vsort.ascd.msk.f32 $0xffff, v10, v10  }
0x45: {  	(xrf1) =	vsort.ascd.msk.f32 $0xffff, v7, v7;
	_ =	sdelay $0xa  }
0x46: {  	v7, _, _ =	vpop (xrf1)  }
0x47: {  	v8, _, _ =	vpop (xrf1)  }
0x48: {  	v9, _, _ =	vpop (xrf1)  }
0x49: {  	v10, _, _ =	vpop (xrf1)  }
0x4a: {  	v10 =	vsub.f32 $0.0e+00, v10;
	_ =	sdelay $0x1  }
0x4b: {  	v11 =	vmin.f32 v9, v10  }
0x4c: {  	v9 =	vmax.f32 v9, v10;
	(xrf1) =	vsort.ascd.msk.f32 $0xffff, v11, v11  }
0x4d: {  	(xrf1) =	vsort.ascd.msk.f32 $0xffff, v9, v9;
	_ =	sdelay $0xc  }
0x4e: {  	v9, _, _ =	vpop (xrf1)  }
0x4f: {  	v10, _, _ =	vpop (xrf1)  }
0x50: {  	v9 =	vsub.f32 $0.0e+00, v9;
	v10 =	vsub.f32 $0.0e+00, v10;
	_ =	sdelay $0x1  }
0x51: {  	v11 =	vmin.f32 v7, v9;
	v12 =	vmin.f32 v8, v10  }
0x52: {  	v7 =	vmax.f32 v7, v9;
	v9 =	vmin.f32 v11, v12  }
0x53: {  	v8 =	vmax.f32 v8, v10;
	v10 =	vmax.f32 v11, v12;
	(xrf1) =	vsort.ascd.msk.f32 $0xffff, v9, v9  }
0x54: {  	v9 =	vmin.f32 v7, v8;
	(xrf1) =	vsort.ascd.msk.f32 $0xffff, v10, v10  }
0x55: {  	v7 =	vmax.f32 v7, v8;
	(xrf1) =	vsort.ascd.msk.f32 $0xffff, v9, v9  }
0x56: {  	(xrf1) =	vsort.ascd.msk.f32 $0xffff, v7, v7;
	_ =	sdelay $0xa  }
0x57: {  	v7, _, _ =	vpop (xrf1)  }
0x58: {  	v8, _, _ =	vpop (xrf1)  }
0x59: {  	v9, _, _ =	vpop (xrf1)  }
0x5a: {  	v7 =	vsub.f32 $0.0e+00, v7;
	v8 =	vsub.f32 $0.0e+00, v8;
	v10, _, _ =	vpop (xrf1)  }
0x5b: {  	v9 =	vsub.f32 $0.0e+00, v9;
	v10 =	vsub.f32 $0.0e+00, v10  }
0x5c: {  	v11 =	vmin.f32 v3, v7;
	v3 =	vmax.f32 v3, v7;
	v38 =	vmin.f32 v4, v8  }
0x5d: {  	v4 =	vmax.f32 v4, v8;
	v13 =	vmin.f32 v5, v9;
	v14 =	vmin.f32 v6, v10  }
0x5e: {  	v5 =	vmax.f32 v5, v9;
	v7 =	vmin.f32 v11, v13;
	v8 =	vmin.f32 v38, v14  }
0x5f: {  	v6 =	vmax.f32 v6, v10;
	v9 =	vmax.f32 v11, v13;
	v10 =	vmin.f32 v7, v8  }
0x60: {  	v11 =	vmax.f32 v38, v14;
	v7 =	vmax.f32 v7, v8;
	(xrf1) =	vsort.ascd.msk.f32 $0xffff, v10, v10  }
0x61: {  	v8 =	vmax.f32 v9, v11;
	(xrf1) =	vsort.ascd.msk.f32 $0xffff, v7, v7;
	v7 =	vmin.f32 v9, v11  }
0x62: {  	v10 =	vld.idx.msk [tilespmem:v1+s15+$0x90 ss:$0x1], $0xffff;
	v9 =	vmin.f32 v4, v6;
	(xrf1) =	vsort.ascd.msk.f32 $0xffff, v7, v7;
	v7 =	vmin.f32 v3, v5  }
0x63: {  	v3 =	vmax.f32 v3, v5;
	(xrf1) =	vsort.ascd.msk.f32 $0xffff, v8, v8;
	v5 =	vmin.f32 v7, v9;
	v8 =	vld.idx.msk [tilespmem:v1+s15+$0x80 ss:$0x1], $0xffff  }
0x64: {  	v4 =	vmax.f32 v4, v6;
	v6 =	vmax.f32 v7, v9;
	(xrf1) =	vsort.ascd.msk.f32 $0xffff, v5, v5  }
0x65: {  	v5 =	vmin.f32 v3, v4;
	(xrf1) =	vsort.ascd.msk.f32 $0xffff, v6, v6  }
0x66: {  	v3 =	vmax.f32 v3, v4;
	(xrf1) =	vsort.ascd.msk.f32 $0xffff, v5, v5  }
0x67: {  	(xrf1) =	vsort.ascd.msk.f32 $0xffff, v3, v3;
	v3 =	vsub.f32 $0.0e+00, v10  }
0x68: {  	(xrf1) =	vsort.ascd.msk.f32 $0xffff, v8, v8  }
0x69: {  	(xrf1) =	vsort.ascd.msk.f32 $0xffff, v3, v3;
	_ =	sdelay $0x4  }
0x6a: {  	v11, _, _ =	vpop (xrf1)  }
0x6b: {  	v10, _, _ =	vpop (xrf1)  }
0x6c: {  	v9, _, _ =	vpop (xrf1)  }
0x6d: {  	v8, _, _ =	vpop (xrf1)  }
0x6e: {  	v7, _, _ =	vpop (xrf1)  }
0x6f: {  	v6, _, _ =	vpop (xrf1)  }
0x70: {  	v5, _, _ =	vpop (xrf1)  }
0x71: {  	v4, _, _ =	vpop (xrf1)  }
0x72: {  	v3 =	vld.idx.msk [tilespmem:v1+s15+$0xA0 ss:$0x1], $0xffff;
	v39, _, _ =	vpop (xrf1)  }
0x73: {  	v40, _, _ =	vpop (xrf1)  }
0x74: {  	v13 =	vsub.f32 $0.0e+00, v40  }
0x75: {  	v41 =	vld.idx.msk [tilespmem:v1+s15+$0xB0 ss:$0x1], $0xffff  }
0x76: {  	v15 =	vmin.f32 v39, v13  }
0x77: {  	v3 =	vsub.f32 $0.0e+00, v3;
	v12 =	vmax.f32 v39, v13;
	(xrf1) =	vsort.ascd.msk.f32 $0xffff, v15, v15  }
0x78: {  	(xrf1) =	vsort.ascd.msk.f32 $0xffff, v12, v12  }
0x79: {  	(xrf1) =	vsort.ascd.msk.f32 $0xffff, v3, v3  }
0x7a: {  	(xrf1) =	vsort.ascd.msk.f32 $0xffff, v41, v41;
	_ =	sdelay $0xa  }
0x7b: {  	v3, _, _ =	vpop (xrf1)  }
0x7c: {  	v12, _, _ =	vpop (xrf1)  }
0x7d: {  	v42, _, _ =	vpop (xrf1)  }
0x7e: {  	v14, _, _ =	vpop (xrf1)  }
0x7f: {  	v14 =	vsub.f32 $0.0e+00, v14;
	_ =	sdelay $0x1  }
0x80: {  	v15 =	vmin.f32 v42, v14  }
0x81: {  	v13 =	vmax.f32 v42, v14;
	(xrf1) =	vsort.ascd.msk.f32 $0xffff, v15, v15  }
0x82: {  	(xrf1) =	vsort.ascd.msk.f32 $0xffff, v13, v13;
	_ =	sdelay $0xc  }
0x83: {  	v43, _, _ =	vpop (xrf1)  }
0x84: {  	v44, _, _ =	vpop (xrf1)  }
0x85: {  	v13 =	vsub.f32 $0.0e+00, v43;
	v14 =	vsub.f32 $0.0e+00, v44  }
0x86: {  	v15 =	vld.idx.msk [tilespmem:v1+s15+$0xC0 ss:$0x1], $0xffff  }
0x87: {  	v16 =	vmin.f32 v3, v13;
	v17 =	vmin.f32 v12, v14  }
0x88: {  	v3 =	vmax.f32 v3, v13;
	v45 =	vmin.f32 v16, v17  }
0x89: {  	v18 =	vld.idx.msk [tilespmem:v1+s15+$0xD0 ss:$0x1], $0xffff;
	v12 =	vmax.f32 v12, v14;
	v46 =	vmax.f32 v16, v17;
	(xrf1) =	vsort.ascd.msk.f32 $0xffff, v45, v45  }
0x8a: {  	v47 =	vmin.f32 v3, v12;
	(xrf1) =	vsort.ascd.msk.f32 $0xffff, v46, v46  }
0x8b: {  	v48 =	vsub.f32 $0.0e+00, v15;
	v3 =	vmax.f32 v3, v12;
	(xrf1) =	vsort.ascd.msk.f32 $0xffff, v47, v47  }
0x8c: {  	(xrf1) =	vsort.ascd.msk.f32 $0xffff, v3, v3  }
0x8d: {  	(xrf1) =	vsort.ascd.msk.f32 $0xffff, v48, v48  }
0x8e: {  	(xrf1) =	vsort.ascd.msk.f32 $0xffff, v18, v18;
	_ =	sdelay $0x8  }
0x8f: {  	v49, _, _ =	vpop (xrf1)  }
0x90: {  	v50, _, _ =	vpop (xrf1)  }
0x91: {  	v51, _, _ =	vpop (xrf1)  }
0x92: {  	v15, _, _ =	vpop (xrf1)  }
0x93: {  	v3, _, _ =	vpop (xrf1)  }
0x94: {  	v16 =	vld.idx.msk [tilespmem:v1+s15+$0xF0 ss:$0x1], $0xffff;
	v17, _, _ =	vpop (xrf1)  }
0x95: {  	v18 =	vld.idx.msk [tilespmem:v1+s15+$0xE0 ss:$0x1], $0xffff;
	v17 =	vsub.f32 $0.0e+00, v17;
	_ =	sdelay $0x1  }
0x96: {  	v19 =	vmin.f32 v3, v17  }
0x97: {  	v3 =	vmax.f32 v3, v17;
	(xrf1) =	vsort.ascd.msk.f32 $0xffff, v19, v19  }
0x98: {  	(xrf1) =	vsort.ascd.msk.f32 $0xffff, v3, v3;
	v3 =	vsub.f32 $0.0e+00, v16  }
0x99: {  	(xrf1) =	vsort.ascd.msk.f32 $0xffff, v18, v18  }
0x9a: {  	(xrf1) =	vsort.ascd.msk.f32 $0xffff, v3, v3;
	_ =	sdelay $0xa  }
0x9b: {  	v3, _, _ =	vpop (xrf1)  }
0x9c: {  	v16, _, _ =	vpop (xrf1)  }
0x9d: {  	v17, _, _ =	vpop (xrf1)  }
0x9e: {  	v18, _, _ =	vpop (xrf1)  }
0x9f: {  	v18 =	vsub.f32 $0.0e+00, v18;
	_ =	sdelay $0x1  }
0xa0: {  	v19 =	vmin.f32 v17, v18  }
0xa1: {  	v17 =	vmax.f32 v17, v18;
	(xrf1) =	vsort.ascd.msk.f32 $0xffff, v19, v19  }
0xa2: {  	(xrf1) =	vsort.ascd.msk.f32 $0xffff, v17, v17;
	_ =	sdelay $0xc  }
0xa3: {  	v17, _, _ =	vpop (xrf1)  }
0xa4: {  	v18, _, _ =	vpop (xrf1)  }
0xa5: {  	v17 =	vsub.f32 $0.0e+00, v17;
	v18 =	vsub.f32 $0.0e+00, v18;
	_ =	sdelay $0x1  }
0xa6: {  	v19 =	vmin.f32 v3, v17;
	v20 =	vmin.f32 v16, v18  }
0xa7: {  	v3 =	vmax.f32 v3, v17;
	v17 =	vmin.f32 v19, v20  }
0xa8: {  	v16 =	vmax.f32 v16, v18;
	v18 =	vmax.f32 v19, v20;
	(xrf1) =	vsort.ascd.msk.f32 $0xffff, v17, v17  }
0xa9: {  	v17 =	vmin.f32 v3, v16;
	(xrf1) =	vsort.ascd.msk.f32 $0xffff, v18, v18  }
0xaa: {  	v3 =	vmax.f32 v3, v16;
	(xrf1) =	vsort.ascd.msk.f32 $0xffff, v17, v17  }
0xab: {  	(xrf1) =	vsort.ascd.msk.f32 $0xffff, v3, v3;
	_ =	sdelay $0xa  }
0xac: {  	v3, _, _ =	vpop (xrf1)  }
0xad: {  	v16, _, _ =	vpop (xrf1)  }
0xae: {  	v17, _, _ =	vpop (xrf1)  }
0xaf: {  	v18 =	vsub.f32 $0.0e+00, v3;
	v16 =	vsub.f32 $0.0e+00, v16;
	v3, _, _ =	vpop (xrf1)  }
0xb0: {  	v17 =	vsub.f32 $0.0e+00, v17;
	v19 =	vsub.f32 $0.0e+00, v3;
	v3 =	vmov s13  }
0xb1: {  	v20 =	vmin.f32 v49, v18;
	v12 =	vmax.f32 v49, v18;
	v21 =	vmin.f32 v50, v16  }
0xb2: {  	v13 =	vmax.f32 v50, v16;
	v22 =	vmin.f32 v51, v17;
	v23 =	vmin.f32 v15, v19  }
0xb3: {  	v14 =	vmax.f32 v51, v17;
	v16 =	vmin.f32 v20, v22;
	v17 =	vmin.f32 v21, v23  }
0xb4: {  	s16 =	simm.s32 $0x0;
	v15 =	vmax.f32 v15, v19;
	v18 =	vmax.f32 v20, v22;
	v19 =	vmin.f32 v16, v17  }
0xb5: {  	v20 =	vmax.f32 v21, v23;
	v16 =	vmax.f32 v16, v17;
	(xrf1) =	vsort.ascd.msk.f32 $0xffff, v19, v19;
	v53 =	vld.idx.msk [tilespmem:v3+s16+$0x90 ss:$0x1], $0xffff  }
0xb6: {  	v17 =	vmax.f32 v18, v20;
	v54 =	vld.idx.msk [tilespmem:v3+s16+$0x30 ss:$0x1], $0xffff;
	(xrf1) =	vsort.ascd.msk.f32 $0xffff, v16, v16;
	v16 =	vmin.f32 v18, v20  }
0xb7: {  	v19 =	vmin.f32 v13, v15;
	v55 =	vld.idx.msk [tilespmem:v3+s16+$0x70 ss:$0x1], $0xffff;
	(xrf1) =	vsort.ascd.msk.f32 $0xffff, v16, v16;
	v16 =	vmin.f32 v12, v14  }
0xb8: {  	v13 =	vmax.f32 v13, v15;
	v18 =	vld.idx.msk [tilespmem:v3+s16+$0x10 ss:$0x1], $0xffff;
	(xrf1) =	vsort.ascd.msk.f32 $0xffff, v17, v17;
	v52 =	vmin.f32 v16, v19  }
0xb9: {  	v20 =	vld.idx.msk [tilespmem:v3+s16+$0x20 ss:$0x1], $0xffff;
	v12 =	vmax.f32 v12, v14;
	v15 =	vmax.f32 v16, v19;
	(xrf1) =	vsort.ascd.msk.f32 $0xffff, v52, v52  }
0xba: {  	v17 =	vld.idx.msk [tilespmem:v3+s16+$0x40 ss:$0x1], $0xffff;
	(xrf1) =	vsort.ascd.msk.f32 $0xffff, v15, v15;
	v15 =	vmin.f32 v12, v13  }
0xbb: {  	v16 =	vld.idx.msk [tilespmem:v3+s16+$0xC0 ss:$0x1], $0xffff;
	v12 =	vmax.f32 v12, v13;
	(xrf1) =	vsort.ascd.msk.f32 $0xffff, v15, v15  }
0xbc: {  	v19 =	vld.idx.msk [tilespmem:v3+s16+$0x60 ss:$0x1], $0xffff;
	(xrf1) =	vsort.ascd.msk.f32 $0xffff, v12, v12  }
0xbd: {  	v15 =	vld.idx.msk [tilespmem:v3+s16+$0x50 ss:$0x1], $0xffff;
	(xrf1) =	vsort.ascd.msk.f32 $0xffff, v18, v18  }
0xbe: {  	v18 =	vld.idx.msk [tilespmem:v3+s16+$0xF0 ss:$0x1], $0xffff;
	(xrf1) =	vsort.ascd.msk.f32 $0xffff, v20, v20  }
0xbf: {  	(xrf1) =	vsort.ascd.msk.f32 $0xffff, v17, v17;
	v17 =	vld.idx.msk [tilespmem:v3+s16+$0xD0 ss:$0x1], $0xffff  }
0xc0: {  	(xrf1) =	vsort.ascd.msk.f32 $0xffff, v53, v53  }
0xc1: {  	v20 =	vld.idx.msk [tilespmem:v3+s16+$0xE0 ss:$0x1], $0xffff;
	(xrf1) =	vsort.ascd.msk.f32 $0xffff, v16, v16  }
0xc2: {  	v56 =	vsub.f32 $0.0e+00, v54;
	v15 =	vsub.f32 $0.0e+00, v15;
	(xrf1) =	vsort.ascd.msk.f32 $0xffff, v55, v55  }
0xc3: {  	v16 =	vsub.f32 $0.0e+00, v19;
	v12, _, _ =	vpop (xrf1);
	(xrf1) =	vsort.ascd.msk.f32 $0xffff, v18, v18  }
0xc4: {  	v13, _, _ =	vpop (xrf1);
	(xrf1) =	vsort.ascd.msk.f32 $0xffff, v56, v56;
	v17 =	vsub.f32 $0.0e+00, v17  }
0xc5: {  	v14, _, _ =	vpop (xrf1);
	(xrf1) =	vsort.ascd.msk.f32 $0xffff, v15, v15  }
0xc6: {  	v18 =	vsub.f32 $0.0e+00, v20;
	v15, _, _ =	vpop (xrf1);
	(xrf1) =	vsort.ascd.msk.f32 $0xffff, v16, v16  }
0xc7: {  	v16, _, _ =	vpop (xrf1);
	(xrf1) =	vsort.ascd.msk.f32 $0xffff, v17, v17  }
0xc8: {  	v17, _, _ =	vpop (xrf1);
	(xrf1) =	vsort.ascd.msk.f32 $0xffff, v18, v18  }
0xc9: {  	v22 =	vld.idx.msk [tilespmem:v3+s16+$0x80 ss:$0x1], $0xffff;
	v19, _, _ =	vpop (xrf1)  }
0xca: {  	v20 =	vld.idx.msk [tilespmem:v3+s16+$0x0 ss:$0x1], $0xffff;
	v18, _, _ =	vpop (xrf1)  }
0xcb: {  	v24 =	vld.idx.msk [tilespmem:v3+s16+$0xA0 ss:$0x1], $0xffff;
	v21, _, _ =	vpop (xrf1)  }
0xcc: {  	v26 =	vld.idx.msk [tilespmem:v3+s16+$0xB0 ss:$0x1], $0xffff;
	v23, _, _ =	vpop (xrf1)  }
0xcd: {  	v25, _, _ =	vpop (xrf1)  }
0xce: {  	v27, _, _ =	vpop (xrf1)  }
0xcf: {  	v20 =	vsub.f32 $0.0e+00, v20;
	v28, _, _ =	vpop (xrf1)  }
0xd0: {  	v22 =	vsub.f32 $0.0e+00, v22;
	v29, _, _ =	vpop (xrf1)  }
0xd1: {  	v26 =	vsub.f32 $0.0e+00, v26;
	(xrf1) =	vsort.ascd.msk.f32 $0xffff, v24, v24;
	v30, _, _ =	vpop (xrf1)  }
0xd2: {  	(xrf1) =	vsort.ascd.msk.f32 $0xffff, v20, v20;
	v24, _, _ =	vpop (xrf1)  }
0xd3: {  	v29 =	vsub.f32 $0.0e+00, v29;
	(xrf1) =	vsort.ascd.msk.f32 $0xffff, v22, v22;
	v20, _, _ =	vpop (xrf1)  }
0xd4: {  	(xrf1) =	vsort.ascd.msk.f32 $0xffff, v26, v26;
	v22, _, _ =	vpop (xrf1)  }
0xd5: {  	v30 =	vsub.f32 $0.0e+00, v30;
	v26, _, _ =	vpop (xrf1);
	v31 =	vmin.f32 v22, v29  }
0xd6: {  	v22 =	vmax.f32 v22, v29;
	v32, _, _ =	vpop (xrf1);
	(xrf1) =	vsort.ascd.msk.f32 $0xffff, v31, v31  }
0xd7: {  	(xrf1) =	vsort.ascd.msk.f32 $0xffff, v22, v22;
	v22 =	vsub.f32 $0.0e+00, v24;
	v24 =	vmin.f32 v32, v30  }
0xd8: {  	v29 =	vmax.f32 v32, v30;
	(xrf1) =	vsort.ascd.msk.f32 $0xffff, v24, v24  }
0xd9: {  	v20 =	vsub.f32 $0.0e+00, v20;
	v24 =	vmin.f32 v23, v22;
	(xrf1) =	vsort.ascd.msk.f32 $0xffff, v29, v29  }
0xda: {  	v22 =	vmax.f32 v23, v22;
	(xrf1) =	vsort.ascd.msk.f32 $0xffff, v24, v24  }
0xdb: {  	v23 =	vmin.f32 v25, v20;
	(xrf1) =	vsort.ascd.msk.f32 $0xffff, v22, v22;
	v22 =	vsub.f32 $0.0e+00, v26  }
0xdc: {  	v20 =	vmax.f32 v25, v20;
	(xrf1) =	vsort.ascd.msk.f32 $0xffff, v23, v23  }
0xdd: {  	(xrf1) =	vsort.ascd.msk.f32 $0xffff, v20, v20;
	v20 =	vmin.f32 v28, v22  }
0xde: {  	v22 =	vmax.f32 v28, v22  }
0xdf: {  	v23, _, _ =	vpop (xrf1)  }
0xe0: {  	(xrf1) =	vsort.ascd.msk.f32 $0xffff, v20, v20;
	v20, _, _ =	vpop (xrf1)  }
0xe1: {  	v21 =	vsub.f32 $0.0e+00, v21;
	(xrf1) =	vsort.ascd.msk.f32 $0xffff, v22, v22;
	v22, _, _ =	vpop (xrf1)  }
0xe2: {  	v24, _, _ =	vpop (xrf1)  }
0xe3: {  	v25 =	vmin.f32 v20, v21;
	v20 =	vmax.f32 v20, v21;
	v24 =	vsub.f32 $0.0e+00, v24  }
0xe4: {  	(xrf1) =	vsort.ascd.msk.f32 $0xffff, v25, v25;
	v26, _, _ =	vpop (xrf1)  }
0xe5: {  	v25 =	vsub.f32 $0.0e+00, v27;
	(xrf1) =	vsort.ascd.msk.f32 $0xffff, v20, v20;
	v21, _, _ =	vpop (xrf1);
	v27 =	vmin.f32 v23, v24;
	v23 =	vmax.f32 v23, v24  }
0xe6: {  	v20, _, _ =	vpop (xrf1)  }
0xe7: {  	(xrf1) =	vsort.ascd.msk.f32 $0xffff, v27, v27;
	v27 =	vmin.f32 v22, v25;
	v22 =	vmax.f32 v22, v25;
	v24, _, _ =	vpop (xrf1)  }
0xe8: {  	s31 =	simm.s32 $0x400;
	(xrf1) =	vsort.ascd.msk.f32 $0xffff, v23, v23;
	v23, _, _ =	vpop (xrf1)  }
0xe9: {  	v28 =	vld.idx.msk [tilespmem:v3+s31+$0x10 ss:$0x1], $0xffff;
	(xrf1) =	vsort.ascd.msk.f32 $0xffff, v27, v27;
	v25, _, _ =	vpop (xrf1)  }
0xea: {  	v26 =	vsub.f32 $0.0e+00, v26;
	v21 =	vsub.f32 $0.0e+00, v21;
	(xrf1) =	vsort.ascd.msk.f32 $0xffff, v22, v22;
	v22, _, _ =	vpop (xrf1)  }
0xeb: {  	v27, _, _ =	vpop (xrf1)  }
0xec: {  	v29 =	vmin.f32 v22, v26;
	v30 =	vmin.f32 v27, v21  }
0xed: {  	v20 =	vsub.f32 $0.0e+00, v20;
	v22 =	vmax.f32 v22, v26;
	v26 =	vmin.f32 v29, v30  }
0xee: {  	(xrf1) =	vsort.ascd.msk.f32 $0xffff, v28, v28;
	v28, _, _ =	vpop (xrf1);
	v21 =	vmax.f32 v27, v21;
	v27 =	vmax.f32 v29, v30  }
0xef: {  	v24 =	vsub.f32 $0.0e+00, v24;
	v29 =	vmin.f32 v22, v21;
	v30 =	vmin.f32 v28, v20;
	(xrf1) =	vsort.ascd.msk.f32 $0xffff, v26, v26  }
0xf0: {  	v21 =	vmax.f32 v22, v21;
	v20 =	vmax.f32 v28, v20;
	v26, _, _ =	vpop (xrf1);
	(xrf1) =	vsort.ascd.msk.f32 $0xffff, v27, v27  }
0xf1: {  	v23 =	vsub.f32 $0.0e+00, v23;
	v22 =	vmin.f32 v26, v24;
	(xrf1) =	vsort.ascd.msk.f32 $0xffff, v29, v29;
	v24 =	vmax.f32 v26, v24  }
0xf2: {  	v27 =	vmin.f32 v30, v22;
	(xrf1) =	vsort.ascd.msk.f32 $0xffff, v21, v21;
	v21 =	vsub.f32 $0.0e+00, v25;
	v22 =	vmax.f32 v30, v22;
	v25, _, _ =	vpop (xrf1)  }
0xf3: {  	v28 =	vmin.f32 v20, v24;
	v20 =	vmax.f32 v20, v24;
	(xrf1) =	vsort.ascd.msk.f32 $0xffff, v27, v27;
	v29, _, _ =	vpop (xrf1)  }
0xf4: {  	v27 =	vmin.f32 v25, v23;
	(xrf1) =	vsort.ascd.msk.f32 $0xffff, v22, v22;
	v30 =	vmin.f32 v29, v21  }
0xf5: {  	v23 =	vmax.f32 v25, v23;
	(xrf1) =	vsort.ascd.msk.f32 $0xffff, v28, v28;
	v25 =	vmin.f32 v27, v30  }
0xf6: {  	v24, _, _ =	vpop (xrf1);
	(xrf1) =	vsort.ascd.msk.f32 $0xffff, v20, v20;
	v20 =	vmax.f32 v29, v21;
	v21 =	vmax.f32 v27, v30  }
0xf7: {  	v57 =	vld.idx.msk [tilespmem:v3+s31+$0x50 ss:$0x1], $0xffff;
	v28, _, _ =	vpop (xrf1)  }
0xf8: {  	v33 =	vld.idx.msk [tilespmem:v3+s31+$0xE0 ss:$0x1], $0xffff;
	v24 =	vsub.f32 $0.0e+00, v24;
	v27 =	vsub.f32 $0.0e+00, v28;
	(xrf1) =	vsort.ascd.msk.f32 $0xffff, v25, v25;
	v25, _, _ =	vpop (xrf1)  }
0xf9: {  	v31 =	vld.idx.msk [tilespmem:v3+s31+$0xC0 ss:$0x1], $0xffff;
	v29 =	vmin.f32 v23, v20;
	v20 =	vmax.f32 v23, v20;
	(xrf1) =	vsort.ascd.msk.f32 $0xffff, v21, v21;
	v21, _, _ =	vpop (xrf1)  }
0xfa: {  	v26 =	vld.idx.msk [tilespmem:v3+s31+$0x20 ss:$0x1], $0xffff;
	v30 =	vmin.f32 v25, v24;
	(xrf1) =	vsort.ascd.msk.f32 $0xffff, v29, v29;
	v23 =	vmin.f32 v21, v27  }
0xfb: {  	v22 =	vld.idx.msk [tilespmem:v3+s31+$0x40 ss:$0x1], $0xffff;
	v24 =	vmax.f32 v25, v24;
	(xrf1) =	vsort.ascd.msk.f32 $0xffff, v20, v20;
	v25 =	vmin.f32 v30, v23  }
0xfc: {  	v28 =	vld.idx.msk [tilespmem:v3+s31+$0x90 ss:$0x1], $0xffff;
	v21 =	vmax.f32 v21, v27;
	v23 =	vmax.f32 v30, v23;
	(xrf1) =	vsort.ascd.msk.f32 $0xffff, v25, v25  }
0xfd: {  	v29 =	vld.idx.msk [tilespmem:v3+s31+$0x30 ss:$0x1], $0xffff;
	v20, _, _ =	vpop (xrf1);
	v27 =	vmin.f32 v24, v21;
	(xrf1) =	vsort.ascd.msk.f32 $0xffff, v23, v23  }
0xfe: {  	v21 =	vmax.f32 v24, v21;
	v25 =	vld.idx.msk [tilespmem:v3+s31+$0x60 ss:$0x1], $0xffff;
	v24, _, _ =	vpop (xrf1);
	(xrf1) =	vsort.ascd.msk.f32 $0xffff, v27, v27  }
0xff: {  	v23 =	vld.idx.msk [tilespmem:v3+s31+$0x70 ss:$0x1], $0xffff;
	v30, _, _ =	vpop (xrf1);
	(xrf1) =	vsort.ascd.msk.f32 $0xffff, v21, v21  }
0x100: {  	v21 =	vld.idx.msk [tilespmem:v3+s31+$0xF0 ss:$0x1], $0xffff;
	(xrf1) =	vsort.ascd.msk.f32 $0xffff, v26, v26;
	v26, _, _ =	vpop (xrf1)  }
0x101: {  	(xrf1) =	vsort.ascd.msk.f32 $0xffff, v22, v22;
	v22, _, _ =	vpop (xrf1)  }
0x102: {  	v27 =	vld.idx.msk [tilespmem:v3+s31+$0xD0 ss:$0x1], $0xffff;
	v29 =	vsub.f32 $0.0e+00, v29;
	(xrf1) =	vsort.ascd.msk.f32 $0xffff, v28, v28;
	v28, _, _ =	vpop (xrf1)  }
0x103: {  	v33 =	vsub.f32 $0.0e+00, v33;
	(xrf1) =	vsort.ascd.msk.f32 $0xffff, v31, v31;
	v31, _, _ =	vpop (xrf1)  }
0x104: {  	v32 =	vsub.f32 $0.0e+00, v57;
	v24 =	vsub.f32 $0.0e+00, v24;
	(xrf1) =	vsort.ascd.msk.f32 $0xffff, v23, v23;
	v23, _, _ =	vpop (xrf1)  }
0x105: {  	v30 =	vsub.f32 $0.0e+00, v30;
	v25 =	vsub.f32 $0.0e+00, v25;
	(xrf1) =	vsort.ascd.msk.f32 $0xffff, v21, v21;
	v21, _, _ =	vpop (xrf1)  }
0x106: {  	v26 =	vsub.f32 $0.0e+00, v26;
	v22 =	vsub.f32 $0.0e+00, v22;
	(xrf1) =	vsort.ascd.msk.f32 $0xffff, v29, v29;
	v29, _, _ =	vpop (xrf1)  }
0x107: {  	v27 =	vsub.f32 $0.0e+00, v27;
	v23 =	vsub.f32 $0.0e+00, v23;
	(xrf1) =	vsort.ascd.msk.f32 $0xffff, v32, v32;
	v58, _, _ =	vpop (xrf1);
	v59 =	vmin.f32 v29, v24  }
0x108: {  	v24 =	vmax.f32 v29, v24;
	(xrf1) =	vsort.ascd.msk.f32 $0xffff, v25, v25;
	v25 =	vsub.f32 $0.0e+00, v28;
	v28, _, _ =	vpop (xrf1);
	v34 =	vmin.f32 v58, v30  }
0x109: {  	v30 =	vmax.f32 v58, v30;
	(xrf1) =	vsort.ascd.msk.f32 $0xffff, v27, v27;
	v27 =	vsub.f32 $0.0e+00, v31;
	v31, _, _ =	vpop (xrf1);
	v36 =	vmin.f32 v28, v26  }
0x10a: {  	v21 =	vsub.f32 $0.0e+00, v21;
	v26 =	vmax.f32 v28, v26;
	(xrf1) =	vsort.ascd.msk.f32 $0xffff, v33, v33;
	v37 =	vmin.f32 v31, v22  }
0x10b: {  	v35, _, _ =	vpop (xrf1);
	v22 =	vmax.f32 v31, v22;
	v43 =	vmin.f32 v24, v26;
	v24 =	vmax.f32 v24, v26  }
0x10c: {  	v29, _, _ =	vpop (xrf1);
	v31 =	vmin.f32 v35, v25;
	v25 =	vmax.f32 v35, v25;
	v61 =	vmin.f32 v34, v37  }
0x10d: {  	v28, _, _ =	vpop (xrf1);
	v60 =	vmin.f32 v29, v27;
	v27 =	vmax.f32 v29, v27;
	v29 =	vmin.f32 v59, v36  }
0x10e: {  	v38 =	vmin.f32 v28, v23;
	v39, _, _ =	vpop (xrf1);
	v23 =	vmax.f32 v28, v23;
	v28 =	vmax.f32 v59, v36  }
0x10f: {  	v62 =	vmin.f32 v29, v61;
	v29 =	vmax.f32 v29, v61;
	v40 =	vmin.f32 v39, v21  }
0x110: {  	v63 =	vmax.f32 v39, v21;
	v21 =	vmax.f32 v34, v37;
	(xrf1) =	vsort.ascd.msk.f32 $0xffff, v62, v62  }
0x111: {  	v42 =	vmin.f32 v28, v21;
	(xrf1) =	vsort.ascd.msk.f32 $0xffff, v29, v29;
	v21 =	vmax.f32 v28, v21  }
0x112: {  	v28 =	vmin.f32 v30, v22;
	v22 =	vmax.f32 v30, v22;
	(xrf1) =	vsort.ascd.msk.f32 $0xffff, v42, v42  }
0x113: {  	v29, _, _ =	vpop (xrf1);
	v26 =	vmin.f32 v43, v28;
	v28 =	vmax.f32 v43, v28;
	(xrf1) =	vsort.ascd.msk.f32 $0xffff, v21, v21  }
0x114: {  	v48 =	vmin.f32 v25, v23;
	v33, _, _ =	vpop (xrf1);
	(xrf1) =	vsort.ascd.msk.f32 $0xffff, v26, v26;
	v26 =	vmin.f32 v24, v22  }
0x115: {  	v30 =	vmin.f32 v31, v38;
	v21, _, _ =	vpop (xrf1);
	v22 =	vmax.f32 v24, v22;
	(xrf1) =	vsort.ascd.msk.f32 $0xffff, v28, v28  }
0x116: {  	v31 =	vmax.f32 v31, v38;
	v24 =	vmin.f32 v60, v40;
	v28, _, _ =	vpop (xrf1);
	(xrf1) =	vsort.ascd.msk.f32 $0xffff, v26, v26  }
0x117: {  	v44 =	vmin.f32 v30, v24;
	v24 =	vmax.f32 v30, v24;
	v26, _, _ =	vpop (xrf1);
	(xrf1) =	vsort.ascd.msk.f32 $0xffff, v22, v22  }
0x118: {  	v45 =	vld.idx.msk [tilespmem:v3+s31+$0x0 ss:$0x1], $0xffff;
	v32 =	vmax.f32 v60, v40;
	v50 =	vmin.f32 v27, v63;
	v22, _, _ =	vpop (xrf1);
	(xrf1) =	vsort.ascd.msk.f32 $0xffff, v44, v44  }
0x119: {  	v46 =	vld.idx.msk [tilespmem:v3+s31+$0x80 ss:$0x1], $0xffff;
	v47 =	vmin.f32 v31, v32;
	v31 =	vmax.f32 v31, v32;
	v30, _, _ =	vpop (xrf1);
	(xrf1) =	vsort.ascd.msk.f32 $0xffff, v24, v24  }
0x11a: {  	v49 =	vld.idx.msk [tilespmem:v3+s31+$0xA0 ss:$0x1], $0xffff;
	v23 =	vmax.f32 v25, v23;
	v25 =	vmin.f32 v48, v50;
	v24, _, _ =	vpop (xrf1);
	(xrf1) =	vsort.ascd.msk.f32 $0xffff, v47, v47  }
0x11b: {  	v52 =	vld.idx.msk [tilespmem:v3+s31+$0xB0 ss:$0x1], $0xffff;
	v51, _, _ =	vpop (xrf1);
	(xrf1) =	vsort.ascd.msk.f32 $0xffff, v31, v31  }
0x11c: {  	v27 =	vmax.f32 v27, v63;
	v32 =	vmax.f32 v48, v50;
	v31, _, _ =	vpop (xrf1);
	(xrf1) =	vsort.ascd.msk.f32 $0xffff, v25, v25  }
0x11d: {  	v36 =	vmin.f32 v23, v27;
	v25, _, _ =	vpop (xrf1);
	(xrf1) =	vsort.ascd.msk.f32 $0xffff, v32, v32  }
0x11e: {  	v53 =	vsub.f32 $0.0e+00, v45;
	v54, _, _ =	vpop (xrf1);
	(xrf1) =	vsort.ascd.msk.f32 $0xffff, v36, v36  }
0x11f: {  	v34 =	vsub.f32 $0.0e+00, v46;
	v26 =	vsub.f32 $0.0e+00, v26;
	(xrf1) =	vsort.ascd.msk.f32 $0xffff, v49, v49;
	v55, _, _ =	vpop (xrf1)  }
0x120: {  	v56 =	vsub.f32 $0.0e+00, v52;
	(xrf1) =	vsort.ascd.msk.f32 $0xffff, v53, v53;
	v57, _, _ =	vpop (xrf1)  }
0x121: {  	v59 =	vmin.f32 v51, v26;
	v26 =	vmax.f32 v51, v26;
	(xrf1) =	vsort.ascd.msk.f32 $0xffff, v34, v34;
	v58, _, _ =	vpop (xrf1)  }
0x122: {  	v36 =	vsub.f32 $0.0e+00, v55;
	(xrf1) =	vsort.ascd.msk.f32 $0xffff, v56, v56;
	v60, _, _ =	vpop (xrf1)  }
0x123: {  	v23 =	vmax.f32 v23, v27;
	v32 =	vsub.f32 $0.0e+00, v57;
	(xrf1) =	vsort.ascd.msk.f32 $0xffff, v59, v59;
	v61, _, _ =	vpop (xrf1)  }
0x124: {  	v22 =	vsub.f32 $0.0e+00, v22;
	v10 =	vmax.f32 v10, v36;
	v45 =	vsub.f32 $0.0e+00, v60;
	(xrf1) =	vsort.ascd.msk.f32 $0xffff, v26, v26;
	v26, _, _ =	vpop (xrf1)  }
0x125: {  	v9 =	vmax.f32 v9, v32;
	v37 =	vsub.f32 $0.0e+00, v61;
	v27, _, _ =	vpop (xrf1);
	(xrf1) =	vsort.ascd.msk.f32 $0xffff, v23, v23;
	v23 =	vsub.f32 $0.0e+00, v30  }
0x126: {  	v30 =	vmin.f32 v25, v22;
	v22 =	vmax.f32 v25, v22;
	v25 =	vsub.f32 $0.0e+00, v54;
	v62, _, _ =	vpop (xrf1)  }
0x127: {  	v26 =	vsub.f32 $0.0e+00, v26;
	v7 =	vmax.f32 v7, v45;
	(xrf1) =	vsort.ascd.msk.f32 $0xffff, v30, v30;
	v6 =	vmax.f32 v6, v37;
	v63, _, _ =	vpop (xrf1)  }
0x128: {  	v24 =	vsub.f32 $0.0e+00, v24;
	v30 =	vmin.f32 v29, v23;
	(xrf1) =	vsort.ascd.msk.f32 $0xffff, v22, v22;
	v22 =	vmax.f32 v29, v23;
	v44, _, _ =	vpop (xrf1)  }
0x129: {  	v31 =	vsub.f32 $0.0e+00, v31;
	v11 =	vmax.f32 v11, v25;
	v5 =	vmax.f32 v5, v26;
	v23, _, _ =	vpop (xrf1);
	(xrf1) =	vsort.ascd.msk.f32 $0xffff, v30, v30  }
0x12a: {  	v29 =	vsub.f32 $0.0e+00, v58;
	v51 =	vmax.f32 v10, v6;
	v46, _, _ =	vpop (xrf1);
	(xrf1) =	vsort.ascd.msk.f32 $0xffff, v22, v22;
	v22 =	vmax.f32 v33, v24  }
0x12b: {  	v6 =	vmin.f32 v10, v6;
	v35 =	vsub.f32 $0.0e+00, v63;
	v30 =	vmin.f32 v33, v24;
	v47, _, _ =	vpop (xrf1)  }
0x12c: {  	v52 =	vmax.f32 v9, v5;
	v5 =	vmin.f32 v9, v5;
	v48 =	vsub.f32 $0.0e+00, v44;
	(xrf1) =	vsort.ascd.msk.f32 $0xffff, v30, v30;
	v49, _, _ =	vpop (xrf1)  }
0x12d: {  	v8 =	vmax.f32 v8, v29;
	v29 =	vmax.f32 v11, v7;
	v24 =	vsub.f32 $0.0e+00, v27;
	(xrf1) =	vsort.ascd.msk.f32 $0xffff, v22, v22;
	v22, _, _ =	vpop (xrf1)  }
0x12e: {  	v7 =	vmin.f32 v11, v7;
	v27 =	vsub.f32 $0.0e+00, v62;
	v30 =	vmin.f32 v28, v31;
	v41, _, _ =	vpop (xrf1)  }
0x12f: {  	v28 =	vmax.f32 v28, v31;
	v31 =	vsub.f32 $0.0e+00, v23;
	v38 =	vsub.f32 $0.0e+00, v46;
	v23, _, _ =	vpop (xrf1)  }
0x130: {  	v56 =	vmax.f32 v14, v48;
	v4 =	vmax.f32 v4, v24;
	v10 =	vmax.f32 v12, v27;
	v50, _, _ =	vpop (xrf1)  }
0x131: {  	v26 =	vsub.f32 $0.0e+00, v47;
	v53 =	vmax.f32 v8, v4;
	(xrf1) =	vsort.ascd.msk.f32 $0xffff, v30, v30;
	v30 =	vmax.f32 v29, v52;
	v24, _, _ =	vpop (xrf1)  }
0x132: {  	v57 =	vmax.f32 v15, v31;
	v58 =	vmax.f32 v16, v38;
	v54 =	vmax.f32 v51, v53;
	v25, _, _ =	vpop (xrf1)  }
0x133: {  	(xrf1) =	vsort.ascd.msk.f32 $0xffff, v28, v28;
	v28 =	vsub.f32 $0.0e+00, v49;
	v15 =	vmax.f32 v17, v26;
	v17 =	vmax.f32 v10, v58;
	v55, _, _ =	vpop (xrf1)  }
0x134: {  	v10 =	vmin.f32 v10, v58;
	v11 =	vmax.f32 v30, v54;
	v9 =	vsub.f32 $0.0e+00, v55  }
0x135: {  	(xrf1) =	vsort.ascd.msk.f32 $0xffff, v11, v11;
	v11 =	vmax.f32 v13, v35;
	v16 =	vmax.f32 v19, v28  }
0x136: {  	v19 =	vmax.f32 v56, v16;
	v12 =	vmin.f32 v56, v16;
	v9 =	vmax.f32 v18, v9  }
0x137: {  	v59 =	vmax.f32 v17, v19;
	v18 =	vmax.f32 v11, v15;
	v26 =	vmax.f32 v57, v9  }
0x138: {  	v11 =	vmin.f32 v11, v15;
	v9 =	vmin.f32 v57, v9;
	v27 =	vmax.f32 v18, v26  }
0x139: {  	v15 =	vmin.f32 v10, v12;
	v16 =	vmin.f32 v11, v9;
	v60 =	vmax.f32 v59, v27  }
0x13a: {  	v10 =	vmax.f32 v10, v12;
	v61 =	vmin.f32 v15, v16;
	(xrf1) =	vsort.ascd.msk.f32 $0xffff, v60, v60  }
0x13b: {  	v9 =	vmax.f32 v11, v9;
	v11 =	vmax.f32 v15, v16;
	(xrf1) =	vsort.ascd.msk.f32 $0xffff, v61, v61  }
0x13c: {  	v62 =	vmin.f32 v17, v19;
	v63 =	vmin.f32 v10, v9;
	(xrf1) =	vsort.ascd.msk.f32 $0xffff, v11, v11  }
0x13d: {  	v9 =	vmax.f32 v10, v9;
	v11 =	vmin.f32 v18, v26;
	(xrf1) =	vsort.ascd.msk.f32 $0xffff, v63, v63  }
0x13e: {  	v4 =	vmin.f32 v8, v4;
	v8 =	vmin.f32 v62, v11;
	(xrf1) =	vsort.ascd.msk.f32 $0xffff, v9, v9  }
0x13f: {  	v10 =	vmax.f32 v62, v11;
	v11 =	vmin.f32 v6, v4;
	(xrf1) =	vsort.ascd.msk.f32 $0xffff, v8, v8  }
0x140: {  	v16, _, _ =	vpop (xrf1);
	v9 =	vmin.f32 v7, v5;
	v8 =	vmin.f32 v59, v27;
	(xrf1) =	vsort.ascd.msk.f32 $0xffff, v10, v10  }
0x141: {  	v17, _, _ =	vpop (xrf1);
	v5 =	vmax.f32 v7, v5;
	v7 =	vmin.f32 v9, v11;
	(xrf1) =	vsort.ascd.msk.f32 $0xffff, v8, v8  }
0x142: {  	v4 =	vmax.f32 v6, v4;
	v27, _, _ =	vpop (xrf1);
	v6 =	vmax.f32 v9, v11;
	(xrf1) =	vsort.ascd.msk.f32 $0xffff, v7, v7  }
0x143: {  	v26, _, _ =	vpop (xrf1);
	v8 =	vmin.f32 v5, v4;
	v4 =	vmax.f32 v5, v4;
	(xrf1) =	vsort.ascd.msk.f32 $0xffff, v6, v6  }
0x144: {  	v18, _, _ =	vpop (xrf1);
	v7 =	vmin.f32 v29, v52;
	v6 =	vmin.f32 v51, v53;
	(xrf1) =	vsort.ascd.msk.f32 $0xffff, v8, v8  }
0x145: {  	v19, _, _ =	vpop (xrf1);
	v5 =	vmin.f32 v7, v6;
	(xrf1) =	vsort.ascd.msk.f32 $0xffff, v4, v4  }
0x146: {  	v29, _, _ =	vpop (xrf1);
	v4 =	vmax.f32 v7, v6;
	v6 =	vsub.f32 $0.0e+00, v20;
	(xrf1) =	vsort.ascd.msk.f32 $0xffff, v5, v5  }
0x147: {  	v28, _, _ =	vpop (xrf1);
	v7 =	vmin.f32 v30, v54;
	(xrf1) =	vsort.ascd.msk.f32 $0xffff, v4, v4  }
0x148: {  	v5, _, _ =	vpop (xrf1);
	(xrf1) =	vsort.ascd.msk.f32 $0xffff, v7, v7;
	v7 =	vmax.f32 v41, v6  }
0x149: {  	v8 =	vsub.f32 $0.0e+00, v50;
	v9 =	vmin.f32 v41, v6;
	v4, _, _ =	vpop (xrf1)  }
0x14a: {  	(xrf1) =	vsort.ascd.msk.f32 $0xffff, v9, v9;
	v6, _, _ =	vpop (xrf1)  }
0x14b: {  	s16 =	simm.s32 $0x2000;
	v10 =	vsub.f32 $0.0e+00, v21;
	v9 =	vmin.f32 v22, v8;
	(xrf1) =	vsort.ascd.msk.f32 $0xffff, v7, v7;
	v7, _, _ =	vpop (xrf1)  }
.LBB2_4:
0x14c: {  	s17 =	sshra.s32 s16, $0x2;
	p0 =	sne.s32 s16, $0x1E000;
	v11 =	vmax.f32 v22, v8;
	(xrf1) =	vsort.ascd.msk.f32 $0xffff, v9, v9;
	v8, _, _ =	vpop (xrf1)  }
0x14d: {  	v13 =	vld.idx.msk [tilespmem:v3+s17+$0x10 ss:$0x1], $0xffff;
	v12 =	vmin.f32 v23, v10;
	(xrf1) =	vsort.ascd.msk.f32 $0xffff, v11, v11;
	v9, _, _ =	vpop (xrf1)  }
0x14e: {  	v14 =	vmax.f32 v23, v10;
	(xrf1) =	vsort.ascd.msk.f32 $0xffff, v12, v12;
	v10, _, _ =	vpop (xrf1)  }
0x14f: {  	(xrf1) =	vsort.ascd.msk.f32 $0xffff, v14, v14;
	v11, _, _ =	vpop (xrf1)  }
0x150: {  	v20 =	vsub.f32 $0.0e+00, v24;
	v21 =	vsub.f32 $0.0e+00, v25;
	v12, _, _ =	vpop (xrf1)  }
0x151: {  	v14, _, _ =	vpop (xrf1)  }
0x152: {  	v22 =	vmin.f32 v18, v20;
	v23 =	vmin.f32 v19, v21;
	v15, _, _ =	vpop (xrf1)  }
0x153: {  	v25 =	vmin.f32 v22, v23;
	(xrf1) =	vsort.ascd.msk.f32 $0xffff, v13, v13;
	v13 =	vmax.f32 v18, v20;
	v20 =	vsub.f32 $0.0e+00, v16;
	v16, _, _ =	vpop (xrf1)  }
0x154: {  	v30 =	vmax.f32 v19, v21;
	v21 =	vmax.f32 v22, v23;
	v22 =	vsub.f32 $0.0e+00, v17;
	(xrf1) =	vsort.ascd.msk.f32 $0xffff, v25, v25;
	v17, _, _ =	vpop (xrf1)  }
0x155: {  	v23 =	vmin.f32 v13, v30;
	v24 =	vmin.f32 v29, v20;
	(xrf1) =	vsort.ascd.msk.f32 $0xffff, v21, v21;
	v18, _, _ =	vpop (xrf1)  }
0x156: {  	v13 =	vmax.f32 v13, v30;
	v30 =	vmin.f32 v28, v22;
	v21 =	vld.idx.msk [tilespmem:v3+s17+$0x20 ss:$0x1], $0xffff;
	(xrf1) =	vsort.ascd.msk.f32 $0xffff, v23, v23;
	v19, _, _ =	vpop (xrf1)  }
0x157: {  	v23 =	vsub.f32 $0.0e+00, v27;
	v27 =	vmax.f32 v29, v20;
	v29 =	vmin.f32 v24, v30;
	(xrf1) =	vsort.ascd.msk.f32 $0xffff, v13, v13;
	v20, _, _ =	vpop (xrf1)  }
0x158: {  	v22 =	vmax.f32 v28, v22;
	v24 =	vmax.f32 v24, v30;
	v13 =	vsub.f32 $0.0e+00, v26;
	v25, _, _ =	vpop (xrf1);
	(xrf1) =	vsort.ascd.msk.f32 $0xffff, v29, v29  }
0x159: {  	v32 =	vmin.f32 v27, v22;
	v26 =	vld.idx.msk [tilespmem:v3+s17+$0x40 ss:$0x1], $0xffff;
	v28 =	vmin.f32 v25, v23;
	v30, _, _ =	vpop (xrf1);
	(xrf1) =	vsort.ascd.msk.f32 $0xffff, v24, v24  }
0x15a: {  	v22 =	vmax.f32 v27, v22;
	v24 =	vld.idx.msk [tilespmem:v3+s17+$0x90 ss:$0x1], $0xffff;
	v31 =	vmin.f32 v30, v13;
	v27, _, _ =	vpop (xrf1);
	(xrf1) =	vsort.ascd.msk.f32 $0xffff, v32, v32  }
0x15b: {  	v23 =	vmax.f32 v25, v23;
	v32 =	vmin.f32 v28, v31;
	v27 =	vsub.f32 $0.0e+00, v27;
	v29, _, _ =	vpop (xrf1);
	(xrf1) =	vsort.ascd.msk.f32 $0xffff, v22, v22  }
0x15c: {  	v13 =	vmax.f32 v30, v13;
	v33 =	vmax.f32 v28, v31;
	v28 =	vsub.f32 $0.0e+00, v29;
	(xrf1) =	vsort.ascd.msk.f32 $0xffff, v32, v32;
	v25, _, _ =	vpop (xrf1)  }
0x15d: {  	v30 =	vmin.f32 v23, v13;
	v29 =	vld.idx.msk [tilespmem:v3+s17+$0xC0 ss:$0x1], $0xffff;
	v31 =	vmin.f32 v25, v27;
	(xrf1) =	vsort.ascd.msk.f32 $0xffff, v33, v33;
	v22, _, _ =	vpop (xrf1)  }
0x15e: {  	v13 =	vmax.f32 v23, v13;
	v32 =	vld.idx.msk [tilespmem:v3+s17+$0x30 ss:$0x1], $0xffff;
	v23 =	vmin.f32 v22, v28;
	(xrf1) =	vsort.ascd.msk.f32 $0xffff, v30, v30  }
0x15f: {  	v25 =	vmax.f32 v25, v27;
	v30 =	vld.idx.msk [tilespmem:v3+s17+$0x50 ss:$0x1], $0xffff;
	v27 =	vmin.f32 v31, v23;
	(xrf1) =	vsort.ascd.msk.f32 $0xffff, v13, v13  }
0x160: {  	v22 =	vmax.f32 v22, v28;
	v23 =	vmax.f32 v31, v23;
	v33 =	vld.idx.msk [tilespmem:v3+s17+$0x60 ss:$0x1], $0xffff;
	(xrf1) =	vsort.ascd.msk.f32 $0xffff, v27, v27  }
0x161: {  	v28 =	vmin.f32 v25, v22;
	v27 =	vld.idx.msk [tilespmem:v3+s17+$0x70 ss:$0x1], $0xffff;
	v13, _, _ =	vpop (xrf1);
	(xrf1) =	vsort.ascd.msk.f32 $0xffff, v23, v23  }
0x162: {  	v22 =	vmax.f32 v25, v22;
	v23 =	vld.idx.msk [tilespmem:v3+s17+$0xD0 ss:$0x1], $0xffff;
	v25, _, _ =	vpop (xrf1);
	(xrf1) =	vsort.ascd.msk.f32 $0xffff, v28, v28  }
0x163: {  	v28 =	vld.idx.msk [tilespmem:v3+s17+$0xF0 ss:$0x1], $0xffff;
	v31, _, _ =	vpop (xrf1);
	(xrf1) =	vsort.ascd.msk.f32 $0xffff, v22, v22  }
0x164: {  	v22 =	vld.idx.msk [tilespmem:v3+s17+$0xE0 ss:$0x1], $0xffff;
	(xrf1) =	vsort.ascd.msk.f32 $0xffff, v21, v21;
	v21, _, _ =	vpop (xrf1)  }
0x165: {  	(xrf1) =	vsort.ascd.msk.f32 $0xffff, v26, v26;
	v26, _, _ =	vpop (xrf1)  }
0x166: {  	(xrf1) =	vsort.ascd.msk.f32 $0xffff, v24, v24;
	v24, _, _ =	vpop (xrf1)  }
0x167: {  	(xrf1) =	vsort.ascd.msk.f32 $0xffff, v29, v29;
	v29, _, _ =	vpop (xrf1)  }
0x168: {  	v34 =	vsub.f32 $0.0e+00, v32;
	v30 =	vsub.f32 $0.0e+00, v30;
	(xrf1) =	vsort.ascd.msk.f32 $0xffff, v27, v27;
	v27, _, _ =	vpop (xrf1)  }
0x169: {  	v33 =	vsub.f32 $0.0e+00, v33;
	v23 =	vsub.f32 $0.0e+00, v23;
	(xrf1) =	vsort.ascd.msk.f32 $0xffff, v28, v28;
	v28, _, _ =	vpop (xrf1)  }
0x16a: {  	v25 =	vsub.f32 $0.0e+00, v25;
	v22 =	vsub.f32 $0.0e+00, v22;
	(xrf1) =	vsort.ascd.msk.f32 $0xffff, v34, v34;
	v32, _, _ =	vpop (xrf1)  }
0x16b: {  	v21 =	vsub.f32 $0.0e+00, v21;
	(xrf1) =	vsort.ascd.msk.f32 $0xffff, v30, v30;
	v30 =	vsub.f32 $0.0e+00, v31;
	v31, _, _ =	vpop (xrf1)  }
0x16c: {  	v26 =	vsub.f32 $0.0e+00, v26;
	(xrf1) =	vsort.ascd.msk.f32 $0xffff, v33, v33;
	v33 =	vsub.f32 $0.0e+00, v24;
	v24, _, _ =	vpop (xrf1)  }
0x16d: {  	v27 =	vsub.f32 $0.0e+00, v27;
	(xrf1) =	vsort.ascd.msk.f32 $0xffff, v23, v23;
	v23 =	vsub.f32 $0.0e+00, v29;
	v29, _, _ =	vpop (xrf1)  }
0x16e: {  	v28 =	vsub.f32 $0.0e+00, v28;
	v34 =	vmin.f32 v31, v30;
	(xrf1) =	vsort.ascd.msk.f32 $0xffff, v22, v22;
	v22 =	vmin.f32 v32, v25;
	v35, _, _ =	vpop (xrf1)  }
0x16f: {  	v36 =	vmin.f32 v24, v21;
	v37 =	vmin.f32 v29, v26;
	v25 =	vmax.f32 v32, v25;
	v32, _, _ =	vpop (xrf1)  }
0x170: {  	v30 =	vmax.f32 v31, v30;
	v31 =	vmax.f32 v24, v21;
	v26 =	vmax.f32 v29, v26;
	v21, _, _ =	vpop (xrf1)  }
0x171: {  	v29 =	vmin.f32 v35, v33;
	v38 =	vmin.f32 v32, v23;
	v39 =	vmin.f32 v21, v27;
	v40, _, _ =	vpop (xrf1)  }
0x172: {  	v33 =	vmax.f32 v35, v33;
	v32 =	vmax.f32 v32, v23;
	v24, _, _ =	vpop (xrf1);
	v41 =	vmin.f32 v40, v28  }
0x173: {  	v35 =	vmin.f32 v22, v36;
	v42 =	vmin.f32 v34, v37;
	v27 =	vmax.f32 v21, v27;
	v23, _, _ =	vpop (xrf1)  }
0x174: {  	v36 =	vmax.f32 v22, v36;
	v43 =	vmin.f32 v35, v42;
	v28 =	vmax.f32 v40, v28;
	v21, _, _ =	vpop (xrf1)  }
0x175: {  	v34 =	vmax.f32 v34, v37;
	v44 =	vmax.f32 v35, v42;
	v22, _, _ =	vpop (xrf1);
	(xrf1) =	vsort.ascd.msk.f32 $0xffff, v43, v43  }
0x176: {  	v42 =	vmin.f32 v25, v31;
	v43 =	vmin.f32 v36, v34;
	v37, _, _ =	vpop (xrf1);
	(xrf1) =	vsort.ascd.msk.f32 $0xffff, v44, v44  }
0x177: {  	v44 =	vmax.f32 v36, v34;
	v36 =	vmin.f32 v30, v26;
	v35, _, _ =	vpop (xrf1);
	(xrf1) =	vsort.ascd.msk.f32 $0xffff, v43, v43  }
0x178: {  	v25 =	vmax.f32 v25, v31;
	v43 =	vmin.f32 v42, v36;
	v40, _, _ =	vpop (xrf1);
	(xrf1) =	vsort.ascd.msk.f32 $0xffff, v44, v44  }
0x179: {  	v26 =	vmax.f32 v30, v26;
	v44 =	vmax.f32 v42, v36;
	v34, _, _ =	vpop (xrf1);
	(xrf1) =	vsort.ascd.msk.f32 $0xffff, v43, v43  }
0x17a: {  	v36 =	vmin.f32 v25, v26;
	v42 =	vmin.f32 v29, v39;
	v31, _, _ =	vpop (xrf1);
	(xrf1) =	vsort.ascd.msk.f32 $0xffff, v44, v44  }
0x17b: {  	v25 =	vmax.f32 v25, v26;
	v26 =	vmin.f32 v38, v41;
	v30, _, _ =	vpop (xrf1);
	(xrf1) =	vsort.ascd.msk.f32 $0xffff, v36, v36  }
0x17c: {  	v29 =	vmax.f32 v29, v39;
	v39 =	vmin.f32 v42, v26;
	v36 =	vld.idx.msk [tilespmem:v3+s17+$0x0 ss:$0x1], $0xffff;
	v43, _, _ =	vpop (xrf1);
	(xrf1) =	vsort.ascd.msk.f32 $0xffff, v25, v25  }
0x17d: {  	v38 =	vmax.f32 v38, v41;
	v26 =	vmax.f32 v42, v26;
	v25 =	vld.idx.msk [tilespmem:v3+s17+$0x80 ss:$0x1], $0xffff;
	(xrf1) =	vsort.ascd.msk.f32 $0xffff, v39, v39  }
0x17e: {  	v41 =	vmin.f32 v29, v38;
	v42 =	vmin.f32 v33, v27;
	v39 =	vld.idx.msk [tilespmem:v3+s17+$0xA0 ss:$0x1], $0xffff;
	(xrf1) =	vsort.ascd.msk.f32 $0xffff, v26, v26  }
0x17f: {  	v29 =	vmax.f32 v29, v38;
	v38 =	vmin.f32 v32, v28;
	v26 =	vld.idx.msk [tilespmem:v3+s17+$0xB0 ss:$0x1], $0xffff;
	(xrf1) =	vsort.ascd.msk.f32 $0xffff, v41, v41  }
0x180: {  	v27 =	vmax.f32 v33, v27;
	v33 =	vmin.f32 v42, v38;
	(xrf1) =	vsort.ascd.msk.f32 $0xffff, v29, v29  }
0x181: {  	v28 =	vmax.f32 v32, v28;
	v29 =	vmax.f32 v42, v38;
	(xrf1) =	vsort.ascd.msk.f32 $0xffff, v33, v33  }
0x182: {  	v38 =	vmin.f32 v27, v28;
	(xrf1) =	vsort.ascd.msk.f32 $0xffff, v29, v29  }
0x183: {  	v41 =	vsub.f32 $0.0e+00, v36;
	v33, _, _ =	vpop (xrf1);
	(xrf1) =	vsort.ascd.msk.f32 $0xffff, v38, v38  }
0x184: {  	v38 =	vsub.f32 $0.0e+00, v25;
	(xrf1) =	vsort.ascd.msk.f32 $0xffff, v39, v39;
	v32, _, _ =	vpop (xrf1)  }
0x185: {  	v42 =	vsub.f32 $0.0e+00, v37;
	v39 =	vsub.f32 $0.0e+00, v26;
	(xrf1) =	vsort.ascd.msk.f32 $0xffff, v41, v41;
	v29, _, _ =	vpop (xrf1)  }
0x186: {  	(xrf1) =	vsort.ascd.msk.f32 $0xffff, v38, v38;
	v25, _, _ =	vpop (xrf1)  }
0x187: {  	v37 =	vmin.f32 v31, v42;
	(xrf1) =	vsort.ascd.msk.f32 $0xffff, v39, v39;
	v26, _, _ =	vpop (xrf1)  }
0x188: {  	v31 =	vmax.f32 v31, v42;
	v39 =	vsub.f32 $0.0e+00, v35;
	(xrf1) =	vsort.ascd.msk.f32 $0xffff, v37, v37;
	v36, _, _ =	vpop (xrf1)  }
0x189: {  	v27 =	vmax.f32 v27, v28;
	(xrf1) =	vsort.ascd.msk.f32 $0xffff, v31, v31;
	v28, _, _ =	vpop (xrf1)  }
0x18a: {  	v40 =	vsub.f32 $0.0e+00, v40;
	v34 =	vsub.f32 $0.0e+00, v34;
	v37 =	vmin.f32 v43, v39;
	v38, _, _ =	vpop (xrf1);
	(xrf1) =	vsort.ascd.msk.f32 $0xffff, v27, v27  }
0x18b: {  	v33 =	vsub.f32 $0.0e+00, v33;
	v39 =	vmax.f32 v43, v39;
	v27 =	vsub.f32 $0.0e+00, v30;
	(xrf1) =	vsort.ascd.msk.f32 $0xffff, v37, v37;
	v35, _, _ =	vpop (xrf1)  }
0x18c: {  	v32 =	vsub.f32 $0.0e+00, v32;
	v29 =	vsub.f32 $0.0e+00, v29;
	v37 =	vmin.f32 v24, v40;
	(xrf1) =	vsort.ascd.msk.f32 $0xffff, v39, v39;
	v30, _, _ =	vpop (xrf1)  }
0x18d: {  	v25 =	vsub.f32 $0.0e+00, v25;
	v26 =	vsub.f32 $0.0e+00, v26;
	v24 =	vmax.f32 v24, v40;
	(xrf1) =	vsort.ascd.msk.f32 $0xffff, v37, v37;
	v31, _, _ =	vpop (xrf1)  }
0x18e: {  	v28 =	vsub.f32 $0.0e+00, v28;
	v39 =	vmin.f32 v23, v34;
	(xrf1) =	vsort.ascd.msk.f32 $0xffff, v24, v24;
	v24 =	vsub.f32 $0.0e+00, v36;
	v36, _, _ =	vpop (xrf1)  }
0x18f: {  	v40 =	vmax.f32 v23, v34;
	v34 =	vsub.f32 $0.0e+00, v38;
	v35 =	vsub.f32 $0.0e+00, v35;
	(xrf1) =	vsort.ascd.msk.f32 $0xffff, v39, v39;
	v37, _, _ =	vpop (xrf1)  }
0x190: {  	v38 =	vmin.f32 v22, v27;
	v31 =	vsub.f32 $0.0e+00, v31;
	v39 =	vsub.f32 $0.0e+00, v30;
	(xrf1) =	vsort.ascd.msk.f32 $0xffff, v40, v40;
	v23, _, _ =	vpop (xrf1)  }
0x191: {  	v27 =	vmax.f32 v22, v27;
	v36 =	vsub.f32 $0.0e+00, v36;
	v37 =	vsub.f32 $0.0e+00, v37;
	(xrf1) =	vsort.ascd.msk.f32 $0xffff, v38, v38;
	v30, _, _ =	vpop (xrf1)  }
0x192: {  	v38 =	vsub.f32 $0.0e+00, v23;
	v22, _, _ =	vpop (xrf1);
	(xrf1) =	vsort.ascd.msk.f32 $0xffff, v27, v27;
	v40 =	vsub.f32 $0.0e+00, v30  }
0x193: {  	v14 =	vmax.f32 v14, v33;
	v15 =	vmax.f32 v15, v32;
	v16 =	vmax.f32 v16, v29;
	v30, _, _ =	vpop (xrf1)  }
0x194: {  	v17 =	vmax.f32 v17, v25;
	v18 =	vmax.f32 v18, v26;
	v19 =	vmax.f32 v19, v24;
	v23, _, _ =	vpop (xrf1)  }
0x195: {  	v33 =	vmax.f32 v14, v18;
	v20 =	vmax.f32 v20, v28;
	v5 =	vmax.f32 v5, v34;
	v32, _, _ =	vpop (xrf1)  }
0x196: {  	v41 =	vmax.f32 v16, v20;
	v42 =	vmax.f32 v17, v5;
	v34 =	vmax.f32 v15, v19;
	v24, _, _ =	vpop (xrf1)  }
0x197: {  	v14 =	vmin.f32 v14, v18;
	v43 =	vmax.f32 v33, v41;
	v44 =	vmax.f32 v34, v42;
	v25, _, _ =	vpop (xrf1)  }
0x198: {  	v20 =	vmin.f32 v16, v20;
	v15 =	vmin.f32 v15, v19;
	v18 =	vmax.f32 v43, v44;
	v19, _, _ =	vpop (xrf1)  }
0x199: {  	v45 =	vmin.f32 v14, v20;
	v5 =	vmin.f32 v17, v5;
	v16, _, _ =	vpop (xrf1);
	v19 =	vsub.f32 $0.0e+00, v19;
	(xrf1) =	vsort.ascd.msk.f32 $0xffff, v18, v18  }
0x19a: {  	v6 =	vmax.f32 v6, v35;
	v8 =	vmax.f32 v8, v31;
	v7 =	vmax.f32 v7, v39;
	v17, _, _ =	vpop (xrf1)  }
0x19b: {  	v9 =	vmax.f32 v9, v36;
	v10 =	vmax.f32 v10, v37;
	v11 =	vmax.f32 v11, v38;
	v27, _, _ =	vpop (xrf1)  }
0x19c: {  	v31 =	vmax.f32 v6, v10;
	v12 =	vmax.f32 v12, v40;
	v4 =	vmax.f32 v4, v19;
	v26, _, _ =	vpop (xrf1)  }
0x19d: {  	v35 =	vmax.f32 v7, v11;
	v36 =	vmax.f32 v8, v12;
	v37 =	vmax.f32 v9, v4;
	v18, _, _ =	vpop (xrf1)  }
0x19e: {  	v6 =	vmin.f32 v6, v10;
	v10 =	vmax.f32 v31, v36;
	v38 =	vmax.f32 v35, v37;
	v19, _, _ =	vpop (xrf1)  }
0x19f: {  	v7 =	vmin.f32 v7, v11;
	v8 =	vmin.f32 v8, v12;
	v11 =	vmax.f32 v10, v38;
	v29, _, _ =	vpop (xrf1)  }
0x1a0: {  	v4 =	vmin.f32 v9, v4;
	v9 =	vmin.f32 v6, v8;
	v28, _, _ =	vpop (xrf1);
	(xrf1) =	vsort.ascd.msk.f32 $0xffff, v11, v11  }
0x1a1: {  	v6 =	vmax.f32 v6, v8;
	v11 =	vmin.f32 v7, v4;
	v4 =	vmax.f32 v7, v4  }
0x1a2: {  	v8 =	vmin.f32 v31, v36;
	v12 =	vmin.f32 v35, v37;
	v7 =	vmin.f32 v9, v11  }
0x1a3: {  	v9 =	vmax.f32 v9, v11;
	v11 =	vmin.f32 v6, v4;
	v4 =	vmax.f32 v6, v4  }
0x1a4: {  	v10 =	vmin.f32 v10, v38;
	v6 =	vmin.f32 v8, v12;
	v8 =	vmax.f32 v8, v12  }
0x1a5: {  	v14 =	vmax.f32 v14, v20;
	v12 =	vmin.f32 v15, v5;
	(xrf1) =	vsort.ascd.msk.f32 $0xffff, v7, v7  }
0x1a6: {  	v7 =	vmax.f32 v15, v5;
	v15 =	vmin.f32 v33, v41;
	(xrf1) =	vsort.ascd.msk.f32 $0xffff, v9, v9  }
0x1a7: {  	v20 =	vmin.f32 v34, v42;
	v9 =	vmin.f32 v45, v12;
	v5, _, _ =	vpop (xrf1);
	(xrf1) =	vsort.ascd.msk.f32 $0xffff, v11, v11  }
0x1a8: {  	v11 =	vmax.f32 v45, v12;
	v12 =	vmin.f32 v14, v7;
	(xrf1) =	vsort.ascd.msk.f32 $0xffff, v4, v4  }
0x1a9: {  	v7 =	vmax.f32 v14, v7;
	v14 =	vmin.f32 v15, v20;
	(xrf1) =	vsort.ascd.msk.f32 $0xffff, v6, v6  }
0x1aa: {  	v6 =	vmax.f32 v15, v20;
	v15 =	vmin.f32 v43, v44;
	(xrf1) =	vsort.ascd.msk.f32 $0xffff, v8, v8  }
0x1ab: {  	(xrf1) =	vsort.ascd.msk.f32 $0xffff, v10, v10  }
0x1ac: {  	(xrf1) =	vsort.ascd.msk.f32 $0xffff, v9, v9  }
0x1ad: {  	(xrf1) =	vsort.ascd.msk.f32 $0xffff, v11, v11  }
0x1ae: {  	(xrf1) =	vsort.ascd.msk.f32 $0xffff, v12, v12;
	v4, _, _ =	vpop (xrf1)  }
0x1af: {  	(xrf1) =	vsort.ascd.msk.f32 $0xffff, v7, v7  }
.Ltmp0:
0x1b0: {  	v7 =	vsub.f32 $0.0e+00, v13;
	(xrf1) =	vsort.ascd.msk.f32 $0xffff, v14, v14;
	(pc) =	sbr.rel @p0 .LBB2_4-.Ltmp0, $4  }
0x1b1: {  	(xrf1) =	vsort.ascd.msk.f32 $0xffff, v6, v6  }
0x1b2: {  	v8 =	vsub.f32 $0.0e+00, v32;
	v9 =	vmin.f32 v30, v7;
	(xrf1) =	vsort.ascd.msk.f32 $0xffff, v15, v15  }
0x1b3: {  	v11 =	vmax.f32 v30, v7;
	(xrf1) =	vsort.ascd.msk.f32 $0xffff, v9, v9;
	v6, _, _ =	vpop (xrf1)  }
0x1b4: {  	s16 =	sadd.s32 $0x1000, s16;
	v10 =	vsub.f32 $0.0e+00, v21;
	v9 =	vmin.f32 v22, v8;
	(xrf1) =	vsort.ascd.msk.f32 $0xffff, v11, v11;
	v7, _, _ =	vpop (xrf1)  }
0x1b5: {  	v8 =	vmax.f32 v22, v8;
	_ =	sdelay $0x1  }
0x1b6: {  	(xrf1) =	vsort.ascd.msk.f32 $0xffff, v9, v9;
	v3, _, _ =	vpop (xrf1)  }
0x1b7: {  	(xrf1) =	vsort.ascd.msk.f32 $0xffff, v8, v8;
	v8, _, _ =	vpop (xrf1)  }
0x1b8: {  	v37 =	vmin.f32 v23, v10;
	v9, _, _ =	vpop (xrf1)  }
0x1b9: {  	v14 =	vsub.f32 $0.0e+00, v24;
	v38 =	vmax.f32 v23, v10;
	(xrf1) =	vsort.ascd.msk.f32 $0xffff, v37, v37;
	v10, _, _ =	vpop (xrf1)  }
0x1ba: {  	v15 =	vsub.f32 $0.0e+00, v25;
	(xrf1) =	vsort.ascd.msk.f32 $0xffff, v38, v38;
	v11, _, _ =	vpop (xrf1)  }
0x1bb: {  	v12, _, _ =	vpop (xrf1)  }
0x1bc: {  	v41 =	vsub.f32 $0.0e+00, v16;
	v20 =	vmin.f32 v18, v14;
	v21 =	vmin.f32 v19, v15;
	v13, _, _ =	vpop (xrf1)  }
0x1bd: {  	v39 =	vmax.f32 v18, v14;
	v42 =	vmax.f32 v19, v15;
	v40 =	vmin.f32 v20, v21;
	v14, _, _ =	vpop (xrf1)  }
0x1be: {  	v44 =	vsub.f32 $0.0e+00, v17;
	v43 =	vmax.f32 v20, v21;
	v18 =	vmax.f32 v39, v42;
	(xrf1) =	vsort.ascd.msk.f32 $0xffff, v40, v40;
	v15, _, _ =	vpop (xrf1)  }
0x1bf: {  	v45 =	vmin.f32 v39, v42;
	(xrf1) =	vsort.ascd.msk.f32 $0xffff, v43, v43;
	v16, _, _ =	vpop (xrf1)  }
0x1c0: {  	v46 =	vmin.f32 v29, v41;
	v47 =	vmin.f32 v28, v44;
	(xrf1) =	vsort.ascd.msk.f32 $0xffff, v45, v45;
	v17, _, _ =	vpop (xrf1)  }
0x1c1: {  	v48 =	vsub.f32 $0.0e+00, v27;
	v23 =	vmax.f32 v29, v41;
	v49 =	vmin.f32 v46, v47;
	(xrf1) =	vsort.ascd.msk.f32 $0xffff, v18, v18;
	v18, _, _ =	vpop (xrf1)  }
0x1c2: {  	v50 =	vsub.f32 $0.0e+00, v26;
	v20 =	vmax.f32 v28, v44;
	v19 =	vmax.f32 v46, v47;
	v51, _, _ =	vpop (xrf1);
	(xrf1) =	vsort.ascd.msk.f32 $0xffff, v49, v49  }
0x1c3: {  	v53 =	vmin.f32 v23, v20;
	v20 =	vmax.f32 v23, v20;
	v54, _, _ =	vpop (xrf1);
	(xrf1) =	vsort.ascd.msk.f32 $0xffff, v19, v19  }
0x1c4: {  	v52 =	vmin.f32 v51, v48;
	v55 =	vmin.f32 v54, v50;
	v56, _, _ =	vpop (xrf1);
	(xrf1) =	vsort.ascd.msk.f32 $0xffff, v53, v53  }
0x1c5: {  	v21 =	vmax.f32 v51, v48;
	v57 =	vmin.f32 v52, v55;
	v58, _, _ =	vpop (xrf1);
	(xrf1) =	vsort.ascd.msk.f32 $0xffff, v20, v20  }
0x1c6: {  	v59 =	vmax.f32 v54, v50;
	v19 =	vmax.f32 v52, v55;
	(xrf1) =	vsort.ascd.msk.f32 $0xffff, v57, v57  }
0x1c7: {  	v25 =	vmin.f32 v21, v59;
	v61, _, _ =	vpop (xrf1);
	(xrf1) =	vsort.ascd.msk.f32 $0xffff, v19, v19  }
0x1c8: {  	v20 =	vmax.f32 v21, v59;
	v63, _, _ =	vpop (xrf1);
	(xrf1) =	vsort.ascd.msk.f32 $0xffff, v25, v25  }
0x1c9: {  	(xrf1) =	vsort.ascd.msk.f32 $0xffff, v20, v20  }
0x1ca: {  	v23 =	vsub.f32 $0.0e+00, v56;
	v60 =	vsub.f32 $0.0e+00, v58;
	_ =	sdelay $0x1  }
0x1cb: {  	v62 =	vmin.f32 v61, v23;
	v27 =	vmin.f32 v63, v60;
	v31, _, _ =	vpop (xrf1)  }
0x1cc: {  	v22 =	vmax.f32 v61, v23;
	v28 =	vmin.f32 v62, v27;
	v32, _, _ =	vpop (xrf1)  }
0x1cd: {  	v19 =	vmax.f32 v63, v60;
	v29 =	vmax.f32 v62, v27;
	(xrf1) =	vsort.ascd.msk.f32 $0xffff, v28, v28;
	v33, _, _ =	vpop (xrf1)  }
0x1ce: {  	v30 =	vmin.f32 v22, v19;
	(xrf1) =	vsort.ascd.msk.f32 $0xffff, v29, v29;
	v34, _, _ =	vpop (xrf1)  }
0x1cf: {  	v19 =	vmax.f32 v22, v19;
	(xrf1) =	vsort.ascd.msk.f32 $0xffff, v30, v30;
	v35, _, _ =	vpop (xrf1)  }
0x1d0: {  	(xrf1) =	vsort.ascd.msk.f32 $0xffff, v19, v19;
	v36, _, _ =	vpop (xrf1)  }
0x1d1: {  	v37, _, _ =	vpop (xrf1)  }
0x1d2: {  	v38, _, _ =	vpop (xrf1)  }
0x1d3: {  	v20 =	vsub.f32 $0.0e+00, v31;
	v39, _, _ =	vpop (xrf1)  }
0x1d4: {  	v21 =	vsub.f32 $0.0e+00, v32;
	v19 =	vsub.f32 $0.0e+00, v33;
	v40, _, _ =	vpop (xrf1)  }
0x1d5: {  	v22 =	vsub.f32 $0.0e+00, v34;
	v23 =	vsub.f32 $0.0e+00, v35;
	v41, _, _ =	vpop (xrf1)  }
0x1d6: {  	v31 =	vmin.f32 v39, v20;
	v20 =	vmax.f32 v39, v20;
	v32 =	vmin.f32 v40, v21;
	v30, _, _ =	vpop (xrf1)  }
0x1d7: {  	v21 =	vmax.f32 v40, v21;
	v34 =	vmin.f32 v41, v19;
	v35 =	vmin.f32 v30, v22  }
0x1d8: {  	v19 =	vmax.f32 v41, v19;
	v46 =	vmin.f32 v31, v34;
	v47 =	vmin.f32 v32, v35  }
0x1d9: {  	v22 =	vmax.f32 v30, v22;
	v48 =	vmax.f32 v31, v34;
	v49 =	vmin.f32 v46, v47  }
0x1da: {  	v32 =	vmax.f32 v32, v35;
	v27 =	vmax.f32 v46, v47;
	(xrf1) =	vsort.ascd.msk.f32 $0xffff, v49, v49  }
0x1db: {  	v33, _, _ =	vpop (xrf1);
	v51 =	vmin.f32 v20, v19;
	v50 =	vmin.f32 v48, v32;
	(xrf1) =	vsort.ascd.msk.f32 $0xffff, v27, v27  }
0x1dc: {  	v42, _, _ =	vpop (xrf1);
	v53 =	vmin.f32 v21, v22;
	v52 =	vmax.f32 v48, v32;
	(xrf1) =	vsort.ascd.msk.f32 $0xffff, v50, v50  }
0x1dd: {  	v43, _, _ =	vpop (xrf1);
	v54 =	vmin.f32 v51, v53;
	(xrf1) =	vsort.ascd.msk.f32 $0xffff, v52, v52  }
0x1de: {  	v25 =	vsub.f32 $0.0e+00, v37;
	v55 =	vmax.f32 v51, v53;
	v37, _, _ =	vpop (xrf1);
	(xrf1) =	vsort.ascd.msk.f32 $0xffff, v54, v54  }
0x1df: {  	v24 =	vsub.f32 $0.0e+00, v36;
	v26 =	vsub.f32 $0.0e+00, v38;
	(xrf1) =	vsort.ascd.msk.f32 $0xffff, v55, v55  }
0x1e0: {  	v19 =	vmax.f32 v20, v19;
	v44 =	vmin.f32 v33, v23;
	v23 =	vmax.f32 v33, v23  }
0x1e1: {  	v21 =	vmax.f32 v21, v22;
	v45 =	vmin.f32 v42, v24;
	v24 =	vmax.f32 v42, v24  }
0x1e2: {  	v56 =	vmin.f32 v19, v21;
	v19 =	vmax.f32 v19, v21;
	v36 =	vmin.f32 v43, v25  }
0x1e3: {  	v25 =	vmax.f32 v43, v25;
	v38 =	vmin.f32 v37, v26;
	(xrf1) =	vsort.ascd.msk.f32 $0xffff, v56, v56  }
0x1e4: {  	v57 =	vmin.f32 v44, v36;
	v58 =	vmin.f32 v45, v38;
	(xrf1) =	vsort.ascd.msk.f32 $0xffff, v19, v19  }
0x1e5: {  	v26 =	vmax.f32 v37, v26;
	v59 =	vmax.f32 v44, v36;
	v60 =	vmin.f32 v57, v58  }
0x1e6: {  	v61 =	vmax.f32 v45, v38;
	v21 =	vmax.f32 v57, v58;
	(xrf1) =	vsort.ascd.msk.f32 $0xffff, v60, v60  }
0x1e7: {  	v63 =	vmin.f32 v23, v25;
	v62 =	vmin.f32 v59, v61;
	(xrf1) =	vsort.ascd.msk.f32 $0xffff, v21, v21  }
0x1e8: {  	v30 =	vmin.f32 v24, v26;
	v19 =	vmax.f32 v59, v61;
	(xrf1) =	vsort.ascd.msk.f32 $0xffff, v62, v62;
	v32, _, _ =	vpop (xrf1)  }
0x1e9: {  	v34 =	vmax.f32 v23, v25;
	v31 =	vmin.f32 v63, v30;
	(xrf1) =	vsort.ascd.msk.f32 $0xffff, v19, v19;
	v33, _, _ =	vpop (xrf1)  }
0x1ea: {  	v35 =	vmax.f32 v24, v26;
	v20 =	vmax.f32 v63, v30;
	(xrf1) =	vsort.ascd.msk.f32 $0xffff, v31, v31;
	v36, _, _ =	vpop (xrf1)  }
0x1eb: {  	v25 =	vmin.f32 v34, v35;
	(xrf1) =	vsort.ascd.msk.f32 $0xffff, v20, v20;
	v37, _, _ =	vpop (xrf1)  }
0x1ec: {  	v22 =	vmax.f32 v34, v35;
	(xrf1) =	vsort.ascd.msk.f32 $0xffff, v25, v25;
	v38, _, _ =	vpop (xrf1)  }
0x1ed: {  	v39, _, _ =	vpop (xrf1);
	(xrf1) =	vsort.ascd.msk.f32 $0xffff, v22, v22;
	_ =	sdelay $0x1  }
0x1ee: {  	v19 =	vsub.f32 $0.0e+00, v32;
	v21 =	vsub.f32 $0.0e+00, v33  }
0x1ef: {  	v24 =	vsub.f32 $0.0e+00, v36;
	v20 =	vsub.f32 $0.0e+00, v37  }
0x1f0: {  	v12 =	vmax.f32 v12, v19;
	v13 =	vmax.f32 v13, v21;
	v25 =	vsub.f32 $0.0e+00, v38;
	v40, _, _ =	vpop (xrf1)  }
0x1f1: {  	v14 =	vmax.f32 v14, v24;
	v23 =	vsub.f32 $0.0e+00, v39;
	v15 =	vmax.f32 v15, v20;
	v41, _, _ =	vpop (xrf1)  }
0x1f2: {  	v22 =	vsub.f32 $0.0e+00, v40;
	v16 =	vmax.f32 v16, v25;
	v26 =	vsub.f32 $0.0e+00, v41  }
0x1f3: {  	v42, _, _ =	vpop (xrf1);
	v17 =	vmax.f32 v17, v23;
	v19 =	vmax.f32 v12, v16;
	v12 =	vmin.f32 v12, v16  }
0x1f4: {  	v43, _, _ =	vpop (xrf1);
	v27 =	vsub.f32 $0.0e+00, v42;
	v18 =	vmax.f32 v18, v22;
	v21 =	vmax.f32 v13, v17  }
0x1f5: {  	v13 =	vmin.f32 v13, v17;
	v44, _, _ =	vpop (xrf1);
	v28 =	vsub.f32 $0.0e+00, v43;
	v5 =	vmax.f32 v5, v26  }
0x1f6: {  	v22 =	vmax.f32 v14, v18;
	v14 =	vmin.f32 v14, v18;
	v45, _, _ =	vpop (xrf1);
	v29 =	vsub.f32 $0.0e+00, v44  }
0x1f7: {  	v48 =	vmax.f32 v15, v5;
	v50 =	vmax.f32 v19, v22;
	v6 =	vmax.f32 v6, v27;
	v46, _, _ =	vpop (xrf1)  }
0x1f8: {  	v30 =	vsub.f32 $0.0e+00, v45;
	v51 =	vmax.f32 v21, v48;
	v31 =	vsub.f32 $0.0e+00, v46;
	v47, _, _ =	vpop (xrf1)  }
0x1f9: {  	v7 =	vmax.f32 v7, v28;
	v52 =	vmax.f32 v50, v51;
	v3 =	vmax.f32 v3, v29;
	v49, _, _ =	vpop (xrf1)  }
0x1fa: {  	v9 =	vmax.f32 v9, v31;
	v20 =	vsub.f32 $0.0e+00, v47;
	v24 =	vsub.f32 $0.0e+00, v49;
	v53, _, _ =	vpop (xrf1)  }
0x1fb: {  	(xrf1) =	vsort.ascd.msk.f32 $0xffff, v52, v52;
	v8 =	vmax.f32 v8, v30;
	v55 =	vmax.f32 v6, v9;
	v54 =	vsub.f32 $0.0e+00, v53  }
0x1fc: {  	v6 =	vmin.f32 v6, v9;
	v10 =	vmax.f32 v10, v20;
	v11 =	vmax.f32 v11, v24  }
0x1fd: {  	v56 =	vmax.f32 v7, v10;
	v7 =	vmin.f32 v7, v10;
	v4 =	vmax.f32 v4, v54  }
0x1fe: {  	v57 =	vmax.f32 v3, v11;
	v3 =	vmin.f32 v3, v11;
	v58 =	vmax.f32 v8, v4  }
0x1ff: {  	v59 =	vmax.f32 v55, v57;
	v4 =	vmin.f32 v8, v4;
	v60 =	vmax.f32 v56, v58  }
0x200: {  	v62 =	vmin.f32 v6, v3;
	v63 =	vmin.f32 v7, v4;
	v61 =	vmax.f32 v59, v60  }
0x201: {  	v3 =	vmax.f32 v6, v3;
	v27 =	vmin.f32 v62, v63;
	(xrf1) =	vsort.ascd.msk.f32 $0xffff, v61, v61  }
0x202: {  	v4 =	vmax.f32 v7, v4;
	v28 =	vmax.f32 v62, v63;
	(xrf1) =	vsort.ascd.msk.f32 $0xffff, v27, v27  }
0x203: {  	v29 =	vmin.f32 v55, v57;
	v30 =	vmin.f32 v3, v4;
	(xrf1) =	vsort.ascd.msk.f32 $0xffff, v28, v28  }
0x204: {  	v31 =	vmin.f32 v56, v58;
	v3 =	vmax.f32 v3, v4;
	(xrf1) =	vsort.ascd.msk.f32 $0xffff, v30, v30  }
0x205: {  	v32 =	vmin.f32 v15, v5;
	v33 =	vmin.f32 v29, v31;
	(xrf1) =	vsort.ascd.msk.f32 $0xffff, v3, v3  }
0x206: {  	v35 =	vmin.f32 v13, v32;
	v6 =	vmax.f32 v29, v31;
	(xrf1) =	vsort.ascd.msk.f32 $0xffff, v33, v33  }
0x207: {  	v34 =	vmin.f32 v59, v60;
	v3 =	vmin.f32 v12, v14;
	(xrf1) =	vsort.ascd.msk.f32 $0xffff, v6, v6  }
0x208: {  	v36 =	vmax.f32 v12, v14;
	v37 =	vmin.f32 v3, v35;
	(xrf1) =	vsort.ascd.msk.f32 $0xffff, v34, v34  }
0x209: {  	v4 =	vmax.f32 v13, v32;
	v3 =	vmax.f32 v3, v35;
	(xrf1) =	vsort.ascd.msk.f32 $0xffff, v37, v37  }
0x20a: {  	v38 =	vmin.f32 v19, v22;
	v39 =	vmin.f32 v36, v4;
	(xrf1) =	vsort.ascd.msk.f32 $0xffff, v3, v3  }
0x20b: {  	v4 =	vmax.f32 v36, v4;
	v3 =	vmin.f32 v21, v48;
	(xrf1) =	vsort.ascd.msk.f32 $0xffff, v39, v39  }
0x20c: {  	v40 =	vmin.f32 v38, v3;
	v3 =	vmax.f32 v38, v3;
	(xrf1) =	vsort.ascd.msk.f32 $0xffff, v4, v4  }
0x20d: {  	(xrf1) =	vsort.ascd.msk.f32 $0xffff, v40, v40  }
0x20e: {  	v42 =	vmin.f32 v50, v51;
	v41, _, _ =	vpop (xrf1);
	(xrf1) =	vsort.ascd.msk.f32 $0xffff, v3, v3  }
0x20f: {  	v3, _, _ =	vpop (xrf1);
	(xrf1) =	vsort.ascd.msk.f32 $0xffff, v42, v42  }
0x210: {  	v43, _, _ =	vpop (xrf1)  }
0x211: {  	v44, _, _ =	vpop (xrf1)  }
0x212: {  	v45, _, _ =	vpop (xrf1)  }
0x213: {  	v46, _, _ =	vpop (xrf1)  }
0x214: {  	v47, _, _ =	vpop (xrf1)  }
0x215: {  	v48, _, _ =	vpop (xrf1)  }
0x216: {  	v49, _, _ =	vpop (xrf1)  }
0x217: {  	v50, _, _ =	vpop (xrf1)  }
0x218: {  	v51, _, _ =	vpop (xrf1)  }
0x219: {  	v52, _, _ =	vpop (xrf1)  }
0x21a: {  	v53, _, _ =	vpop (xrf1)  }
0x21b: {  	v54, _, _ =	vpop (xrf1)  }
0x21c: {  	v55, _, _ =	vpop (xrf1)  }
0x21d: {  	v4 =	vperm.xlane v41, v0;
	v56, _, _ =	vpop (xrf1)  }
0x21e: {  	v18 =	vperm.xlane v56, v0  }
0x21f: {  	[tilespmem:v2+s15+$0x0 ss:$0x1] =	vst.idx.msk $0xffff, v4;
	v57 =	vperm.xlane v55, v0  }
0x220: {  	v16 =	vperm.xlane v54, v0;
	[tilespmem:v2+s15+$0x10 ss:$0x1] =	vst.idx.msk $0xffff, v18  }
0x221: {  	v58 =	vperm.xlane v53, v0;
	[tilespmem:v2+s15+$0x20 ss:$0x1] =	vst.idx.msk $0xffff, v57  }
0x222: {  	v14 =	vperm.xlane v52, v0;
	[tilespmem:v2+s15+$0x30 ss:$0x1] =	vst.idx.msk $0xffff, v16  }
0x223: {  	v59 =	vperm.xlane v51, v0;
	[tilespmem:v2+s15+$0x40 ss:$0x1] =	vst.idx.msk $0xffff, v58  }
0x224: {  	v12 =	vperm.xlane v50, v0;
	[tilespmem:v2+s15+$0x50 ss:$0x1] =	vst.idx.msk $0xffff, v14  }
0x225: {  	v3 =	vperm.xlane v3, v0;
	[tilespmem:v2+s15+$0x60 ss:$0x1] =	vst.idx.msk $0xffff, v59  }
0x226: {  	v60 =	vperm.xlane v49, v0;
	[tilespmem:v2+s15+$0x70 ss:$0x1] =	vst.idx.msk $0xffff, v12  }
0x227: {  	[tilespmem:v2+s15+$0x80 ss:$0x1] =	vst.idx.msk $0xffff, v3;
	v3 =	vperm.xlane v48, v0  }
0x228: {  	s14 =	sadd.s32 $0x1, s14;
	v61 =	vperm.xlane v47, v0;
	[tilespmem:v2+s15+$0x90 ss:$0x1] =	vst.idx.msk $0xffff, v60  }
0x229: {  	p0 =	sne.s32 s14, $0x4;
	[tilespmem:v2+s15+$0xA0 ss:$0x1] =	vst.idx.msk $0xffff, v3;
	v3 =	vperm.xlane v46, v0  }
.Ltmp1:
0x22a: {  	v62 =	vperm.xlane v45, v0;
	[tilespmem:v2+s15+$0xB0 ss:$0x1] =	vst.idx.msk $0xffff, v61;
	(pc) =	sbr.rel @p0 .LBB2_3-.Ltmp1, $4  }
0x22b: {  	[tilespmem:v2+s15+$0xC0 ss:$0x1] =	vst.idx.msk $0xffff, v3;
	v3 =	vperm.xlane v44, v0  }
0x22c: {  	v63 =	vperm.xlane v43, v0;
	[tilespmem:v2+s15+$0xD0 ss:$0x1] =	vst.idx.msk $0xffff, v62  }
0x22d: {  	[tilespmem:v2+s15+$0xE0 ss:$0x1] =	vst.idx.msk $0xffff, v3  }
0x22e: {  	s13 =	sadd.s32 $0x100, s13;
	[tilespmem:v2+s15+$0xF0 ss:$0x1] =	vst.idx.msk $0xffff, v63  }
0x22f: {  	s12 =	sadd.s32 $0x1, s12  }
0x230: {  	p0 =	sne.s32 s12, $0x8  }
.Ltmp2:
0x231: {  	_ = 	snop;
	(pc) =	sbr.rel @p0 .LBB2_2-.Ltmp2, $1  }
0x232: {  	_ =	sdelay $0x3  }
0x233: {  	s11 =	sadd.s32 $0x1, s11  }
0x234: {  	p0 =	sne.s32 s11, s7  }
.Ltmp3:
0x235: {  	_ = 	snop;
	(pc) =	sbr.rel @p0 .LBB2_1-.Ltmp3, $4  }
0x236: {  	[hbm4b:s6+s3] =	stream.linear.scatter [tilespmem:s9], [sflag:$0x2], $0x2000, $0x38;
	[tilespmem:$0x12000] =	vst v63  }
0x237: {  	_ =	swait.ge [sflag:s10], $0x2000  }
0x238: {  	[sflag:s10] =	ssyncset.done $0x0  }
0x239: {  	[sflag:s10] =	ssyncadd.s32 $0xFFFFE000  }
0x23a: {  	_ =	sfence.sel $0x180000  }
0x23b: {  	[bflag:$0x0] =	sbarrier.arrive $0xFFFF  }
0x23c: {  	p0 =	sne.s32 s1, $0x0;
	_ =	strace $0x90000047  }
0x23d: {  	s0 =	sadd.s32 @!p0 $0x100000, s0;
	[bflag:$0x2] =	sbarrier.arrive $0xFFFF  }
0x23e: {  	[sflag:s0] =	ssyncadd.tile.s32 @!p0 $0x1;
	_ =	shalt  }
.Lfunc_end2:
_tile_overlayer_lowered:
.L_overlay_start_2:
0x23f: {  	(tag) =	ssettag $0x2  }
0x240: {  	s0 =	rddreg [dreg:$0x0];
	s2 =	stileid.u32  }
0x241: {  	s1 =	rddreg [dreg:$0x1];
	p0 =	sne.s32 s2, $0x0  }
0x242: {  	s3 =	rddreg [dreg:$0x2];
	[bflag:$0x3] =	sbarrier.arrive $0xFFFF;
	s2 =	simm.s32 @!p0 $0x1C02  }
0x243: {  	[timem:s3], [sflag:s2] =	dma.local @!p0 [hbm:s0], s1  }
0x244: {  	s0 =	simm.s32 @!p0 $0x2  }
0x245: {  	_ =	swait.ge @!p0 [sflag:s0], s1  }
0x246: {  	s1 =	ssub.s32 @!p0 $0x0, s1;
	[sflag:s0] =	ssyncset.done @!p0 $0x0  }
0x247: {  	[sflag:s0] =	ssyncadd.s32 @!p0 s1  }
0x248: {  	[bflag:$0x3] =	sbarrier.arrive $0xFFFF  }
0x249: {  	_ =	shalt  }

</sc_bundles>
